<compile_context>
chip_gen: v7x
topology: tpu7x:2x2x1
jax: 0.10.2.dev20260603
libtpu: 0.0.44.dev20260713+nightly
codegen_flags: <defaults>
</compile_context>

<pallas_src>
import jax
import jax.numpy as jnp
from jax import lax
from jax.experimental import pallas as pl
from jax.experimental.pallas import tpu as pltpu
from jax.experimental.pallas import tpu_sc as plsc

_SC_CORES = 2
_SC_SUBCORES = 16


def _ce_kernel(logits_ref, tgt_ref, loss_ref):
    x = logits_ref[...]
    t = tgt_ref[...]
    m = jnp.max(x, axis=0, keepdims=True)
    e = jnp.exp(x - m)
    s = jnp.sum(e, axis=0, keepdims=True)
    lse = m[0] + jnp.log(s[0])
    cls = jax.lax.broadcasted_iota(jnp.int32, x.shape, 0)
    tl = jnp.sum(jnp.where(cls == t[None], x, 0.0), axis=0)
    loss_ref[...] = lse - tl


def _sc_select_body(loss_hbm, tgt_hbm, out_hbm, loss_v, tgt_v, hist_c, out_v):
    n = loss_v.shape[0]
    nchunk = n // 16
    wid = lax.axis_index("s") * _SC_CORES + lax.axis_index("c")
    pltpu.sync_copy(loss_hbm.at[wid], loss_v)
    pltpu.sync_copy(tgt_hbm.at[wid], tgt_v)
    lane = lax.iota(jnp.int32, 16)
    zc = jnp.zeros((16,), jnp.int32)
    zs = jnp.zeros((16,), jnp.float32)
    one = jnp.ones((16,), jnp.int32)

    def zero_body(d):
        hist_c[pl.ds(d * 16, 16)] = zc

    plsc.parallel_loop(0, 512, 1, unroll=8)(zero_body)

    def pass_a(i, carry):
        cnt_acc, sum_acc = carry
        lv = loss_v[pl.ds(i * 16, 16)]
        tv = tgt_v[pl.ds(i * 16, 16)]
        m = tv > 0
        cnt_acc = cnt_acc + jnp.where(m, jnp.int32(1), jnp.int32(0))
        sum_acc = sum_acc + jnp.where(m, lv, jnp.float32(0.0))
        con = jnp.where(m, jnp.float32(0.0), jnp.maximum(lv, jnp.float32(0.0)))
        loss_v[pl.ds(i * 16, 16)] = con
        bits = plsc.bitcast(con, jnp.int32)
        idx = ((bits >> 22) << 4) + lane
        plsc.addupdate_scatter(hist_c, [idx], one)
        return cnt_acc, sum_acc

    cnt_acc, sum_acc = plsc.parallel_loop(
        0, nchunk, 1, unroll=8,
        carry=(jnp.zeros((16,), jnp.int32), jnp.zeros((16,), jnp.float32)),
        )(pass_a)
    pos_num = jnp.sum(cnt_acc)
    pos_sum = jnp.sum(sum_acc)
    k = jnp.minimum(3 * pos_num, n)

    def fill_level(shift, dmask, prefix, mask_shift):
        def body(i):
            cv = loss_v[pl.ds(i * 16, 16)]
            bits = plsc.bitcast(cv, jnp.int32)
            m = (bits >> mask_shift) == prefix
            idx = (((bits >> shift) & dmask) << 4) + lane
            plsc.addupdate_scatter(hist_c, [idx], one, mask=m)

        plsc.parallel_loop(0, nchunk, 1, unroll=8)(body)

    def scan_level(nbuckets, k_rem):
        nch = nbuckets // 16

        def chunk_body(j, carry):
            found, cstar, krem_c, cum = carry
            c = nch - 1 - j
            base = c * 256

            def acc_body(l, a):
                return a + hist_c[pl.ds(base + l * 16, 16)]

            cc = lax.fori_loop(0, 16, acc_body, zc, unroll=16)
            tot_c = jnp.sum(cc)
            newcum = cum + tot_c
            cross = jnp.logical_and(jnp.logical_not(found), newcum >= k_rem)
            cstar = jnp.where(cross, c, cstar)
            krem_c = jnp.where(cross, k_rem - cum, krem_c)
            found = jnp.logical_or(found, cross)
            return found, cstar, krem_c, newcum

        init = (jnp.bool_(False), jnp.int32(0), jnp.int32(0), jnp.int32(0))
        _, cstar, krem_c, _ = plsc.parallel_loop(
            0, nch, 1, unroll=4, carry=init)(chunk_body)

        def bucket_body(j, carry):
            found, dstar, krem_d, cum = carry
            d = cstar * 16 + (15 - j)
            c_d = jnp.sum(hist_c[pl.ds(d * 16, 16)])
            newcum = cum + c_d
            cross = jnp.logical_and(jnp.logical_not(found), newcum >= krem_c)
            dstar = jnp.where(cross, d, dstar)
            krem_d = jnp.where(cross, krem_c - cum, krem_d)
            found = jnp.logical_or(found, cross)
            return found, dstar, krem_d, newcum

        init = (jnp.bool_(False), jnp.int32(0), jnp.int32(0), jnp.int32(0))
        _, beta, krem, _ = lax.fori_loop(0, 16, bucket_body, init)
        return beta, krem

    beta1, krem = scan_level(512, k)
    plsc.parallel_loop(0, 512, 1, unroll=8)(zero_body)
    fill_level(13, 0x1FF, beta1, 22)
    beta2, krem = scan_level(512, krem)
    p2 = (beta1 << 9) | beta2
    plsc.parallel_loop(0, 512, 1, unroll=8)(zero_body)
    fill_level(4, 0x1FF, p2, 13)
    beta3, krem = scan_level(512, krem)
    p3 = (p2 << 9) | beta3
    plsc.parallel_loop(0, 16, 1, unroll=8)(zero_body)
    fill_level(0, 0xF, p3, 4)
    beta4, krem = scan_level(16, krem)
    t_bits = (p3 << 4) | beta4

    t_splat = jnp.full((16,), t_bits, jnp.int32)

    def pass_f(i, carry):
        sgt_acc, cgt_acc = carry
        cv = loss_v[pl.ds(i * 16, 16)]
        bits = plsc.bitcast(cv, jnp.int32)
        g = bits > t_splat
        sgt_acc = sgt_acc + jnp.where(g, cv, jnp.float32(0.0))
        cgt_acc = cgt_acc + jnp.where(g, jnp.int32(1), jnp.int32(0))
        return sgt_acc, cgt_acc

    sgt_acc, cgt_acc = plsc.parallel_loop(0, nchunk, 1, unroll=8,
                                          carry=(zs, zc))(pass_f)
    s_gt = jnp.sum(sgt_acc)
    cnt_gt = jnp.sum(cgt_acc)

    t_vec = plsc.bitcast(t_splat, jnp.float32)
    kr_vec = jnp.full((16,), k - cnt_gt, jnp.int32).astype(jnp.float32)
    tie = jnp.where(jnp.full((16,), k, jnp.int32) > 0,
                    t_vec * kr_vec, jnp.float32(0.0))
    out_v[...] = jnp.full((16,), pos_sum + s_gt, jnp.float32) + tie
    pltpu.sync_copy(out_v, out_hbm.at[wid])


def kernel(pred_loc, pred_bclass, true_loc_vec, true_bclass):
    del pred_loc, true_loc_vec
    b, c, n = pred_bclass.shape
    pb_t = jnp.transpose(pred_bclass, (1, 0, 2))

    rb = 8
    nb = 4096
    nt = pl.cdiv(n, nb)
    loss = pl.pallas_call(
        _ce_kernel,
        grid=(b // rb, nt),
        in_specs=[
            pl.BlockSpec((c, rb, nb), lambda i, j: (0, i, j)),
            pl.BlockSpec((rb, nb), lambda i, j: (i, j)),
        ],
        out_specs=pl.BlockSpec((rb, nb), lambda i, j: (i, j)),
        out_shape=jax.ShapeDtypeStruct((b, n), jnp.float32),
    )(pb_t, true_bclass)

    sc_select = pl.kernel(
        _sc_select_body,
        out_type=jax.ShapeDtypeStruct((b, 16), jnp.float32),
        mesh=plsc.VectorSubcoreMesh(
            core_axis_name="c", subcore_axis_name="s",
            num_cores=_SC_CORES, num_subcores=_SC_SUBCORES),
        scratch_types=[
            pltpu.VMEM((n,), jnp.float32),
            pltpu.VMEM((n,), jnp.int32),
            pltpu.VMEM((8192,), jnp.int32),
            pltpu.VMEM((16,), jnp.float32),
        ],
        compiler_params=pltpu.CompilerParams(needs_layout_passes=False),
    )
    out = sc_select(loss, true_bclass)
    return out[:, 0]

# --- scband reference (transcript-rebuilt; emitter-appended) ---
"""Pipeline reference for scband-detection-hard-mined-celoss-38508676776135 (READ-ONLY COPY).

The authoritative reference and input builder live on the scoring server;
editing this copy changes nothing except your own understanding.
"""

import jax, jax.numpy as jnp
import numpy as np

B, C, N = 32, 81, 20000

def setup_inputs(seed: int = 0) -> dict:
    key = jax.random.key(seed)
    k1, k2, k3, k4 = jax.random.split(key, 4)
    pred_loc = jax.random.normal(k1, (B, 4, N), dtype=jnp.float32)
    pred_bclass = jax.random.normal(k2, (B, C, N), dtype=jnp.float32)
    true_loc_vec = jax.random.normal(k3, (B, 4, N), dtype=jnp.float32)
    true_bclass = jax.random.randint(k4, (B, N), 0, C, dtype=jnp.int32)
    return {"pred_loc": pred_loc, "pred_bclass": pred_bclass, "true_loc_vec": true_loc_vec, "true_bclass": true_bclass}

def _per_element_ce(logits, targets):
    # logits: [B, C, N], targets: [B, N] -> loss [B, N] (reduce=False CE)
    lse = jax.scipy.special.logsumexp(logits, axis=1)  # [B, N]
    tgt_logit = jnp.take_along_axis(logits, targets[:, None, :], axis=1)[:, 0, :]  # [B, N]
    return lse - tgt_logit

def reference(pred_loc, pred_bclass, true_loc_vec, true_bclass):
    mask = true_bclass > 0                       # [B, N] bool
    pos_num = jnp.sum(mask, axis=1)              # [B]
    loss = _per_element_ce(pred_bclass, true_bclass)  # [B, N]
    con_neg = jnp.where(mask, 0.0, loss)         # zero-out positives
    con_idx = jnp.argsort(-con_neg, axis=1)      # descending sort indices
    con_rank = jnp.argsort(con_idx, axis=1)      # rank of each anchor's neg loss
    neg_num = jnp.minimum(3 * pos_num, mask.shape[1])[:, None]  # clamp at N
    neg_mask = con_rank < neg_num
    keep = jnp.logical_or(mask, neg_mask).astype(jnp.float32)
    hard_mined_loss = jnp.sum(loss * keep, axis=1)  # [B]
    return hard_mined_loss

if __name__ == "__main__":
    import jax
    _d = setup_inputs()
    print(jax.jit(kernel)(*tuple(_d.values())))

</pallas_src>

<mosaic_0001>
#map = affine_map<(d0, d1) -> (0, 0)>
module attributes {stable_mosaic.version = 14 : i64} {
  func.func @_sc_select_body(%arg0: i32, %arg1: i32, %arg2: memref<32x20000xf32, #tpu.memory_space<hbm>>, %arg3: memref<32x20000xi32, #tpu.memory_space<hbm>>, %arg4: memref<32x16xf32, #tpu.memory_space<hbm>>, %arg5: memref<20000xf32, #tpu.memory_space<vmem>>, %arg6: memref<20000xi32, #tpu.memory_space<vmem>>, %arg7: memref<8192xi32, #tpu.memory_space<vmem>>, %arg8: memref<16xf32, #tpu.memory_space<vmem>>) attributes {dimension_semantics = [#tpu.dimension_semantics<core_parallel>, #tpu.dimension_semantics<subcore_parallel>], iteration_bounds = array<i64: 2, 16>, scalar_prefetch = 0 : i64, scratch_operands = 4 : i64, tpu.core_type = #tpu.core_type<sc_vector_subcore>, window_params = [{transform_indices = #map}, {transform_indices = #map}, {transform_indices = #map}]} {
    %mul3A = arith.constant 2 : i32
    %mul3A_0 = arith.muli %arg1, %mul3A : i32
    %add3A = arith.addi %mul3A_0, %arg0 : i32
    "tpu.region"() ({
      %run_scoped3A = tpu.sem_alloc : memref<!tpu.dma_semaphore, #tpu.memory_space<semaphore_mem>>
      %dma_start3A = arith.constant 0 : i32
      %dma_start3A_145 = tpu.memref_slice %arg2[%add3A, %dma_start3A] : memref<32x20000xf32, #tpu.memory_space<hbm>> -> memref<1x20000xf32, #tpu.memory_space<hbm>>
      %dma_start3A_146 = tpu.memref_squeeze %dma_start3A_145 : memref<1x20000xf32, #tpu.memory_space<hbm>> -> memref<20000xf32, #tpu.memory_space<hbm>>
      %dma_start3A_147 = arith.constant 0 : i32
      %dma_start3A_148 = tpu.memref_slice %arg2[%add3A, %dma_start3A_147] : memref<32x20000xf32, #tpu.memory_space<hbm>> -> memref<1x20000xf32, #tpu.memory_space<hbm>>
      %dma_start3A_149 = tpu.memref_squeeze %dma_start3A_148 : memref<1x20000xf32, #tpu.memory_space<hbm>> -> memref<20000xf32, #tpu.memory_space<hbm>>
      tpu.enqueue_dma source(%dma_start3A_149 : memref<20000xf32, #tpu.memory_space<hbm>>) target(%arg5 : memref<20000xf32, #tpu.memory_space<vmem>>) target_semaphore(%run_scoped3A : memref<!tpu.dma_semaphore, #tpu.memory_space<semaphore_mem>>)
      %dma_wait3A = arith.constant 0 : i32
      %dma_wait3A_150 = tpu.memref_slice %arg2[%add3A, %dma_wait3A] : memref<32x20000xf32, #tpu.memory_space<hbm>> -> memref<1x20000xf32, #tpu.memory_space<hbm>>
      %dma_wait3A_151 = tpu.memref_squeeze %dma_wait3A_150 : memref<1x20000xf32, #tpu.memory_space<hbm>> -> memref<20000xf32, #tpu.memory_space<hbm>>
      %dma_wait3A_152 = arith.constant 0 : i32
      %dma_wait3A_153 = tpu.memref_slice %arg2[%add3A, %dma_wait3A_152] : memref<32x20000xf32, #tpu.memory_space<hbm>> -> memref<1x20000xf32, #tpu.memory_space<hbm>>
      %dma_wait3A_154 = tpu.memref_squeeze %dma_wait3A_153 : memref<1x20000xf32, #tpu.memory_space<hbm>> -> memref<20000xf32, #tpu.memory_space<hbm>>
      tpu.wait_dma2 semaphore(%run_scoped3A : memref<!tpu.dma_semaphore, #tpu.memory_space<semaphore_mem>>) src(%dma_wait3A_154 : memref<20000xf32, #tpu.memory_space<hbm>>) dst(%arg5 : memref<20000xf32, #tpu.memory_space<vmem>>)
      tpu.yield
    }) : () -> ()
    "tpu.region"() ({
      %run_scoped3A = tpu.sem_alloc : memref<!tpu.dma_semaphore, #tpu.memory_space<semaphore_mem>>
      %dma_start3A = arith.constant 0 : i32
      %dma_start3A_145 = tpu.memref_slice %arg3[%add3A, %dma_start3A] : memref<32x20000xi32, #tpu.memory_space<hbm>> -> memref<1x20000xi32, #tpu.memory_space<hbm>>
      %dma_start3A_146 = tpu.memref_squeeze %dma_start3A_145 : memref<1x20000xi32, #tpu.memory_space<hbm>> -> memref<20000xi32, #tpu.memory_space<hbm>>
      %dma_start3A_147 = arith.constant 0 : i32
      %dma_start3A_148 = tpu.memref_slice %arg3[%add3A, %dma_start3A_147] : memref<32x20000xi32, #tpu.memory_space<hbm>> -> memref<1x20000xi32, #tpu.memory_space<hbm>>
      %dma_start3A_149 = tpu.memref_squeeze %dma_start3A_148 : memref<1x20000xi32, #tpu.memory_space<hbm>> -> memref<20000xi32, #tpu.memory_space<hbm>>
      tpu.enqueue_dma source(%dma_start3A_149 : memref<20000xi32, #tpu.memory_space<hbm>>) target(%arg6 : memref<20000xi32, #tpu.memory_space<vmem>>) target_semaphore(%run_scoped3A : memref<!tpu.dma_semaphore, #tpu.memory_space<semaphore_mem>>)
      %dma_wait3A = arith.constant 0 : i32
      %dma_wait3A_150 = tpu.memref_slice %arg3[%add3A, %dma_wait3A] : memref<32x20000xi32, #tpu.memory_space<hbm>> -> memref<1x20000xi32, #tpu.memory_space<hbm>>
      %dma_wait3A_151 = tpu.memref_squeeze %dma_wait3A_150 : memref<1x20000xi32, #tpu.memory_space<hbm>> -> memref<20000xi32, #tpu.memory_space<hbm>>
      %dma_wait3A_152 = arith.constant 0 : i32
      %dma_wait3A_153 = tpu.memref_slice %arg3[%add3A, %dma_wait3A_152] : memref<32x20000xi32, #tpu.memory_space<hbm>> -> memref<1x20000xi32, #tpu.memory_space<hbm>>
      %dma_wait3A_154 = tpu.memref_squeeze %dma_wait3A_153 : memref<1x20000xi32, #tpu.memory_space<hbm>> -> memref<20000xi32, #tpu.memory_space<hbm>>
      tpu.wait_dma2 semaphore(%run_scoped3A : memref<!tpu.dma_semaphore, #tpu.memory_space<semaphore_mem>>) src(%dma_wait3A_154 : memref<20000xi32, #tpu.memory_space<hbm>>) dst(%arg6 : memref<20000xi32, #tpu.memory_space<vmem>>)
      tpu.yield
    }) : () -> ()
    %iota3A = tpu.iota {dimensions = array<i32: 0>} : vector<16xi32>
    %broadcast_in_dim3A = arith.constant 0 : i32
    %broadcast_in_dim3A_1 = vector.broadcast %broadcast_in_dim3A : i32 to vector<16xi32>
    %broadcast_in_dim3A_2 = arith.constant 0.000000e+00 : f32
    %broadcast_in_dim3A_3 = vector.broadcast %broadcast_in_dim3A_2 : f32 to vector<16xf32>
    %broadcast_in_dim3A_4 = arith.constant 1 : i32
    %broadcast_in_dim3A_5 = vector.broadcast %broadcast_in_dim3A_4 : i32 to vector<16xi32>
    %parallel_loop3A = arith.constant 0 : i32
    %parallel_loop3A_6 = arith.constant 512 : i32
    %parallel_loop3A_7 = arith.constant 1 : i32
    scf.for %parallel_loop3A_145 = %parallel_loop3A to %parallel_loop3A_6 step %parallel_loop3A_7  : i32 {
      %parallel_loop3A_146 = arith.constant 16 : i32
      %parallel_loop3A_147 = arith.muli %parallel_loop3A_145, %parallel_loop3A_146 : i32
      %parallel_loop3A_148 = arith.index_cast %parallel_loop3A_147 : i32 to index
      %parallel_loop3A_149 = tpu.vector_load %arg7[%parallel_loop3A_148] {strides = array<i32>} : memref<8192xi32, #tpu.memory_space<vmem>>, vector<16xi32>,
      tpu.vector_store %arg7[%parallel_loop3A_148], %broadcast_in_dim3A_1 {strides = array<i32>} : memref<8192xi32, #tpu.memory_space<vmem>>, vector<16xi32>,
    } {sc.loop_unroll_factor = 8 : i64, sc.parallel_access}
    %broadcast_in_dim3A_8 = arith.constant 0 : i32
    %broadcast_in_dim3A_9 = vector.broadcast %broadcast_in_dim3A_8 : i32 to vector<16xi32>
    %broadcast_in_dim3A_10 = arith.constant 0.000000e+00 : f32
    %broadcast_in_dim3A_11 = vector.broadcast %broadcast_in_dim3A_10 : f32 to vector<16xf32>
    %parallel_loop3A_12 = arith.constant 0 : i32
    %parallel_loop3A_13 = arith.constant 1250 : i32
    %parallel_loop3A_14 = arith.constant 1 : i32
    %parallel_loop3A_15:2 = scf.for %parallel_loop3A_145 = %parallel_loop3A_12 to %parallel_loop3A_13 step %parallel_loop3A_14 iter_args(%parallel_loop3A_146 = %broadcast_in_dim3A_9, %parallel_loop3A_147 = %broadcast_in_dim3A_11) -> (vector<16xi32>, vector<16xf32>)  : i32 {
      %parallel_loop3A_148 = arith.constant 16 : i32
      %parallel_loop3A_149 = arith.muli %parallel_loop3A_145, %parallel_loop3A_148 : i32
      %parallel_loop3A_150 = arith.index_cast %parallel_loop3A_149 : i32 to index
      %parallel_loop3A_151 = tpu.vector_load %arg5[%parallel_loop3A_150] {strides = array<i32>} : memref<20000xf32, #tpu.memory_space<vmem>>, vector<16xf32>,
      %parallel_loop3A_152 = arith.constant 16 : i32
      %parallel_loop3A_153 = arith.muli %parallel_loop3A_145, %parallel_loop3A_152 : i32
      %parallel_loop3A_154 = arith.index_cast %parallel_loop3A_153 : i32 to index
      %parallel_loop3A_155 = tpu.vector_load %arg6[%parallel_loop3A_154] {strides = array<i32>} : memref<20000xi32, #tpu.memory_space<vmem>>, vector<16xi32>,
      %parallel_loop3A_156 = arith.constant 0 : i32
      %parallel_loop3A_157 = vector.broadcast %parallel_loop3A_156 : i32 to vector<16xi32>
      %parallel_loop3A_158 = arith.cmpi sgt, %parallel_loop3A_155, %parallel_loop3A_157 : vector<16xi32>
      %parallel_loop3A_159 = arith.constant 1 : i32
      %parallel_loop3A_160 = arith.constant 0 : i32
      %parallel_loop3A_161 = vector.broadcast %parallel_loop3A_159 : i32 to vector<16xi32>
      %parallel_loop3A_162 = vector.broadcast %parallel_loop3A_160 : i32 to vector<16xi32>
      %parallel_loop3A_163 = arith.select %parallel_loop3A_158, %parallel_loop3A_161, %parallel_loop3A_162 : vector<16xi1>, vector<16xi32>
      %parallel_loop3A_164 = arith.addi %parallel_loop3A_146, %parallel_loop3A_163 : vector<16xi32>
      %parallel_loop3A_165 = arith.constant 0.000000e+00 : f32
      %parallel_loop3A_166 = vector.broadcast %parallel_loop3A_165 : f32 to vector<16xf32>
      %parallel_loop3A_167 = arith.select %parallel_loop3A_158, %parallel_loop3A_151, %parallel_loop3A_166 : vector<16xi1>, vector<16xf32>
      %parallel_loop3A_168 = arith.addf %parallel_loop3A_147, %parallel_loop3A_167 : vector<16xf32>
      %parallel_loop3A_169 = arith.constant 0.000000e+00 : f32
      %parallel_loop3A_170 = vector.broadcast %parallel_loop3A_169 : f32 to vector<16xf32>
      %parallel_loop3A_171 = arith.maximumf %parallel_loop3A_151, %parallel_loop3A_170 : vector<16xf32>
      %parallel_loop3A_172 = arith.constant 0.000000e+00 : f32
      %parallel_loop3A_173 = vector.broadcast %parallel_loop3A_172 : f32 to vector<16xf32>
      %parallel_loop3A_174 = arith.select %parallel_loop3A_158, %parallel_loop3A_173, %parallel_loop3A_171 : vector<16xi1>, vector<16xf32>
      %parallel_loop3A_175 = arith.constant 16 : i32
      %parallel_loop3A_176 = arith.muli %parallel_loop3A_145, %parallel_loop3A_175 : i32
      %parallel_loop3A_177 = arith.index_cast %parallel_loop3A_176 : i32 to index
      %parallel_loop3A_178 = tpu.vector_load %arg5[%parallel_loop3A_177] {strides = array<i32>} : memref<20000xf32, #tpu.memory_space<vmem>>, vector<16xf32>,
      tpu.vector_store %arg5[%parallel_loop3A_177], %parallel_loop3A_174 {strides = array<i32>} : memref<20000xf32, #tpu.memory_space<vmem>>, vector<16xf32>,
      %parallel_loop3A_179 = vector.bitcast %parallel_loop3A_174 : vector<16xf32> to vector<16xi32>
      %parallel_loop3A_180 = arith.constant 22 : i32
      %parallel_loop3A_181 = vector.broadcast %parallel_loop3A_180 : i32 to vector<16xi32>
      %parallel_loop3A_182 = arith.shrsi %parallel_loop3A_179, %parallel_loop3A_181 : vector<16xi32>
      %parallel_loop3A_183 = arith.constant 4 : i32
      %parallel_loop3A_184 = vector.broadcast %parallel_loop3A_183 : i32 to vector<16xi32>
      %parallel_loop3A_185 = arith.shli %parallel_loop3A_182, %parallel_loop3A_184 : vector<16xi32>
      %parallel_loop3A_186 = arith.addi %parallel_loop3A_185, %iota3A : vector<16xi32>
      tpu.vector_store_idx %arg7[%parallel_loop3A_186], %broadcast_in_dim3A_5 {add = true} : memref<8192xi32, #tpu.memory_space<vmem>>[vector<16xi32>], vector<16xi32>,
      scf.yield %parallel_loop3A_164, %parallel_loop3A_168 : vector<16xi32>, vector<16xf32>
    } {sc.loop_unroll_factor = 8 : i64, sc.parallel_access}
    %reduce_sum3A = arith.constant true
    %reduce_sum3A_16 = vector.broadcast %reduce_sum3A : i1 to vector<16xi1>
    %reduce_sum3A_17 = tpu.scan <sum>, %parallel_loop3A_15#0 masked %reduce_sum3A_16 : vector<16xi32>, vector<16xi1> -> vector<16xi32>
    %reduce_sum3A_18 = vector.extract %reduce_sum3A_17[15] : i32 from vector<16xi32>
    %reduce_sum3A_19 = arith.constant true
    %reduce_sum3A_20 = vector.broadcast %reduce_sum3A_19 : i1 to vector<16xi1>
    %reduce_sum3A_21 = tpu.scan <sum>, %parallel_loop3A_15#1 masked %reduce_sum3A_20 : vector<16xf32>, vector<16xi1> -> vector<16xf32>
    %reduce_sum3A_22 = vector.extract %reduce_sum3A_21[15] : f32 from vector<16xf32>
    %mul3A_23 = arith.constant 3 : i32
    %mul3A_24 = arith.muli %mul3A_23, %reduce_sum3A_18 : i32
    %min3A = arith.constant 20000 : i32
    %min3A_25 = arith.minsi %mul3A_24, %min3A : i32
    %parallel_loop3A_26 = arith.constant 0 : i32
    %parallel_loop3A_27 = arith.constant 32 : i32
    %parallel_loop3A_28 = arith.constant 1 : i32
    %parallel_loop3A_29 = arith.constant false
    %parallel_loop3A_30 = arith.constant 0 : i32
    %parallel_loop3A_31 = arith.constant 0 : i32
    %parallel_loop3A_32 = arith.constant 0 : i32
    %parallel_loop3A_33:4 = scf.for %parallel_loop3A_145 = %parallel_loop3A_26 to %parallel_loop3A_27 step %parallel_loop3A_28 iter_args(%parallel_loop3A_146 = %parallel_loop3A_29, %parallel_loop3A_147 = %parallel_loop3A_30, %parallel_loop3A_148 = %parallel_loop3A_31, %parallel_loop3A_149 = %parallel_loop3A_32) -> (i1, i32, i32, i32)  : i32 {
      %parallel_loop3A_150 = arith.constant 31 : i32
      %parallel_loop3A_151 = arith.subi %parallel_loop3A_150, %parallel_loop3A_145 : i32
      %parallel_loop3A_152 = arith.constant 256 : i32
      %parallel_loop3A_153 = arith.muli %parallel_loop3A_151, %parallel_loop3A_152 : i32
      %parallel_loop3A_154 = arith.constant 0 : i32
      %parallel_loop3A_155 = arith.constant 16 : i32
      %parallel_loop3A_156 = arith.muli %parallel_loop3A_154, %parallel_loop3A_155 : i32
      %parallel_loop3A_157 = arith.addi %parallel_loop3A_153, %parallel_loop3A_156 : i32
      %parallel_loop3A_158 = arith.index_cast %parallel_loop3A_157 : i32 to index
      %parallel_loop3A_159 = tpu.vector_load %arg7[%parallel_loop3A_158] {strides = array<i32>} : memref<8192xi32, #tpu.memory_space<vmem>>, vector<16xi32>,
      %parallel_loop3A_160 = arith.addi %broadcast_in_dim3A_1, %parallel_loop3A_159 : vector<16xi32>
      %parallel_loop3A_161 = arith.constant 1 : i32
      %parallel_loop3A_162 = arith.constant 16 : i32
      %parallel_loop3A_163 = arith.muli %parallel_loop3A_161, %parallel_loop3A_162 : i32
      %parallel_loop3A_164 = arith.addi %parallel_loop3A_153, %parallel_loop3A_163 : i32
      %parallel_loop3A_165 = arith.index_cast %parallel_loop3A_164 : i32 to index
      %parallel_loop3A_166 = tpu.vector_load %arg7[%parallel_loop3A_165] {strides = array<i32>} : memref<8192xi32, #tpu.memory_space<vmem>>, vector<16xi32>,
      %parallel_loop3A_167 = arith.addi %parallel_loop3A_160, %parallel_loop3A_166 : vector<16xi32>
      %parallel_loop3A_168 = arith.constant 2 : i32
      %parallel_loop3A_169 = arith.constant 16 : i32
      %parallel_loop3A_170 = arith.muli %parallel_loop3A_168, %parallel_loop3A_169 : i32
      %parallel_loop3A_171 = arith.addi %parallel_loop3A_153, %parallel_loop3A_170 : i32
      %parallel_loop3A_172 = arith.index_cast %parallel_loop3A_171 : i32 to index
      %parallel_loop3A_173 = tpu.vector_load %arg7[%parallel_loop3A_172] {strides = array<i32>} : memref<8192xi32, #tpu.memory_space<vmem>>, vector<16xi32>,
      %parallel_loop3A_174 = arith.addi %parallel_loop3A_167, %parallel_loop3A_173 : vector<16xi32>
      %parallel_loop3A_175 = arith.constant 3 : i32
      %parallel_loop3A_176 = arith.constant 16 : i32
      %parallel_loop3A_177 = arith.muli %parallel_loop3A_175, %parallel_loop3A_176 : i32
      %parallel_loop3A_178 = arith.addi %parallel_loop3A_153, %parallel_loop3A_177 : i32
      %parallel_loop3A_179 = arith.index_cast %parallel_loop3A_178 : i32 to index
      %parallel_loop3A_180 = tpu.vector_load %arg7[%parallel_loop3A_179] {strides = array<i32>} : memref<8192xi32, #tpu.memory_space<vmem>>, vector<16xi32>,
      %parallel_loop3A_181 = arith.addi %parallel_loop3A_174, %parallel_loop3A_180 : vector<16xi32>
      %parallel_loop3A_182 = arith.constant 4 : i32
      %parallel_loop3A_183 = arith.constant 16 : i32
      %parallel_loop3A_184 = arith.muli %parallel_loop3A_182, %parallel_loop3A_183 : i32
      %parallel_loop3A_185 = arith.addi %parallel_loop3A_153, %parallel_loop3A_184 : i32
      %parallel_loop3A_186 = arith.index_cast %parallel_loop3A_185 : i32 to index
      %parallel_loop3A_187 = tpu.vector_load %arg7[%parallel_loop3A_186] {strides = array<i32>} : memref<8192xi32, #tpu.memory_space<vmem>>, vector<16xi32>,
      %parallel_loop3A_188 = arith.addi %parallel_loop3A_181, %parallel_loop3A_187 : vector<16xi32>
      %parallel_loop3A_189 = arith.constant 5 : i32
      %parallel_loop3A_190 = arith.constant 16 : i32
      %parallel_loop3A_191 = arith.muli %parallel_loop3A_189, %parallel_loop3A_190 : i32
      %parallel_loop3A_192 = arith.addi %parallel_loop3A_153, %parallel_loop3A_191 : i32
      %parallel_loop3A_193 = arith.index_cast %parallel_loop3A_192 : i32 to index
      %parallel_loop3A_194 = tpu.vector_load %arg7[%parallel_loop3A_193] {strides = array<i32>} : memref<8192xi32, #tpu.memory_space<vmem>>, vector<16xi32>,
      %parallel_loop3A_195 = arith.addi %parallel_loop3A_188, %parallel_loop3A_194 : vector<16xi32>
      %parallel_loop3A_196 = arith.constant 6 : i32
      %parallel_loop3A_197 = arith.constant 16 : i32
      %parallel_loop3A_198 = arith.muli %parallel_loop3A_196, %parallel_loop3A_197 : i32
      %parallel_loop3A_199 = arith.addi %parallel_loop3A_153, %parallel_loop3A_198 : i32
      %parallel_loop3A_200 = arith.index_cast %parallel_loop3A_199 : i32 to index
      %parallel_loop3A_201 = tpu.vector_load %arg7[%parallel_loop3A_200] {strides = array<i32>} : memref<8192xi32, #tpu.memory_space<vmem>>, vector<16xi32>,
      %parallel_loop3A_202 = arith.addi %parallel_loop3A_195, %parallel_loop3A_201 : vector<16xi32>
      %parallel_loop3A_203 = arith.constant 7 : i32
      %parallel_loop3A_204 = arith.constant 16 : i32
      %parallel_loop3A_205 = arith.muli %parallel_loop3A_203, %parallel_loop3A_204 : i32
      %parallel_loop3A_206 = arith.addi %parallel_loop3A_153, %parallel_loop3A_205 : i32
      %parallel_loop3A_207 = arith.index_cast %parallel_loop3A_206 : i32 to index
      %parallel_loop3A_208 = tpu.vector_load %arg7[%parallel_loop3A_207] {strides = array<i32>} : memref<8192xi32, #tpu.memory_space<vmem>>, vector<16xi32>,
      %parallel_loop3A_209 = arith.addi %parallel_loop3A_202, %parallel_loop3A_208 : vector<16xi32>
      %parallel_loop3A_210 = arith.constant 8 : i32
      %parallel_loop3A_211 = arith.constant 16 : i32
      %parallel_loop3A_212 = arith.muli %parallel_loop3A_210, %parallel_loop3A_211 : i32
      %parallel_loop3A_213 = arith.addi %parallel_loop3A_153, %parallel_loop3A_212 : i32
      %parallel_loop3A_214 = arith.index_cast %parallel_loop3A_213 : i32 to index
      %parallel_loop3A_215 = tpu.vector_load %arg7[%parallel_loop3A_214] {strides = array<i32>} : memref<8192xi32, #tpu.memory_space<vmem>>, vector<16xi32>,
      %parallel_loop3A_216 = arith.addi %parallel_loop3A_209, %parallel_loop3A_215 : vector<16xi32>
      %parallel_loop3A_217 = arith.constant 9 : i32
      %parallel_loop3A_218 = arith.constant 16 : i32
      %parallel_loop3A_219 = arith.muli %parallel_loop3A_217, %parallel_loop3A_218 : i32
      %parallel_loop3A_220 = arith.addi %parallel_loop3A_153, %parallel_loop3A_219 : i32
      %parallel_loop3A_221 = arith.index_cast %parallel_loop3A_220 : i32 to index
      %parallel_loop3A_222 = tpu.vector_load %arg7[%parallel_loop3A_221] {strides = array<i32>} : memref<8192xi32, #tpu.memory_space<vmem>>, vector<16xi32>,
      %parallel_loop3A_223 = arith.addi %parallel_loop3A_216, %parallel_loop3A_222 : vector<16xi32>
      %parallel_loop3A_224 = arith.constant 10 : i32
      %parallel_loop3A_225 = arith.constant 16 : i32
      %parallel_loop3A_226 = arith.muli %parallel_loop3A_224, %parallel_loop3A_225 : i32
      %parallel_loop3A_227 = arith.addi %parallel_loop3A_153, %parallel_loop3A_226 : i32
      %parallel_loop3A_228 = arith.index_cast %parallel_loop3A_227 : i32 to index
      %parallel_loop3A_229 = tpu.vector_load %arg7[%parallel_loop3A_228] {strides = array<i32>} : memref<8192xi32, #tpu.memory_space<vmem>>, vector<16xi32>,
      %parallel_loop3A_230 = arith.addi %parallel_loop3A_223, %parallel_loop3A_229 : vector<16xi32>
      %parallel_loop3A_231 = arith.constant 11 : i32
      %parallel_loop3A_232 = arith.constant 16 : i32
      %parallel_loop3A_233 = arith.muli %parallel_loop3A_231, %parallel_loop3A_232 : i32
      %parallel_loop3A_234 = arith.addi %parallel_loop3A_153, %parallel_loop3A_233 : i32
      %parallel_loop3A_235 = arith.index_cast %parallel_loop3A_234 : i32 to index
      %parallel_loop3A_236 = tpu.vector_load %arg7[%parallel_loop3A_235] {strides = array<i32>} : memref<8192xi32, #tpu.memory_space<vmem>>, vector<16xi32>,
      %parallel_loop3A_237 = arith.addi %parallel_loop3A_230, %parallel_loop3A_236 : vector<16xi32>
      %parallel_loop3A_238 = arith.constant 12 : i32
      %parallel_loop3A_239 = arith.constant 16 : i32
      %parallel_loop3A_240 = arith.muli %parallel_loop3A_238, %parallel_loop3A_239 : i32
      %parallel_loop3A_241 = arith.addi %parallel_loop3A_153, %parallel_loop3A_240 : i32
      %parallel_loop3A_242 = arith.index_cast %parallel_loop3A_241 : i32 to index
      %parallel_loop3A_243 = tpu.vector_load %arg7[%parallel_loop3A_242] {strides = array<i32>} : memref<8192xi32, #tpu.memory_space<vmem>>, vector<16xi32>,
      %parallel_loop3A_244 = arith.addi %parallel_loop3A_237, %parallel_loop3A_243 : vector<16xi32>
      %parallel_loop3A_245 = arith.constant 13 : i32
      %parallel_loop3A_246 = arith.constant 16 : i32
      %parallel_loop3A_247 = arith.muli %parallel_loop3A_245, %parallel_loop3A_246 : i32
      %parallel_loop3A_248 = arith.addi %parallel_loop3A_153, %parallel_loop3A_247 : i32
      %parallel_loop3A_249 = arith.index_cast %parallel_loop3A_248 : i32 to index
      %parallel_loop3A_250 = tpu.vector_load %arg7[%parallel_loop3A_249] {strides = array<i32>} : memref<8192xi32, #tpu.memory_space<vmem>>, vector<16xi32>,
      %parallel_loop3A_251 = arith.addi %parallel_loop3A_244, %parallel_loop3A_250 : vector<16xi32>
      %parallel_loop3A_252 = arith.constant 14 : i32
      %parallel_loop3A_253 = arith.constant 16 : i32
      %parallel_loop3A_254 = arith.muli %parallel_loop3A_252, %parallel_loop3A_253 : i32
      %parallel_loop3A_255 = arith.addi %parallel_loop3A_153, %parallel_loop3A_254 : i32
      %parallel_loop3A_256 = arith.index_cast %parallel_loop3A_255 : i32 to index
      %parallel_loop3A_257 = tpu.vector_load %arg7[%parallel_loop3A_256] {strides = array<i32>} : memref<8192xi32, #tpu.memory_space<vmem>>, vector<16xi32>,
      %parallel_loop3A_258 = arith.addi %parallel_loop3A_251, %parallel_loop3A_257 : vector<16xi32>
      %parallel_loop3A_259 = arith.constant 15 : i32
      %parallel_loop3A_260 = arith.constant 16 : i32
      %parallel_loop3A_261 = arith.muli %parallel_loop3A_259, %parallel_loop3A_260 : i32
      %parallel_loop3A_262 = arith.addi %parallel_loop3A_153, %parallel_loop3A_261 : i32
      %parallel_loop3A_263 = arith.index_cast %parallel_loop3A_262 : i32 to index
      %parallel_loop3A_264 = tpu.vector_load %arg7[%parallel_loop3A_263] {strides = array<i32>} : memref<8192xi32, #tpu.memory_space<vmem>>, vector<16xi32>,
      %parallel_loop3A_265 = arith.addi %parallel_loop3A_258, %parallel_loop3A_264 : vector<16xi32>
      %parallel_loop3A_266 = arith.constant 16 : i32
      %parallel_loop3A_267 = arith.constant true
      %parallel_loop3A_268 = vector.broadcast %parallel_loop3A_267 : i1 to vector<16xi1>
      %parallel_loop3A_269 = tpu.scan <sum>, %parallel_loop3A_265 masked %parallel_loop3A_268 : vector<16xi32>, vector<16xi1> -> vector<16xi32>
      %parallel_loop3A_270 = vector.extract %parallel_loop3A_269[15] : i32 from vector<16xi32>
      %parallel_loop3A_271 = arith.addi %parallel_loop3A_149, %parallel_loop3A_270 : i32
      %parallel_loop3A_272 = arith.constant true
      %parallel_loop3A_273 = arith.xori %parallel_loop3A_146, %parallel_loop3A_272 : i1
      %parallel_loop3A_274 = arith.cmpi sge, %parallel_loop3A_271, %min3A_25 : i32
      %parallel_loop3A_275 = arith.andi %parallel_loop3A_273, %parallel_loop3A_274 : i1
      %parallel_loop3A_276 = arith.select %parallel_loop3A_275, %parallel_loop3A_151, %parallel_loop3A_147 : i32
      %parallel_loop3A_277 = arith.subi %min3A_25, %parallel_loop3A_149 : i32
      %parallel_loop3A_278 = arith.select %parallel_loop3A_275, %parallel_loop3A_277, %parallel_loop3A_148 : i32
      %parallel_loop3A_279 = arith.ori %parallel_loop3A_146, %parallel_loop3A_275 : i1
      scf.yield %parallel_loop3A_279, %parallel_loop3A_276, %parallel_loop3A_278, %parallel_loop3A_271 : i1, i32, i32, i32
    } {sc.loop_unroll_factor = 4 : i64, sc.parallel_access}
    %scan3A = arith.constant false
    %scan3A_34 = arith.constant 0 : i32
    %scan3A_35 = arith.constant 0 : i32
    %scan3A_36 = arith.constant 0 : i32
    %scan3A_37 = arith.constant 0 : i32
    %scan3A_38 = arith.constant 16 : i32
    %scan3A_39 = arith.addi %scan3A_37, %scan3A_38 : i32
    %scan3A_40 = arith.constant 1 : i32
    %scan3A_41:4 = scf.for %scan3A_145 = %scan3A_37 to %scan3A_39 step %scan3A_40 iter_args(%scan3A_146 = %scan3A, %scan3A_147 = %scan3A_34, %scan3A_148 = %scan3A_35, %scan3A_149 = %scan3A_36) -> (i1, i32, i32, i32)  : i32 {
      %mul3A_150 = arith.constant 16 : i32
      %mul3A_151 = arith.muli %parallel_loop3A_33#1, %mul3A_150 : i32
      %sub3A_152 = arith.constant 15 : i32
      %sub3A_153 = arith.subi %sub3A_152, %scan3A_145 : i32
      %add3A_154 = arith.addi %mul3A_151, %sub3A_153 : i32
      %mul3A_155 = arith.constant 16 : i32
      %mul3A_156 = arith.muli %add3A_154, %mul3A_155 : i32
      %get3A = arith.index_cast %mul3A_156 : i32 to index
      %get3A_157 = tpu.vector_load %arg7[%get3A] {strides = array<i32>} : memref<8192xi32, #tpu.memory_space<vmem>>, vector<16xi32>,
      %reduce_sum3A_158 = arith.constant true
      %reduce_sum3A_159 = vector.broadcast %reduce_sum3A_158 : i1 to vector<16xi1>
      %reduce_sum3A_160 = tpu.scan <sum>, %get3A_157 masked %reduce_sum3A_159 : vector<16xi32>, vector<16xi1> -> vector<16xi32>
      %reduce_sum3A_161 = vector.extract %reduce_sum3A_160[15] : i32 from vector<16xi32>
      %add3A_162 = arith.addi %scan3A_149, %reduce_sum3A_161 : i32
      %not3A = arith.constant true
      %not3A_163 = arith.xori %scan3A_146, %not3A : i1
      %ge3A = arith.cmpi sge, %add3A_162, %parallel_loop3A_33#2 : i32
      %and3A = arith.andi %not3A_163, %ge3A : i1
      %select_n3A_164 = arith.select %and3A, %add3A_154, %scan3A_147 : i32
      %sub3A_165 = arith.subi %parallel_loop3A_33#2, %scan3A_149 : i32
      %select_n3A_166 = arith.select %and3A, %sub3A_165, %scan3A_148 : i32
      %or3A_167 = arith.ori %scan3A_146, %and3A : i1
      scf.yield %or3A_167, %select_n3A_164, %select_n3A_166, %add3A_162 : i1, i32, i32, i32
    }
    %scan3A_42 = arith.constant 16 : i32
    %parallel_loop3A_43 = arith.constant 0 : i32
    %parallel_loop3A_44 = arith.constant 512 : i32
    %parallel_loop3A_45 = arith.constant 1 : i32
    scf.for %parallel_loop3A_145 = %parallel_loop3A_43 to %parallel_loop3A_44 step %parallel_loop3A_45  : i32 {
      %parallel_loop3A_146 = arith.constant 16 : i32
      %parallel_loop3A_147 = arith.muli %parallel_loop3A_145, %parallel_loop3A_146 : i32
      %parallel_loop3A_148 = arith.index_cast %parallel_loop3A_147 : i32 to index
      %parallel_loop3A_149 = tpu.vector_load %arg7[%parallel_loop3A_148] {strides = array<i32>} : memref<8192xi32, #tpu.memory_space<vmem>>, vector<16xi32>,
      tpu.vector_store %arg7[%parallel_loop3A_148], %broadcast_in_dim3A_1 {strides = array<i32>} : memref<8192xi32, #tpu.memory_space<vmem>>, vector<16xi32>,
    } {sc.loop_unroll_factor = 8 : i64, sc.parallel_access}
    %parallel_loop3A_46 = arith.constant 0 : i32
    %parallel_loop3A_47 = arith.constant 1250 : i32
    %parallel_loop3A_48 = arith.constant 1 : i32
    scf.for %parallel_loop3A_145 = %parallel_loop3A_46 to %parallel_loop3A_47 step %parallel_loop3A_48  : i32 {
      %parallel_loop3A_146 = arith.constant 16 : i32
      %parallel_loop3A_147 = arith.muli %parallel_loop3A_145, %parallel_loop3A_146 : i32
      %parallel_loop3A_148 = arith.index_cast %parallel_loop3A_147 : i32 to index
      %parallel_loop3A_149 = tpu.vector_load %arg5[%parallel_loop3A_148] {strides = array<i32>} : memref<20000xf32, #tpu.memory_space<vmem>>, vector<16xf32>,
      %parallel_loop3A_150 = vector.bitcast %parallel_loop3A_149 : vector<16xf32> to vector<16xi32>
      %parallel_loop3A_151 = arith.constant 22 : i32
      %parallel_loop3A_152 = vector.broadcast %parallel_loop3A_151 : i32 to vector<16xi32>
      %parallel_loop3A_153 = arith.shrsi %parallel_loop3A_150, %parallel_loop3A_152 : vector<16xi32>
      %parallel_loop3A_154 = vector.broadcast %scan3A_41#1 : i32 to vector<16xi32>
      %parallel_loop3A_155 = arith.cmpi eq, %parallel_loop3A_153, %parallel_loop3A_154 : vector<16xi32>
      %parallel_loop3A_156 = arith.constant 13 : i32
      %parallel_loop3A_157 = vector.broadcast %parallel_loop3A_156 : i32 to vector<16xi32>
      %parallel_loop3A_158 = arith.shrsi %parallel_loop3A_150, %parallel_loop3A_157 : vector<16xi32>
      %parallel_loop3A_159 = arith.constant 511 : i32
      %parallel_loop3A_160 = vector.broadcast %parallel_loop3A_159 : i32 to vector<16xi32>
      %parallel_loop3A_161 = arith.andi %parallel_loop3A_158, %parallel_loop3A_160 : vector<16xi32>
      %parallel_loop3A_162 = arith.constant 4 : i32
      %parallel_loop3A_163 = vector.broadcast %parallel_loop3A_162 : i32 to vector<16xi32>
      %parallel_loop3A_164 = arith.shli %parallel_loop3A_161, %parallel_loop3A_163 : vector<16xi32>
      %parallel_loop3A_165 = arith.addi %parallel_loop3A_164, %iota3A : vector<16xi32>
      tpu.vector_store_idx %arg7[%parallel_loop3A_165], %broadcast_in_dim3A_5 masked %parallel_loop3A_155 {add = true} : memref<8192xi32, #tpu.memory_space<vmem>>[vector<16xi32>], vector<16xi32>, vector<16xi1>
    } {sc.loop_unroll_factor = 8 : i64, sc.parallel_access}
    %parallel_loop3A_49 = arith.constant 0 : i32
    %parallel_loop3A_50 = arith.constant 32 : i32
    %parallel_loop3A_51 = arith.constant 1 : i32
    %parallel_loop3A_52 = arith.constant false
    %parallel_loop3A_53 = arith.constant 0 : i32
    %parallel_loop3A_54 = arith.constant 0 : i32
    %parallel_loop3A_55 = arith.constant 0 : i32
    %parallel_loop3A_56:4 = scf.for %parallel_loop3A_145 = %parallel_loop3A_49 to %parallel_loop3A_50 step %parallel_loop3A_51 iter_args(%parallel_loop3A_146 = %parallel_loop3A_52, %parallel_loop3A_147 = %parallel_loop3A_53, %parallel_loop3A_148 = %parallel_loop3A_54, %parallel_loop3A_149 = %parallel_loop3A_55) -> (i1, i32, i32, i32)  : i32 {
      %parallel_loop3A_150 = arith.constant 31 : i32
      %parallel_loop3A_151 = arith.subi %parallel_loop3A_150, %parallel_loop3A_145 : i32
      %parallel_loop3A_152 = arith.constant 256 : i32
      %parallel_loop3A_153 = arith.muli %parallel_loop3A_151, %parallel_loop3A_152 : i32
      %parallel_loop3A_154 = arith.constant 0 : i32
      %parallel_loop3A_155 = arith.constant 16 : i32
      %parallel_loop3A_156 = arith.muli %parallel_loop3A_154, %parallel_loop3A_155 : i32
      %parallel_loop3A_157 = arith.addi %parallel_loop3A_153, %parallel_loop3A_156 : i32
      %parallel_loop3A_158 = arith.index_cast %parallel_loop3A_157 : i32 to index
      %parallel_loop3A_159 = tpu.vector_load %arg7[%parallel_loop3A_158] {strides = array<i32>} : memref<8192xi32, #tpu.memory_space<vmem>>, vector<16xi32>,
      %parallel_loop3A_160 = arith.addi %broadcast_in_dim3A_1, %parallel_loop3A_159 : vector<16xi32>
      %parallel_loop3A_161 = arith.constant 1 : i32
      %parallel_loop3A_162 = arith.constant 16 : i32
      %parallel_loop3A_163 = arith.muli %parallel_loop3A_161, %parallel_loop3A_162 : i32
      %parallel_loop3A_164 = arith.addi %parallel_loop3A_153, %parallel_loop3A_163 : i32
      %parallel_loop3A_165 = arith.index_cast %parallel_loop3A_164 : i32 to index
      %parallel_loop3A_166 = tpu.vector_load %arg7[%parallel_loop3A_165] {strides = array<i32>} : memref<8192xi32, #tpu.memory_space<vmem>>, vector<16xi32>,
      %parallel_loop3A_167 = arith.addi %parallel_loop3A_160, %parallel_loop3A_166 : vector<16xi32>
      %parallel_loop3A_168 = arith.constant 2 : i32
      %parallel_loop3A_169 = arith.constant 16 : i32
      %parallel_loop3A_170 = arith.muli %parallel_loop3A_168, %parallel_loop3A_169 : i32
      %parallel_loop3A_171 = arith.addi %parallel_loop3A_153, %parallel_loop3A_170 : i32
      %parallel_loop3A_172 = arith.index_cast %parallel_loop3A_171 : i32 to index
      %parallel_loop3A_173 = tpu.vector_load %arg7[%parallel_loop3A_172] {strides = array<i32>} : memref<8192xi32, #tpu.memory_space<vmem>>, vector<16xi32>,
      %parallel_loop3A_174 = arith.addi %parallel_loop3A_167, %parallel_loop3A_173 : vector<16xi32>
      %parallel_loop3A_175 = arith.constant 3 : i32
      %parallel_loop3A_176 = arith.constant 16 : i32
      %parallel_loop3A_177 = arith.muli %parallel_loop3A_175, %parallel_loop3A_176 : i32
      %parallel_loop3A_178 = arith.addi %parallel_loop3A_153, %parallel_loop3A_177 : i32
      %parallel_loop3A_179 = arith.index_cast %parallel_loop3A_178 : i32 to index
      %parallel_loop3A_180 = tpu.vector_load %arg7[%parallel_loop3A_179] {strides = array<i32>} : memref<8192xi32, #tpu.memory_space<vmem>>, vector<16xi32>,
      %parallel_loop3A_181 = arith.addi %parallel_loop3A_174, %parallel_loop3A_180 : vector<16xi32>
      %parallel_loop3A_182 = arith.constant 4 : i32
      %parallel_loop3A_183 = arith.constant 16 : i32
      %parallel_loop3A_184 = arith.muli %parallel_loop3A_182, %parallel_loop3A_183 : i32
      %parallel_loop3A_185 = arith.addi %parallel_loop3A_153, %parallel_loop3A_184 : i32
      %parallel_loop3A_186 = arith.index_cast %parallel_loop3A_185 : i32 to index
      %parallel_loop3A_187 = tpu.vector_load %arg7[%parallel_loop3A_186] {strides = array<i32>} : memref<8192xi32, #tpu.memory_space<vmem>>, vector<16xi32>,
      %parallel_loop3A_188 = arith.addi %parallel_loop3A_181, %parallel_loop3A_187 : vector<16xi32>
      %parallel_loop3A_189 = arith.constant 5 : i32
      %parallel_loop3A_190 = arith.constant 16 : i32
      %parallel_loop3A_191 = arith.muli %parallel_loop3A_189, %parallel_loop3A_190 : i32
      %parallel_loop3A_192 = arith.addi %parallel_loop3A_153, %parallel_loop3A_191 : i32
      %parallel_loop3A_193 = arith.index_cast %parallel_loop3A_192 : i32 to index
      %parallel_loop3A_194 = tpu.vector_load %arg7[%parallel_loop3A_193] {strides = array<i32>} : memref<8192xi32, #tpu.memory_space<vmem>>, vector<16xi32>,
      %parallel_loop3A_195 = arith.addi %parallel_loop3A_188, %parallel_loop3A_194 : vector<16xi32>
      %parallel_loop3A_196 = arith.constant 6 : i32
      %parallel_loop3A_197 = arith.constant 16 : i32
      %parallel_loop3A_198 = arith.muli %parallel_loop3A_196, %parallel_loop3A_197 : i32
      %parallel_loop3A_199 = arith.addi %parallel_loop3A_153, %parallel_loop3A_198 : i32
      %parallel_loop3A_200 = arith.index_cast %parallel_loop3A_199 : i32 to index
      %parallel_loop3A_201 = tpu.vector_load %arg7[%parallel_loop3A_200] {strides = array<i32>} : memref<8192xi32, #tpu.memory_space<vmem>>, vector<16xi32>,
      %parallel_loop3A_202 = arith.addi %parallel_loop3A_195, %parallel_loop3A_201 : vector<16xi32>
      %parallel_loop3A_203 = arith.constant 7 : i32
      %parallel_loop3A_204 = arith.constant 16 : i32
      %parallel_loop3A_205 = arith.muli %parallel_loop3A_203, %parallel_loop3A_204 : i32
      %parallel_loop3A_206 = arith.addi %parallel_loop3A_153, %parallel_loop3A_205 : i32
      %parallel_loop3A_207 = arith.index_cast %parallel_loop3A_206 : i32 to index
      %parallel_loop3A_208 = tpu.vector_load %arg7[%parallel_loop3A_207] {strides = array<i32>} : memref<8192xi32, #tpu.memory_space<vmem>>, vector<16xi32>,
      %parallel_loop3A_209 = arith.addi %parallel_loop3A_202, %parallel_loop3A_208 : vector<16xi32>
      %parallel_loop3A_210 = arith.constant 8 : i32
      %parallel_loop3A_211 = arith.constant 16 : i32
      %parallel_loop3A_212 = arith.muli %parallel_loop3A_210, %parallel_loop3A_211 : i32
      %parallel_loop3A_213 = arith.addi %parallel_loop3A_153, %parallel_loop3A_212 : i32
      %parallel_loop3A_214 = arith.index_cast %parallel_loop3A_213 : i32 to index
      %parallel_loop3A_215 = tpu.vector_load %arg7[%parallel_loop3A_214] {strides = array<i32>} : memref<8192xi32, #tpu.memory_space<vmem>>, vector<16xi32>,
      %parallel_loop3A_216 = arith.addi %parallel_loop3A_209, %parallel_loop3A_215 : vector<16xi32>
      %parallel_loop3A_217 = arith.constant 9 : i32
      %parallel_loop3A_218 = arith.constant 16 : i32
      %parallel_loop3A_219 = arith.muli %parallel_loop3A_217, %parallel_loop3A_218 : i32
      %parallel_loop3A_220 = arith.addi %parallel_loop3A_153, %parallel_loop3A_219 : i32
      %parallel_loop3A_221 = arith.index_cast %parallel_loop3A_220 : i32 to index
      %parallel_loop3A_222 = tpu.vector_load %arg7[%parallel_loop3A_221] {strides = array<i32>} : memref<8192xi32, #tpu.memory_space<vmem>>, vector<16xi32>,
      %parallel_loop3A_223 = arith.addi %parallel_loop3A_216, %parallel_loop3A_222 : vector<16xi32>
      %parallel_loop3A_224 = arith.constant 10 : i32
      %parallel_loop3A_225 = arith.constant 16 : i32
      %parallel_loop3A_226 = arith.muli %parallel_loop3A_224, %parallel_loop3A_225 : i32
      %parallel_loop3A_227 = arith.addi %parallel_loop3A_153, %parallel_loop3A_226 : i32
      %parallel_loop3A_228 = arith.index_cast %parallel_loop3A_227 : i32 to index
      %parallel_loop3A_229 = tpu.vector_load %arg7[%parallel_loop3A_228] {strides = array<i32>} : memref<8192xi32, #tpu.memory_space<vmem>>, vector<16xi32>,
      %parallel_loop3A_230 = arith.addi %parallel_loop3A_223, %parallel_loop3A_229 : vector<16xi32>
      %parallel_loop3A_231 = arith.constant 11 : i32
      %parallel_loop3A_232 = arith.constant 16 : i32
      %parallel_loop3A_233 = arith.muli %parallel_loop3A_231, %parallel_loop3A_232 : i32
      %parallel_loop3A_234 = arith.addi %parallel_loop3A_153, %parallel_loop3A_233 : i32
      %parallel_loop3A_235 = arith.index_cast %parallel_loop3A_234 : i32 to index
      %parallel_loop3A_236 = tpu.vector_load %arg7[%parallel_loop3A_235] {strides = array<i32>} : memref<8192xi32, #tpu.memory_space<vmem>>, vector<16xi32>,
      %parallel_loop3A_237 = arith.addi %parallel_loop3A_230, %parallel_loop3A_236 : vector<16xi32>
      %parallel_loop3A_238 = arith.constant 12 : i32
      %parallel_loop3A_239 = arith.constant 16 : i32
      %parallel_loop3A_240 = arith.muli %parallel_loop3A_238, %parallel_loop3A_239 : i32
      %parallel_loop3A_241 = arith.addi %parallel_loop3A_153, %parallel_loop3A_240 : i32
      %parallel_loop3A_242 = arith.index_cast %parallel_loop3A_241 : i32 to index
      %parallel_loop3A_243 = tpu.vector_load %arg7[%parallel_loop3A_242] {strides = array<i32>} : memref<8192xi32, #tpu.memory_space<vmem>>, vector<16xi32>,
      %parallel_loop3A_244 = arith.addi %parallel_loop3A_237, %parallel_loop3A_243 : vector<16xi32>
      %parallel_loop3A_245 = arith.constant 13 : i32
      %parallel_loop3A_246 = arith.constant 16 : i32
      %parallel_loop3A_247 = arith.muli %parallel_loop3A_245, %parallel_loop3A_246 : i32
      %parallel_loop3A_248 = arith.addi %parallel_loop3A_153, %parallel_loop3A_247 : i32
      %parallel_loop3A_249 = arith.index_cast %parallel_loop3A_248 : i32 to index
      %parallel_loop3A_250 = tpu.vector_load %arg7[%parallel_loop3A_249] {strides = array<i32>} : memref<8192xi32, #tpu.memory_space<vmem>>, vector<16xi32>,
      %parallel_loop3A_251 = arith.addi %parallel_loop3A_244, %parallel_loop3A_250 : vector<16xi32>
      %parallel_loop3A_252 = arith.constant 14 : i32
      %parallel_loop3A_253 = arith.constant 16 : i32
      %parallel_loop3A_254 = arith.muli %parallel_loop3A_252, %parallel_loop3A_253 : i32
      %parallel_loop3A_255 = arith.addi %parallel_loop3A_153, %parallel_loop3A_254 : i32
      %parallel_loop3A_256 = arith.index_cast %parallel_loop3A_255 : i32 to index
      %parallel_loop3A_257 = tpu.vector_load %arg7[%parallel_loop3A_256] {strides = array<i32>} : memref<8192xi32, #tpu.memory_space<vmem>>, vector<16xi32>,
      %parallel_loop3A_258 = arith.addi %parallel_loop3A_251, %parallel_loop3A_257 : vector<16xi32>
      %parallel_loop3A_259 = arith.constant 15 : i32
      %parallel_loop3A_260 = arith.constant 16 : i32
      %parallel_loop3A_261 = arith.muli %parallel_loop3A_259, %parallel_loop3A_260 : i32
      %parallel_loop3A_262 = arith.addi %parallel_loop3A_153, %parallel_loop3A_261 : i32
      %parallel_loop3A_263 = arith.index_cast %parallel_loop3A_262 : i32 to index
      %parallel_loop3A_264 = tpu.vector_load %arg7[%parallel_loop3A_263] {strides = array<i32>} : memref<8192xi32, #tpu.memory_space<vmem>>, vector<16xi32>,
      %parallel_loop3A_265 = arith.addi %parallel_loop3A_258, %parallel_loop3A_264 : vector<16xi32>
      %parallel_loop3A_266 = arith.constant 16 : i32
      %parallel_loop3A_267 = arith.constant true
      %parallel_loop3A_268 = vector.broadcast %parallel_loop3A_267 : i1 to vector<16xi1>
      %parallel_loop3A_269 = tpu.scan <sum>, %parallel_loop3A_265 masked %parallel_loop3A_268 : vector<16xi32>, vector<16xi1> -> vector<16xi32>
      %parallel_loop3A_270 = vector.extract %parallel_loop3A_269[15] : i32 from vector<16xi32>
      %parallel_loop3A_271 = arith.addi %parallel_loop3A_149, %parallel_loop3A_270 : i32
      %parallel_loop3A_272 = arith.constant true
      %parallel_loop3A_273 = arith.xori %parallel_loop3A_146, %parallel_loop3A_272 : i1
      %parallel_loop3A_274 = arith.cmpi sge, %parallel_loop3A_271, %scan3A_41#2 : i32
      %parallel_loop3A_275 = arith.andi %parallel_loop3A_273, %parallel_loop3A_274 : i1
      %parallel_loop3A_276 = arith.select %parallel_loop3A_275, %parallel_loop3A_151, %parallel_loop3A_147 : i32
      %parallel_loop3A_277 = arith.subi %scan3A_41#2, %parallel_loop3A_149 : i32
      %parallel_loop3A_278 = arith.select %parallel_loop3A_275, %parallel_loop3A_277, %parallel_loop3A_148 : i32
      %parallel_loop3A_279 = arith.ori %parallel_loop3A_146, %parallel_loop3A_275 : i1
      scf.yield %parallel_loop3A_279, %parallel_loop3A_276, %parallel_loop3A_278, %parallel_loop3A_271 : i1, i32, i32, i32
    } {sc.loop_unroll_factor = 4 : i64, sc.parallel_access}
    %scan3A_57 = arith.constant false
    %scan3A_58 = arith.constant 0 : i32
    %scan3A_59 = arith.constant 0 : i32
    %scan3A_60 = arith.constant 0 : i32
    %scan3A_61 = arith.constant 0 : i32
    %scan3A_62 = arith.constant 16 : i32
    %scan3A_63 = arith.addi %scan3A_61, %scan3A_62 : i32
    %scan3A_64 = arith.constant 1 : i32
    %scan3A_65:4 = scf.for %scan3A_145 = %scan3A_61 to %scan3A_63 step %scan3A_64 iter_args(%scan3A_146 = %scan3A_57, %scan3A_147 = %scan3A_58, %scan3A_148 = %scan3A_59, %scan3A_149 = %scan3A_60) -> (i1, i32, i32, i32)  : i32 {
      %mul3A_150 = arith.constant 16 : i32
      %mul3A_151 = arith.muli %parallel_loop3A_56#1, %mul3A_150 : i32
      %sub3A_152 = arith.constant 15 : i32
      %sub3A_153 = arith.subi %sub3A_152, %scan3A_145 : i32
      %add3A_154 = arith.addi %mul3A_151, %sub3A_153 : i32
      %mul3A_155 = arith.constant 16 : i32
      %mul3A_156 = arith.muli %add3A_154, %mul3A_155 : i32
      %get3A = arith.index_cast %mul3A_156 : i32 to index
      %get3A_157 = tpu.vector_load %arg7[%get3A] {strides = array<i32>} : memref<8192xi32, #tpu.memory_space<vmem>>, vector<16xi32>,
      %reduce_sum3A_158 = arith.constant true
      %reduce_sum3A_159 = vector.broadcast %reduce_sum3A_158 : i1 to vector<16xi1>
      %reduce_sum3A_160 = tpu.scan <sum>, %get3A_157 masked %reduce_sum3A_159 : vector<16xi32>, vector<16xi1> -> vector<16xi32>
      %reduce_sum3A_161 = vector.extract %reduce_sum3A_160[15] : i32 from vector<16xi32>
      %add3A_162 = arith.addi %scan3A_149, %reduce_sum3A_161 : i32
      %not3A = arith.constant true
      %not3A_163 = arith.xori %scan3A_146, %not3A : i1
      %ge3A = arith.cmpi sge, %add3A_162, %parallel_loop3A_56#2 : i32
      %and3A = arith.andi %not3A_163, %ge3A : i1
      %select_n3A_164 = arith.select %and3A, %add3A_154, %scan3A_147 : i32
      %sub3A_165 = arith.subi %parallel_loop3A_56#2, %scan3A_149 : i32
      %select_n3A_166 = arith.select %and3A, %sub3A_165, %scan3A_148 : i32
      %or3A_167 = arith.ori %scan3A_146, %and3A : i1
      scf.yield %or3A_167, %select_n3A_164, %select_n3A_166, %add3A_162 : i1, i32, i32, i32
    }
    %scan3A_66 = arith.constant 16 : i32
    %shift_left3A = arith.constant 9 : i32
    %shift_left3A_67 = arith.shli %scan3A_41#1, %shift_left3A : i32
    %or3A = arith.ori %shift_left3A_67, %scan3A_65#1 : i32
    %parallel_loop3A_68 = arith.constant 0 : i32
    %parallel_loop3A_69 = arith.constant 512 : i32
    %parallel_loop3A_70 = arith.constant 1 : i32
    scf.for %parallel_loop3A_145 = %parallel_loop3A_68 to %parallel_loop3A_69 step %parallel_loop3A_70  : i32 {
      %parallel_loop3A_146 = arith.constant 16 : i32
      %parallel_loop3A_147 = arith.muli %parallel_loop3A_145, %parallel_loop3A_146 : i32
      %parallel_loop3A_148 = arith.index_cast %parallel_loop3A_147 : i32 to index
      %parallel_loop3A_149 = tpu.vector_load %arg7[%parallel_loop3A_148] {strides = array<i32>} : memref<8192xi32, #tpu.memory_space<vmem>>, vector<16xi32>,
      tpu.vector_store %arg7[%parallel_loop3A_148], %broadcast_in_dim3A_1 {strides = array<i32>} : memref<8192xi32, #tpu.memory_space<vmem>>, vector<16xi32>,
    } {sc.loop_unroll_factor = 8 : i64, sc.parallel_access}
    %parallel_loop3A_71 = arith.constant 0 : i32
    %parallel_loop3A_72 = arith.constant 1250 : i32
    %parallel_loop3A_73 = arith.constant 1 : i32
    scf.for %parallel_loop3A_145 = %parallel_loop3A_71 to %parallel_loop3A_72 step %parallel_loop3A_73  : i32 {
      %parallel_loop3A_146 = arith.constant 16 : i32
      %parallel_loop3A_147 = arith.muli %parallel_loop3A_145, %parallel_loop3A_146 : i32
      %parallel_loop3A_148 = arith.index_cast %parallel_loop3A_147 : i32 to index
      %parallel_loop3A_149 = tpu.vector_load %arg5[%parallel_loop3A_148] {strides = array<i32>} : memref<20000xf32, #tpu.memory_space<vmem>>, vector<16xf32>,
      %parallel_loop3A_150 = vector.bitcast %parallel_loop3A_149 : vector<16xf32> to vector<16xi32>
      %parallel_loop3A_151 = arith.constant 13 : i32
      %parallel_loop3A_152 = vector.broadcast %parallel_loop3A_151 : i32 to vector<16xi32>
      %parallel_loop3A_153 = arith.shrsi %parallel_loop3A_150, %parallel_loop3A_152 : vector<16xi32>
      %parallel_loop3A_154 = vector.broadcast %or3A : i32 to vector<16xi32>
      %parallel_loop3A_155 = arith.cmpi eq, %parallel_loop3A_153, %parallel_loop3A_154 : vector<16xi32>
      %parallel_loop3A_156 = arith.constant 4 : i32
      %parallel_loop3A_157 = vector.broadcast %parallel_loop3A_156 : i32 to vector<16xi32>
      %parallel_loop3A_158 = arith.shrsi %parallel_loop3A_150, %parallel_loop3A_157 : vector<16xi32>
      %parallel_loop3A_159 = arith.constant 511 : i32
      %parallel_loop3A_160 = vector.broadcast %parallel_loop3A_159 : i32 to vector<16xi32>
      %parallel_loop3A_161 = arith.andi %parallel_loop3A_158, %parallel_loop3A_160 : vector<16xi32>
      %parallel_loop3A_162 = arith.constant 4 : i32
      %parallel_loop3A_163 = vector.broadcast %parallel_loop3A_162 : i32 to vector<16xi32>
      %parallel_loop3A_164 = arith.shli %parallel_loop3A_161, %parallel_loop3A_163 : vector<16xi32>
      %parallel_loop3A_165 = arith.addi %parallel_loop3A_164, %iota3A : vector<16xi32>
      tpu.vector_store_idx %arg7[%parallel_loop3A_165], %broadcast_in_dim3A_5 masked %parallel_loop3A_155 {add = true} : memref<8192xi32, #tpu.memory_space<vmem>>[vector<16xi32>], vector<16xi32>, vector<16xi1>
    } {sc.loop_unroll_factor = 8 : i64, sc.parallel_access}
    %parallel_loop3A_74 = arith.constant 0 : i32
    %parallel_loop3A_75 = arith.constant 32 : i32
    %parallel_loop3A_76 = arith.constant 1 : i32
    %parallel_loop3A_77 = arith.constant false
    %parallel_loop3A_78 = arith.constant 0 : i32
    %parallel_loop3A_79 = arith.constant 0 : i32
    %parallel_loop3A_80 = arith.constant 0 : i32
    %parallel_loop3A_81:4 = scf.for %parallel_loop3A_145 = %parallel_loop3A_74 to %parallel_loop3A_75 step %parallel_loop3A_76 iter_args(%parallel_loop3A_146 = %parallel_loop3A_77, %parallel_loop3A_147 = %parallel_loop3A_78, %parallel_loop3A_148 = %parallel_loop3A_79, %parallel_loop3A_149 = %parallel_loop3A_80) -> (i1, i32, i32, i32)  : i32 {
      %parallel_loop3A_150 = arith.constant 31 : i32
      %parallel_loop3A_151 = arith.subi %parallel_loop3A_150, %parallel_loop3A_145 : i32
      %parallel_loop3A_152 = arith.constant 256 : i32
      %parallel_loop3A_153 = arith.muli %parallel_loop3A_151, %parallel_loop3A_152 : i32
      %parallel_loop3A_154 = arith.constant 0 : i32
      %parallel_loop3A_155 = arith.constant 16 : i32
      %parallel_loop3A_156 = arith.muli %parallel_loop3A_154, %parallel_loop3A_155 : i32
      %parallel_loop3A_157 = arith.addi %parallel_loop3A_153, %parallel_loop3A_156 : i32
      %parallel_loop3A_158 = arith.index_cast %parallel_loop3A_157 : i32 to index
      %parallel_loop3A_159 = tpu.vector_load %arg7[%parallel_loop3A_158] {strides = array<i32>} : memref<8192xi32, #tpu.memory_space<vmem>>, vector<16xi32>,
      %parallel_loop3A_160 = arith.addi %broadcast_in_dim3A_1, %parallel_loop3A_159 : vector<16xi32>
      %parallel_loop3A_161 = arith.constant 1 : i32
      %parallel_loop3A_162 = arith.constant 16 : i32
      %parallel_loop3A_163 = arith.muli %parallel_loop3A_161, %parallel_loop3A_162 : i32
      %parallel_loop3A_164 = arith.addi %parallel_loop3A_153, %parallel_loop3A_163 : i32
      %parallel_loop3A_165 = arith.index_cast %parallel_loop3A_164 : i32 to index
      %parallel_loop3A_166 = tpu.vector_load %arg7[%parallel_loop3A_165] {strides = array<i32>} : memref<8192xi32, #tpu.memory_space<vmem>>, vector<16xi32>,
      %parallel_loop3A_167 = arith.addi %parallel_loop3A_160, %parallel_loop3A_166 : vector<16xi32>
      %parallel_loop3A_168 = arith.constant 2 : i32
      %parallel_loop3A_169 = arith.constant 16 : i32
      %parallel_loop3A_170 = arith.muli %parallel_loop3A_168, %parallel_loop3A_169 : i32
      %parallel_loop3A_171 = arith.addi %parallel_loop3A_153, %parallel_loop3A_170 : i32
      %parallel_loop3A_172 = arith.index_cast %parallel_loop3A_171 : i32 to index
      %parallel_loop3A_173 = tpu.vector_load %arg7[%parallel_loop3A_172] {strides = array<i32>} : memref<8192xi32, #tpu.memory_space<vmem>>, vector<16xi32>,
      %parallel_loop3A_174 = arith.addi %parallel_loop3A_167, %parallel_loop3A_173 : vector<16xi32>
      %parallel_loop3A_175 = arith.constant 3 : i32
      %parallel_loop3A_176 = arith.constant 16 : i32
      %parallel_loop3A_177 = arith.muli %parallel_loop3A_175, %parallel_loop3A_176 : i32
      %parallel_loop3A_178 = arith.addi %parallel_loop3A_153, %parallel_loop3A_177 : i32
      %parallel_loop3A_179 = arith.index_cast %parallel_loop3A_178 : i32 to index
      %parallel_loop3A_180 = tpu.vector_load %arg7[%parallel_loop3A_179] {strides = array<i32>} : memref<8192xi32, #tpu.memory_space<vmem>>, vector<16xi32>,
      %parallel_loop3A_181 = arith.addi %parallel_loop3A_174, %parallel_loop3A_180 : vector<16xi32>
      %parallel_loop3A_182 = arith.constant 4 : i32
      %parallel_loop3A_183 = arith.constant 16 : i32
      %parallel_loop3A_184 = arith.muli %parallel_loop3A_182, %parallel_loop3A_183 : i32
      %parallel_loop3A_185 = arith.addi %parallel_loop3A_153, %parallel_loop3A_184 : i32
      %parallel_loop3A_186 = arith.index_cast %parallel_loop3A_185 : i32 to index
      %parallel_loop3A_187 = tpu.vector_load %arg7[%parallel_loop3A_186] {strides = array<i32>} : memref<8192xi32, #tpu.memory_space<vmem>>, vector<16xi32>,
      %parallel_loop3A_188 = arith.addi %parallel_loop3A_181, %parallel_loop3A_187 : vector<16xi32>
      %parallel_loop3A_189 = arith.constant 5 : i32
      %parallel_loop3A_190 = arith.constant 16 : i32
      %parallel_loop3A_191 = arith.muli %parallel_loop3A_189, %parallel_loop3A_190 : i32
      %parallel_loop3A_192 = arith.addi %parallel_loop3A_153, %parallel_loop3A_191 : i32
      %parallel_loop3A_193 = arith.index_cast %parallel_loop3A_192 : i32 to index
      %parallel_loop3A_194 = tpu.vector_load %arg7[%parallel_loop3A_193] {strides = array<i32>} : memref<8192xi32, #tpu.memory_space<vmem>>, vector<16xi32>,
      %parallel_loop3A_195 = arith.addi %parallel_loop3A_188, %parallel_loop3A_194 : vector<16xi32>
      %parallel_loop3A_196 = arith.constant 6 : i32
      %parallel_loop3A_197 = arith.constant 16 : i32
      %parallel_loop3A_198 = arith.muli %parallel_loop3A_196, %parallel_loop3A_197 : i32
      %parallel_loop3A_199 = arith.addi %parallel_loop3A_153, %parallel_loop3A_198 : i32
      %parallel_loop3A_200 = arith.index_cast %parallel_loop3A_199 : i32 to index
      %parallel_loop3A_201 = tpu.vector_load %arg7[%parallel_loop3A_200] {strides = array<i32>} : memref<8192xi32, #tpu.memory_space<vmem>>, vector<16xi32>,
      %parallel_loop3A_202 = arith.addi %parallel_loop3A_195, %parallel_loop3A_201 : vector<16xi32>
      %parallel_loop3A_203 = arith.constant 7 : i32
      %parallel_loop3A_204 = arith.constant 16 : i32
      %parallel_loop3A_205 = arith.muli %parallel_loop3A_203, %parallel_loop3A_204 : i32
      %parallel_loop3A_206 = arith.addi %parallel_loop3A_153, %parallel_loop3A_205 : i32
      %parallel_loop3A_207 = arith.index_cast %parallel_loop3A_206 : i32 to index
      %parallel_loop3A_208 = tpu.vector_load %arg7[%parallel_loop3A_207] {strides = array<i32>} : memref<8192xi32, #tpu.memory_space<vmem>>, vector<16xi32>,
      %parallel_loop3A_209 = arith.addi %parallel_loop3A_202, %parallel_loop3A_208 : vector<16xi32>
      %parallel_loop3A_210 = arith.constant 8 : i32
      %parallel_loop3A_211 = arith.constant 16 : i32
      %parallel_loop3A_212 = arith.muli %parallel_loop3A_210, %parallel_loop3A_211 : i32
      %parallel_loop3A_213 = arith.addi %parallel_loop3A_153, %parallel_loop3A_212 : i32
      %parallel_loop3A_214 = arith.index_cast %parallel_loop3A_213 : i32 to index
      %parallel_loop3A_215 = tpu.vector_load %arg7[%parallel_loop3A_214] {strides = array<i32>} : memref<8192xi32, #tpu.memory_space<vmem>>, vector<16xi32>,
      %parallel_loop3A_216 = arith.addi %parallel_loop3A_209, %parallel_loop3A_215 : vector<16xi32>
      %parallel_loop3A_217 = arith.constant 9 : i32
      %parallel_loop3A_218 = arith.constant 16 : i32
      %parallel_loop3A_219 = arith.muli %parallel_loop3A_217, %parallel_loop3A_218 : i32
      %parallel_loop3A_220 = arith.addi %parallel_loop3A_153, %parallel_loop3A_219 : i32
      %parallel_loop3A_221 = arith.index_cast %parallel_loop3A_220 : i32 to index
      %parallel_loop3A_222 = tpu.vector_load %arg7[%parallel_loop3A_221] {strides = array<i32>} : memref<8192xi32, #tpu.memory_space<vmem>>, vector<16xi32>,
      %parallel_loop3A_223 = arith.addi %parallel_loop3A_216, %parallel_loop3A_222 : vector<16xi32>
      %parallel_loop3A_224 = arith.constant 10 : i32
      %parallel_loop3A_225 = arith.constant 16 : i32
      %parallel_loop3A_226 = arith.muli %parallel_loop3A_224, %parallel_loop3A_225 : i32
      %parallel_loop3A_227 = arith.addi %parallel_loop3A_153, %parallel_loop3A_226 : i32
      %parallel_loop3A_228 = arith.index_cast %parallel_loop3A_227 : i32 to index
      %parallel_loop3A_229 = tpu.vector_load %arg7[%parallel_loop3A_228] {strides = array<i32>} : memref<8192xi32, #tpu.memory_space<vmem>>, vector<16xi32>,
      %parallel_loop3A_230 = arith.addi %parallel_loop3A_223, %parallel_loop3A_229 : vector<16xi32>
      %parallel_loop3A_231 = arith.constant 11 : i32
      %parallel_loop3A_232 = arith.constant 16 : i32
      %parallel_loop3A_233 = arith.muli %parallel_loop3A_231, %parallel_loop3A_232 : i32
      %parallel_loop3A_234 = arith.addi %parallel_loop3A_153, %parallel_loop3A_233 : i32
      %parallel_loop3A_235 = arith.index_cast %parallel_loop3A_234 : i32 to index
      %parallel_loop3A_236 = tpu.vector_load %arg7[%parallel_loop3A_235] {strides = array<i32>} : memref<8192xi32, #tpu.memory_space<vmem>>, vector<16xi32>,
      %parallel_loop3A_237 = arith.addi %parallel_loop3A_230, %parallel_loop3A_236 : vector<16xi32>
      %parallel_loop3A_238 = arith.constant 12 : i32
      %parallel_loop3A_239 = arith.constant 16 : i32
      %parallel_loop3A_240 = arith.muli %parallel_loop3A_238, %parallel_loop3A_239 : i32
      %parallel_loop3A_241 = arith.addi %parallel_loop3A_153, %parallel_loop3A_240 : i32
      %parallel_loop3A_242 = arith.index_cast %parallel_loop3A_241 : i32 to index
      %parallel_loop3A_243 = tpu.vector_load %arg7[%parallel_loop3A_242] {strides = array<i32>} : memref<8192xi32, #tpu.memory_space<vmem>>, vector<16xi32>,
      %parallel_loop3A_244 = arith.addi %parallel_loop3A_237, %parallel_loop3A_243 : vector<16xi32>
      %parallel_loop3A_245 = arith.constant 13 : i32
      %parallel_loop3A_246 = arith.constant 16 : i32
      %parallel_loop3A_247 = arith.muli %parallel_loop3A_245, %parallel_loop3A_246 : i32
      %parallel_loop3A_248 = arith.addi %parallel_loop3A_153, %parallel_loop3A_247 : i32
      %parallel_loop3A_249 = arith.index_cast %parallel_loop3A_248 : i32 to index
      %parallel_loop3A_250 = tpu.vector_load %arg7[%parallel_loop3A_249] {strides = array<i32>} : memref<8192xi32, #tpu.memory_space<vmem>>, vector<16xi32>,
      %parallel_loop3A_251 = arith.addi %parallel_loop3A_244, %parallel_loop3A_250 : vector<16xi32>
      %parallel_loop3A_252 = arith.constant 14 : i32
      %parallel_loop3A_253 = arith.constant 16 : i32
      %parallel_loop3A_254 = arith.muli %parallel_loop3A_252, %parallel_loop3A_253 : i32
      %parallel_loop3A_255 = arith.addi %parallel_loop3A_153, %parallel_loop3A_254 : i32
      %parallel_loop3A_256 = arith.index_cast %parallel_loop3A_255 : i32 to index
      %parallel_loop3A_257 = tpu.vector_load %arg7[%parallel_loop3A_256] {strides = array<i32>} : memref<8192xi32, #tpu.memory_space<vmem>>, vector<16xi32>,
      %parallel_loop3A_258 = arith.addi %parallel_loop3A_251, %parallel_loop3A_257 : vector<16xi32>
      %parallel_loop3A_259 = arith.constant 15 : i32
      %parallel_loop3A_260 = arith.constant 16 : i32
      %parallel_loop3A_261 = arith.muli %parallel_loop3A_259, %parallel_loop3A_260 : i32
      %parallel_loop3A_262 = arith.addi %parallel_loop3A_153, %parallel_loop3A_261 : i32
      %parallel_loop3A_263 = arith.index_cast %parallel_loop3A_262 : i32 to index
      %parallel_loop3A_264 = tpu.vector_load %arg7[%parallel_loop3A_263] {strides = array<i32>} : memref<8192xi32, #tpu.memory_space<vmem>>, vector<16xi32>,
      %parallel_loop3A_265 = arith.addi %parallel_loop3A_258, %parallel_loop3A_264 : vector<16xi32>
      %parallel_loop3A_266 = arith.constant 16 : i32
      %parallel_loop3A_267 = arith.constant true
      %parallel_loop3A_268 = vector.broadcast %parallel_loop3A_267 : i1 to vector<16xi1>
      %parallel_loop3A_269 = tpu.scan <sum>, %parallel_loop3A_265 masked %parallel_loop3A_268 : vector<16xi32>, vector<16xi1> -> vector<16xi32>
      %parallel_loop3A_270 = vector.extract %parallel_loop3A_269[15] : i32 from vector<16xi32>
      %parallel_loop3A_271 = arith.addi %parallel_loop3A_149, %parallel_loop3A_270 : i32
      %parallel_loop3A_272 = arith.constant true
      %parallel_loop3A_273 = arith.xori %parallel_loop3A_146, %parallel_loop3A_272 : i1
      %parallel_loop3A_274 = arith.cmpi sge, %parallel_loop3A_271, %scan3A_65#2 : i32
      %parallel_loop3A_275 = arith.andi %parallel_loop3A_273, %parallel_loop3A_274 : i1
      %parallel_loop3A_276 = arith.select %parallel_loop3A_275, %parallel_loop3A_151, %parallel_loop3A_147 : i32
      %parallel_loop3A_277 = arith.subi %scan3A_65#2, %parallel_loop3A_149 : i32
      %parallel_loop3A_278 = arith.select %parallel_loop3A_275, %parallel_loop3A_277, %parallel_loop3A_148 : i32
      %parallel_loop3A_279 = arith.ori %parallel_loop3A_146, %parallel_loop3A_275 : i1
      scf.yield %parallel_loop3A_279, %parallel_loop3A_276, %parallel_loop3A_278, %parallel_loop3A_271 : i1, i32, i32, i32
    } {sc.loop_unroll_factor = 4 : i64, sc.parallel_access}
    %scan3A_82 = arith.constant false
    %scan3A_83 = arith.constant 0 : i32
    %scan3A_84 = arith.constant 0 : i32
    %scan3A_85 = arith.constant 0 : i32
    %scan3A_86 = arith.constant 0 : i32
    %scan3A_87 = arith.constant 16 : i32
    %scan3A_88 = arith.addi %scan3A_86, %scan3A_87 : i32
    %scan3A_89 = arith.constant 1 : i32
    %scan3A_90:4 = scf.for %scan3A_145 = %scan3A_86 to %scan3A_88 step %scan3A_89 iter_args(%scan3A_146 = %scan3A_82, %scan3A_147 = %scan3A_83, %scan3A_148 = %scan3A_84, %scan3A_149 = %scan3A_85) -> (i1, i32, i32, i32)  : i32 {
      %mul3A_150 = arith.constant 16 : i32
      %mul3A_151 = arith.muli %parallel_loop3A_81#1, %mul3A_150 : i32
      %sub3A_152 = arith.constant 15 : i32
      %sub3A_153 = arith.subi %sub3A_152, %scan3A_145 : i32
      %add3A_154 = arith.addi %mul3A_151, %sub3A_153 : i32
      %mul3A_155 = arith.constant 16 : i32
      %mul3A_156 = arith.muli %add3A_154, %mul3A_155 : i32
      %get3A = arith.index_cast %mul3A_156 : i32 to index
      %get3A_157 = tpu.vector_load %arg7[%get3A] {strides = array<i32>} : memref<8192xi32, #tpu.memory_space<vmem>>, vector<16xi32>,
      %reduce_sum3A_158 = arith.constant true
      %reduce_sum3A_159 = vector.broadcast %reduce_sum3A_158 : i1 to vector<16xi1>
      %reduce_sum3A_160 = tpu.scan <sum>, %get3A_157 masked %reduce_sum3A_159 : vector<16xi32>, vector<16xi1> -> vector<16xi32>
      %reduce_sum3A_161 = vector.extract %reduce_sum3A_160[15] : i32 from vector<16xi32>
      %add3A_162 = arith.addi %scan3A_149, %reduce_sum3A_161 : i32
      %not3A = arith.constant true
      %not3A_163 = arith.xori %scan3A_146, %not3A : i1
      %ge3A = arith.cmpi sge, %add3A_162, %parallel_loop3A_81#2 : i32
      %and3A = arith.andi %not3A_163, %ge3A : i1
      %select_n3A_164 = arith.select %and3A, %add3A_154, %scan3A_147 : i32
      %sub3A_165 = arith.subi %parallel_loop3A_81#2, %scan3A_149 : i32
      %select_n3A_166 = arith.select %and3A, %sub3A_165, %scan3A_148 : i32
      %or3A_167 = arith.ori %scan3A_146, %and3A : i1
      scf.yield %or3A_167, %select_n3A_164, %select_n3A_166, %add3A_162 : i1, i32, i32, i32
    }
    %scan3A_91 = arith.constant 16 : i32
    %shift_left3A_92 = arith.constant 9 : i32
    %shift_left3A_93 = arith.shli %or3A, %shift_left3A_92 : i32
    %or3A_94 = arith.ori %shift_left3A_93, %scan3A_90#1 : i32
    %parallel_loop3A_95 = arith.constant 0 : i32
    %parallel_loop3A_96 = arith.constant 16 : i32
    %parallel_loop3A_97 = arith.constant 1 : i32
    scf.for %parallel_loop3A_145 = %parallel_loop3A_95 to %parallel_loop3A_96 step %parallel_loop3A_97  : i32 {
      %parallel_loop3A_146 = arith.constant 16 : i32
      %parallel_loop3A_147 = arith.muli %parallel_loop3A_145, %parallel_loop3A_146 : i32
      %parallel_loop3A_148 = arith.index_cast %parallel_loop3A_147 : i32 to index
      %parallel_loop3A_149 = tpu.vector_load %arg7[%parallel_loop3A_148] {strides = array<i32>} : memref<8192xi32, #tpu.memory_space<vmem>>, vector<16xi32>,
      tpu.vector_store %arg7[%parallel_loop3A_148], %broadcast_in_dim3A_1 {strides = array<i32>} : memref<8192xi32, #tpu.memory_space<vmem>>, vector<16xi32>,
    } {sc.loop_unroll_factor = 8 : i64, sc.parallel_access}
    %parallel_loop3A_98 = arith.constant 0 : i32
    %parallel_loop3A_99 = arith.constant 1250 : i32
    %parallel_loop3A_100 = arith.constant 1 : i32
    scf.for %parallel_loop3A_145 = %parallel_loop3A_98 to %parallel_loop3A_99 step %parallel_loop3A_100  : i32 {
      %parallel_loop3A_146 = arith.constant 16 : i32
      %parallel_loop3A_147 = arith.muli %parallel_loop3A_145, %parallel_loop3A_146 : i32
      %parallel_loop3A_148 = arith.index_cast %parallel_loop3A_147 : i32 to index
      %parallel_loop3A_149 = tpu.vector_load %arg5[%parallel_loop3A_148] {strides = array<i32>} : memref<20000xf32, #tpu.memory_space<vmem>>, vector<16xf32>,
      %parallel_loop3A_150 = vector.bitcast %parallel_loop3A_149 : vector<16xf32> to vector<16xi32>
      %parallel_loop3A_151 = arith.constant 4 : i32
      %parallel_loop3A_152 = vector.broadcast %parallel_loop3A_151 : i32 to vector<16xi32>
      %parallel_loop3A_153 = arith.shrsi %parallel_loop3A_150, %parallel_loop3A_152 : vector<16xi32>
      %parallel_loop3A_154 = vector.broadcast %or3A_94 : i32 to vector<16xi32>
      %parallel_loop3A_155 = arith.cmpi eq, %parallel_loop3A_153, %parallel_loop3A_154 : vector<16xi32>
      %parallel_loop3A_156 = arith.constant 0 : i32
      %parallel_loop3A_157 = vector.broadcast %parallel_loop3A_156 : i32 to vector<16xi32>
      %parallel_loop3A_158 = arith.shrsi %parallel_loop3A_150, %parallel_loop3A_157 : vector<16xi32>
      %parallel_loop3A_159 = arith.constant 15 : i32
      %parallel_loop3A_160 = vector.broadcast %parallel_loop3A_159 : i32 to vector<16xi32>
      %parallel_loop3A_161 = arith.andi %parallel_loop3A_158, %parallel_loop3A_160 : vector<16xi32>
      %parallel_loop3A_162 = arith.constant 4 : i32
      %parallel_loop3A_163 = vector.broadcast %parallel_loop3A_162 : i32 to vector<16xi32>
      %parallel_loop3A_164 = arith.shli %parallel_loop3A_161, %parallel_loop3A_163 : vector<16xi32>
      %parallel_loop3A_165 = arith.addi %parallel_loop3A_164, %iota3A : vector<16xi32>
      tpu.vector_store_idx %arg7[%parallel_loop3A_165], %broadcast_in_dim3A_5 masked %parallel_loop3A_155 {add = true} : memref<8192xi32, #tpu.memory_space<vmem>>[vector<16xi32>], vector<16xi32>, vector<16xi1>
    } {sc.loop_unroll_factor = 8 : i64, sc.parallel_access}
    %parallel_loop3A_101 = arith.constant 0 : i32
    %parallel_loop3A_102 = arith.constant 1 : i32
    %parallel_loop3A_103 = arith.constant 1 : i32
    %parallel_loop3A_104 = arith.constant false
    %parallel_loop3A_105 = arith.constant 0 : i32
    %parallel_loop3A_106 = arith.constant 0 : i32
    %parallel_loop3A_107 = arith.constant 0 : i32
    %parallel_loop3A_108:4 = scf.for %parallel_loop3A_145 = %parallel_loop3A_101 to %parallel_loop3A_102 step %parallel_loop3A_103 iter_args(%parallel_loop3A_146 = %parallel_loop3A_104, %parallel_loop3A_147 = %parallel_loop3A_105, %parallel_loop3A_148 = %parallel_loop3A_106, %parallel_loop3A_149 = %parallel_loop3A_107) -> (i1, i32, i32, i32)  : i32 {
      %parallel_loop3A_150 = arith.constant 0 : i32
      %parallel_loop3A_151 = arith.subi %parallel_loop3A_150, %parallel_loop3A_145 : i32
      %parallel_loop3A_152 = arith.constant 256 : i32
      %parallel_loop3A_153 = arith.muli %parallel_loop3A_151, %parallel_loop3A_152 : i32
      %parallel_loop3A_154 = arith.constant 0 : i32
      %parallel_loop3A_155 = arith.constant 16 : i32
      %parallel_loop3A_156 = arith.muli %parallel_loop3A_154, %parallel_loop3A_155 : i32
      %parallel_loop3A_157 = arith.addi %parallel_loop3A_153, %parallel_loop3A_156 : i32
      %parallel_loop3A_158 = arith.index_cast %parallel_loop3A_157 : i32 to index
      %parallel_loop3A_159 = tpu.vector_load %arg7[%parallel_loop3A_158] {strides = array<i32>} : memref<8192xi32, #tpu.memory_space<vmem>>, vector<16xi32>,
      %parallel_loop3A_160 = arith.addi %broadcast_in_dim3A_1, %parallel_loop3A_159 : vector<16xi32>
      %parallel_loop3A_161 = arith.constant 1 : i32
      %parallel_loop3A_162 = arith.constant 16 : i32
      %parallel_loop3A_163 = arith.muli %parallel_loop3A_161, %parallel_loop3A_162 : i32
      %parallel_loop3A_164 = arith.addi %parallel_loop3A_153, %parallel_loop3A_163 : i32
      %parallel_loop3A_165 = arith.index_cast %parallel_loop3A_164 : i32 to index
      %parallel_loop3A_166 = tpu.vector_load %arg7[%parallel_loop3A_165] {strides = array<i32>} : memref<8192xi32, #tpu.memory_space<vmem>>, vector<16xi32>,
      %parallel_loop3A_167 = arith.addi %parallel_loop3A_160, %parallel_loop3A_166 : vector<16xi32>
      %parallel_loop3A_168 = arith.constant 2 : i32
      %parallel_loop3A_169 = arith.constant 16 : i32
      %parallel_loop3A_170 = arith.muli %parallel_loop3A_168, %parallel_loop3A_169 : i32
      %parallel_loop3A_171 = arith.addi %parallel_loop3A_153, %parallel_loop3A_170 : i32
      %parallel_loop3A_172 = arith.index_cast %parallel_loop3A_171 : i32 to index
      %parallel_loop3A_173 = tpu.vector_load %arg7[%parallel_loop3A_172] {strides = array<i32>} : memref<8192xi32, #tpu.memory_space<vmem>>, vector<16xi32>,
      %parallel_loop3A_174 = arith.addi %parallel_loop3A_167, %parallel_loop3A_173 : vector<16xi32>
      %parallel_loop3A_175 = arith.constant 3 : i32
      %parallel_loop3A_176 = arith.constant 16 : i32
      %parallel_loop3A_177 = arith.muli %parallel_loop3A_175, %parallel_loop3A_176 : i32
      %parallel_loop3A_178 = arith.addi %parallel_loop3A_153, %parallel_loop3A_177 : i32
      %parallel_loop3A_179 = arith.index_cast %parallel_loop3A_178 : i32 to index
      %parallel_loop3A_180 = tpu.vector_load %arg7[%parallel_loop3A_179] {strides = array<i32>} : memref<8192xi32, #tpu.memory_space<vmem>>, vector<16xi32>,
      %parallel_loop3A_181 = arith.addi %parallel_loop3A_174, %parallel_loop3A_180 : vector<16xi32>
      %parallel_loop3A_182 = arith.constant 4 : i32
      %parallel_loop3A_183 = arith.constant 16 : i32
      %parallel_loop3A_184 = arith.muli %parallel_loop3A_182, %parallel_loop3A_183 : i32
      %parallel_loop3A_185 = arith.addi %parallel_loop3A_153, %parallel_loop3A_184 : i32
      %parallel_loop3A_186 = arith.index_cast %parallel_loop3A_185 : i32 to index
      %parallel_loop3A_187 = tpu.vector_load %arg7[%parallel_loop3A_186] {strides = array<i32>} : memref<8192xi32, #tpu.memory_space<vmem>>, vector<16xi32>,
      %parallel_loop3A_188 = arith.addi %parallel_loop3A_181, %parallel_loop3A_187 : vector<16xi32>
      %parallel_loop3A_189 = arith.constant 5 : i32
      %parallel_loop3A_190 = arith.constant 16 : i32
      %parallel_loop3A_191 = arith.muli %parallel_loop3A_189, %parallel_loop3A_190 : i32
      %parallel_loop3A_192 = arith.addi %parallel_loop3A_153, %parallel_loop3A_191 : i32
      %parallel_loop3A_193 = arith.index_cast %parallel_loop3A_192 : i32 to index
      %parallel_loop3A_194 = tpu.vector_load %arg7[%parallel_loop3A_193] {strides = array<i32>} : memref<8192xi32, #tpu.memory_space<vmem>>, vector<16xi32>,
      %parallel_loop3A_195 = arith.addi %parallel_loop3A_188, %parallel_loop3A_194 : vector<16xi32>
      %parallel_loop3A_196 = arith.constant 6 : i32
      %parallel_loop3A_197 = arith.constant 16 : i32
      %parallel_loop3A_198 = arith.muli %parallel_loop3A_196, %parallel_loop3A_197 : i32
      %parallel_loop3A_199 = arith.addi %parallel_loop3A_153, %parallel_loop3A_198 : i32
      %parallel_loop3A_200 = arith.index_cast %parallel_loop3A_199 : i32 to index
      %parallel_loop3A_201 = tpu.vector_load %arg7[%parallel_loop3A_200] {strides = array<i32>} : memref<8192xi32, #tpu.memory_space<vmem>>, vector<16xi32>,
      %parallel_loop3A_202 = arith.addi %parallel_loop3A_195, %parallel_loop3A_201 : vector<16xi32>
      %parallel_loop3A_203 = arith.constant 7 : i32
      %parallel_loop3A_204 = arith.constant 16 : i32
      %parallel_loop3A_205 = arith.muli %parallel_loop3A_203, %parallel_loop3A_204 : i32
      %parallel_loop3A_206 = arith.addi %parallel_loop3A_153, %parallel_loop3A_205 : i32
      %parallel_loop3A_207 = arith.index_cast %parallel_loop3A_206 : i32 to index
      %parallel_loop3A_208 = tpu.vector_load %arg7[%parallel_loop3A_207] {strides = array<i32>} : memref<8192xi32, #tpu.memory_space<vmem>>, vector<16xi32>,
      %parallel_loop3A_209 = arith.addi %parallel_loop3A_202, %parallel_loop3A_208 : vector<16xi32>
      %parallel_loop3A_210 = arith.constant 8 : i32
      %parallel_loop3A_211 = arith.constant 16 : i32
      %parallel_loop3A_212 = arith.muli %parallel_loop3A_210, %parallel_loop3A_211 : i32
      %parallel_loop3A_213 = arith.addi %parallel_loop3A_153, %parallel_loop3A_212 : i32
      %parallel_loop3A_214 = arith.index_cast %parallel_loop3A_213 : i32 to index
      %parallel_loop3A_215 = tpu.vector_load %arg7[%parallel_loop3A_214] {strides = array<i32>} : memref<8192xi32, #tpu.memory_space<vmem>>, vector<16xi32>,
      %parallel_loop3A_216 = arith.addi %parallel_loop3A_209, %parallel_loop3A_215 : vector<16xi32>
      %parallel_loop3A_217 = arith.constant 9 : i32
      %parallel_loop3A_218 = arith.constant 16 : i32
      %parallel_loop3A_219 = arith.muli %parallel_loop3A_217, %parallel_loop3A_218 : i32
      %parallel_loop3A_220 = arith.addi %parallel_loop3A_153, %parallel_loop3A_219 : i32
      %parallel_loop3A_221 = arith.index_cast %parallel_loop3A_220 : i32 to index
      %parallel_loop3A_222 = tpu.vector_load %arg7[%parallel_loop3A_221] {strides = array<i32>} : memref<8192xi32, #tpu.memory_space<vmem>>, vector<16xi32>,
      %parallel_loop3A_223 = arith.addi %parallel_loop3A_216, %parallel_loop3A_222 : vector<16xi32>
      %parallel_loop3A_224 = arith.constant 10 : i32
      %parallel_loop3A_225 = arith.constant 16 : i32
      %parallel_loop3A_226 = arith.muli %parallel_loop3A_224, %parallel_loop3A_225 : i32
      %parallel_loop3A_227 = arith.addi %parallel_loop3A_153, %parallel_loop3A_226 : i32
      %parallel_loop3A_228 = arith.index_cast %parallel_loop3A_227 : i32 to index
      %parallel_loop3A_229 = tpu.vector_load %arg7[%parallel_loop3A_228] {strides = array<i32>} : memref<8192xi32, #tpu.memory_space<vmem>>, vector<16xi32>,
      %parallel_loop3A_230 = arith.addi %parallel_loop3A_223, %parallel_loop3A_229 : vector<16xi32>
      %parallel_loop3A_231 = arith.constant 11 : i32
      %parallel_loop3A_232 = arith.constant 16 : i32
      %parallel_loop3A_233 = arith.muli %parallel_loop3A_231, %parallel_loop3A_232 : i32
      %parallel_loop3A_234 = arith.addi %parallel_loop3A_153, %parallel_loop3A_233 : i32
      %parallel_loop3A_235 = arith.index_cast %parallel_loop3A_234 : i32 to index
      %parallel_loop3A_236 = tpu.vector_load %arg7[%parallel_loop3A_235] {strides = array<i32>} : memref<8192xi32, #tpu.memory_space<vmem>>, vector<16xi32>,
      %parallel_loop3A_237 = arith.addi %parallel_loop3A_230, %parallel_loop3A_236 : vector<16xi32>
      %parallel_loop3A_238 = arith.constant 12 : i32
      %parallel_loop3A_239 = arith.constant 16 : i32
      %parallel_loop3A_240 = arith.muli %parallel_loop3A_238, %parallel_loop3A_239 : i32
      %parallel_loop3A_241 = arith.addi %parallel_loop3A_153, %parallel_loop3A_240 : i32
      %parallel_loop3A_242 = arith.index_cast %parallel_loop3A_241 : i32 to index
      %parallel_loop3A_243 = tpu.vector_load %arg7[%parallel_loop3A_242] {strides = array<i32>} : memref<8192xi32, #tpu.memory_space<vmem>>, vector<16xi32>,
      %parallel_loop3A_244 = arith.addi %parallel_loop3A_237, %parallel_loop3A_243 : vector<16xi32>
      %parallel_loop3A_245 = arith.constant 13 : i32
      %parallel_loop3A_246 = arith.constant 16 : i32
      %parallel_loop3A_247 = arith.muli %parallel_loop3A_245, %parallel_loop3A_246 : i32
      %parallel_loop3A_248 = arith.addi %parallel_loop3A_153, %parallel_loop3A_247 : i32
      %parallel_loop3A_249 = arith.index_cast %parallel_loop3A_248 : i32 to index
      %parallel_loop3A_250 = tpu.vector_load %arg7[%parallel_loop3A_249] {strides = array<i32>} : memref<8192xi32, #tpu.memory_space<vmem>>, vector<16xi32>,
      %parallel_loop3A_251 = arith.addi %parallel_loop3A_244, %parallel_loop3A_250 : vector<16xi32>
      %parallel_loop3A_252 = arith.constant 14 : i32
      %parallel_loop3A_253 = arith.constant 16 : i32
      %parallel_loop3A_254 = arith.muli %parallel_loop3A_252, %parallel_loop3A_253 : i32
      %parallel_loop3A_255 = arith.addi %parallel_loop3A_153, %parallel_loop3A_254 : i32
      %parallel_loop3A_256 = arith.index_cast %parallel_loop3A_255 : i32 to index
      %parallel_loop3A_257 = tpu.vector_load %arg7[%parallel_loop3A_256] {strides = array<i32>} : memref<8192xi32, #tpu.memory_space<vmem>>, vector<16xi32>,
      %parallel_loop3A_258 = arith.addi %parallel_loop3A_251, %parallel_loop3A_257 : vector<16xi32>
      %parallel_loop3A_259 = arith.constant 15 : i32
      %parallel_loop3A_260 = arith.constant 16 : i32
      %parallel_loop3A_261 = arith.muli %parallel_loop3A_259, %parallel_loop3A_260 : i32
      %parallel_loop3A_262 = arith.addi %parallel_loop3A_153, %parallel_loop3A_261 : i32
      %parallel_loop3A_263 = arith.index_cast %parallel_loop3A_262 : i32 to index
      %parallel_loop3A_264 = tpu.vector_load %arg7[%parallel_loop3A_263] {strides = array<i32>} : memref<8192xi32, #tpu.memory_space<vmem>>, vector<16xi32>,
      %parallel_loop3A_265 = arith.addi %parallel_loop3A_258, %parallel_loop3A_264 : vector<16xi32>
      %parallel_loop3A_266 = arith.constant 16 : i32
      %parallel_loop3A_267 = arith.constant true
      %parallel_loop3A_268 = vector.broadcast %parallel_loop3A_267 : i1 to vector<16xi1>
      %parallel_loop3A_269 = tpu.scan <sum>, %parallel_loop3A_265 masked %parallel_loop3A_268 : vector<16xi32>, vector<16xi1> -> vector<16xi32>
      %parallel_loop3A_270 = vector.extract %parallel_loop3A_269[15] : i32 from vector<16xi32>
      %parallel_loop3A_271 = arith.addi %parallel_loop3A_149, %parallel_loop3A_270 : i32
      %parallel_loop3A_272 = arith.constant true
      %parallel_loop3A_273 = arith.xori %parallel_loop3A_146, %parallel_loop3A_272 : i1
      %parallel_loop3A_274 = arith.cmpi sge, %parallel_loop3A_271, %scan3A_90#2 : i32
      %parallel_loop3A_275 = arith.andi %parallel_loop3A_273, %parallel_loop3A_274 : i1
      %parallel_loop3A_276 = arith.select %parallel_loop3A_275, %parallel_loop3A_151, %parallel_loop3A_147 : i32
      %parallel_loop3A_277 = arith.subi %scan3A_90#2, %parallel_loop3A_149 : i32
      %parallel_loop3A_278 = arith.select %parallel_loop3A_275, %parallel_loop3A_277, %parallel_loop3A_148 : i32
      %parallel_loop3A_279 = arith.ori %parallel_loop3A_146, %parallel_loop3A_275 : i1
      scf.yield %parallel_loop3A_279, %parallel_loop3A_276, %parallel_loop3A_278, %parallel_loop3A_271 : i1, i32, i32, i32
    } {sc.loop_unroll_factor = 4 : i64, sc.parallel_access}
    %scan3A_109 = arith.constant false
    %scan3A_110 = arith.constant 0 : i32
    %scan3A_111 = arith.constant 0 : i32
    %scan3A_112 = arith.constant 0 : i32
    %scan3A_113 = arith.constant 0 : i32
    %scan3A_114 = arith.constant 16 : i32
    %scan3A_115 = arith.addi %scan3A_113, %scan3A_114 : i32
    %scan3A_116 = arith.constant 1 : i32
    %scan3A_117:4 = scf.for %scan3A_145 = %scan3A_113 to %scan3A_115 step %scan3A_116 iter_args(%scan3A_146 = %scan3A_109, %scan3A_147 = %scan3A_110, %scan3A_148 = %scan3A_111, %scan3A_149 = %scan3A_112) -> (i1, i32, i32, i32)  : i32 {
      %mul3A_150 = arith.constant 16 : i32
      %mul3A_151 = arith.muli %parallel_loop3A_108#1, %mul3A_150 : i32
      %sub3A_152 = arith.constant 15 : i32
      %sub3A_153 = arith.subi %sub3A_152, %scan3A_145 : i32
      %add3A_154 = arith.addi %mul3A_151, %sub3A_153 : i32
      %mul3A_155 = arith.constant 16 : i32
      %mul3A_156 = arith.muli %add3A_154, %mul3A_155 : i32
      %get3A = arith.index_cast %mul3A_156 : i32 to index
      %get3A_157 = tpu.vector_load %arg7[%get3A] {strides = array<i32>} : memref<8192xi32, #tpu.memory_space<vmem>>, vector<16xi32>,
      %reduce_sum3A_158 = arith.constant true
      %reduce_sum3A_159 = vector.broadcast %reduce_sum3A_158 : i1 to vector<16xi1>
      %reduce_sum3A_160 = tpu.scan <sum>, %get3A_157 masked %reduce_sum3A_159 : vector<16xi32>, vector<16xi1> -> vector<16xi32>
      %reduce_sum3A_161 = vector.extract %reduce_sum3A_160[15] : i32 from vector<16xi32>
      %add3A_162 = arith.addi %scan3A_149, %reduce_sum3A_161 : i32
      %not3A = arith.constant true
      %not3A_163 = arith.xori %scan3A_146, %not3A : i1
      %ge3A = arith.cmpi sge, %add3A_162, %parallel_loop3A_108#2 : i32
      %and3A = arith.andi %not3A_163, %ge3A : i1
      %select_n3A_164 = arith.select %and3A, %add3A_154, %scan3A_147 : i32
      %sub3A_165 = arith.subi %parallel_loop3A_108#2, %scan3A_149 : i32
      %select_n3A_166 = arith.select %and3A, %sub3A_165, %scan3A_148 : i32
      %or3A_167 = arith.ori %scan3A_146, %and3A : i1
      scf.yield %or3A_167, %select_n3A_164, %select_n3A_166, %add3A_162 : i1, i32, i32, i32
    }
    %scan3A_118 = arith.constant 16 : i32
    %shift_left3A_119 = arith.constant 4 : i32
    %shift_left3A_120 = arith.shli %or3A_94, %shift_left3A_119 : i32
    %or3A_121 = arith.ori %shift_left3A_120, %scan3A_117#1 : i32
    %broadcast_in_dim3A_122 = vector.broadcast %or3A_121 : i32 to vector<16xi32>
    %parallel_loop3A_123 = arith.constant 0 : i32
    %parallel_loop3A_124 = arith.constant 1250 : i32
    %parallel_loop3A_125 = arith.constant 1 : i32
    %parallel_loop3A_126:2 = scf.for %parallel_loop3A_145 = %parallel_loop3A_123 to %parallel_loop3A_124 step %parallel_loop3A_125 iter_args(%parallel_loop3A_146 = %broadcast_in_dim3A_3, %parallel_loop3A_147 = %broadcast_in_dim3A_1) -> (vector<16xf32>, vector<16xi32>)  : i32 {
      %parallel_loop3A_148 = arith.constant 16 : i32
      %parallel_loop3A_149 = arith.muli %parallel_loop3A_145, %parallel_loop3A_148 : i32
      %parallel_loop3A_150 = arith.index_cast %parallel_loop3A_149 : i32 to index
      %parallel_loop3A_151 = tpu.vector_load %arg5[%parallel_loop3A_150] {strides = array<i32>} : memref<20000xf32, #tpu.memory_space<vmem>>, vector<16xf32>,
      %parallel_loop3A_152 = vector.bitcast %parallel_loop3A_151 : vector<16xf32> to vector<16xi32>
      %parallel_loop3A_153 = arith.cmpi sgt, %parallel_loop3A_152, %broadcast_in_dim3A_122 : vector<16xi32>
      %parallel_loop3A_154 = arith.constant 0.000000e+00 : f32
      %parallel_loop3A_155 = vector.broadcast %parallel_loop3A_154 : f32 to vector<16xf32>
      %parallel_loop3A_156 = arith.select %parallel_loop3A_153, %parallel_loop3A_151, %parallel_loop3A_155 : vector<16xi1>, vector<16xf32>
      %parallel_loop3A_157 = arith.addf %parallel_loop3A_146, %parallel_loop3A_156 : vector<16xf32>
      %parallel_loop3A_158 = arith.constant 1 : i32
      %parallel_loop3A_159 = arith.constant 0 : i32
      %parallel_loop3A_160 = vector.broadcast %parallel_loop3A_158 : i32 to vector<16xi32>
      %parallel_loop3A_161 = vector.broadcast %parallel_loop3A_159 : i32 to vector<16xi32>
      %parallel_loop3A_162 = arith.select %parallel_loop3A_153, %parallel_loop3A_160, %parallel_loop3A_161 : vector<16xi1>, vector<16xi32>
      %parallel_loop3A_163 = arith.addi %parallel_loop3A_147, %parallel_loop3A_162 : vector<16xi32>
      scf.yield %parallel_loop3A_157, %parallel_loop3A_163 : vector<16xf32>, vector<16xi32>
    } {sc.loop_unroll_factor = 8 : i64, sc.parallel_access}
    %reduce_sum3A_127 = arith.constant true
    %reduce_sum3A_128 = vector.broadcast %reduce_sum3A_127 : i1 to vector<16xi1>
    %reduce_sum3A_129 = tpu.scan <sum>, %parallel_loop3A_126#0 masked %reduce_sum3A_128 : vector<16xf32>, vector<16xi1> -> vector<16xf32>
    %reduce_sum3A_130 = vector.extract %reduce_sum3A_129[15] : f32 from vector<16xf32>
    %reduce_sum3A_131 = arith.constant true
    %reduce_sum3A_132 = vector.broadcast %reduce_sum3A_131 : i1 to vector<16xi1>
    %reduce_sum3A_133 = tpu.scan <sum>, %parallel_loop3A_126#1 masked %reduce_sum3A_132 : vector<16xi32>, vector<16xi1> -> vector<16xi32>
    %reduce_sum3A_134 = vector.extract %reduce_sum3A_133[15] : i32 from vector<16xi32>
    %bitcast3A = vector.bitcast %broadcast_in_dim3A_122 : vector<16xi32> to vector<16xf32>
    %sub3A = arith.subi %min3A_25, %reduce_sum3A_134 : i32
    %broadcast_in_dim3A_135 = vector.broadcast %sub3A : i32 to vector<16xi32>
    %convert_element_type3A = arith.sitofp %broadcast_in_dim3A_135 : vector<16xi32> to vector<16xf32>
    %broadcast_in_dim3A_136 = vector.broadcast %min3A_25 : i32 to vector<16xi32>
    %gt3A = arith.constant 0 : i32
    %gt3A_137 = vector.broadcast %gt3A : i32 to vector<16xi32>
    %gt3A_138 = arith.cmpi sgt, %broadcast_in_dim3A_136, %gt3A_137 : vector<16xi32>
    %mul3A_139 = arith.mulf %bitcast3A, %convert_element_type3A : vector<16xf32>
    %jit3A = arith.constant 0.000000e+00 : f32
    %broadcast_in_dim3A_140 = vector.broadcast %jit3A : f32 to vector<16xf32>
    %select_n3A = arith.select %gt3A_138, %mul3A_139, %broadcast_in_dim3A_140 : vector<16xi1>, vector<16xf32>
    %add3A_141 = arith.addf %reduce_sum3A_22, %reduce_sum3A_130 : f32
    %broadcast_in_dim3A_142 = vector.broadcast %add3A_141 : f32 to vector<16xf32>
    %add3A_143 = arith.addf %broadcast_in_dim3A_142, %select_n3A : vector<16xf32>
    %swap3A = arith.constant 0 : index
    %swap3A_144 = tpu.vector_load %arg8[%swap3A] {strides = array<i32>} : memref<16xf32, #tpu.memory_space<vmem>>, vector<16xf32>,
    tpu.vector_store %arg8[%swap3A], %add3A_143 {strides = array<i32>} : memref<16xf32, #tpu.memory_space<vmem>>, vector<16xf32>,
    "tpu.region"() ({
      %run_scoped3A = tpu.sem_alloc : memref<!tpu.dma_semaphore, #tpu.memory_space<semaphore_mem>>
      %dma_start3A = arith.constant 0 : i32
      %dma_start3A_145 = tpu.memref_slice %arg4[%add3A, %dma_start3A] : memref<32x16xf32, #tpu.memory_space<hbm>> -> memref<1x16xf32, #tpu.memory_space<hbm>>
      %dma_start3A_146 = tpu.memref_squeeze %dma_start3A_145 : memref<1x16xf32, #tpu.memory_space<hbm>> -> memref<16xf32, #tpu.memory_space<hbm>>
      %dma_start3A_147 = arith.constant 0 : i32
      %dma_start3A_148 = tpu.memref_slice %arg4[%add3A, %dma_start3A_147] : memref<32x16xf32, #tpu.memory_space<hbm>> -> memref<1x16xf32, #tpu.memory_space<hbm>>
      %dma_start3A_149 = tpu.memref_squeeze %dma_start3A_148 : memref<1x16xf32, #tpu.memory_space<hbm>> -> memref<16xf32, #tpu.memory_space<hbm>>
      tpu.enqueue_dma source(%arg8 : memref<16xf32, #tpu.memory_space<vmem>>) target(%dma_start3A_149 : memref<16xf32, #tpu.memory_space<hbm>>) target_semaphore(%run_scoped3A : memref<!tpu.dma_semaphore, #tpu.memory_space<semaphore_mem>>)
      %dma_wait3A = arith.constant 0 : i32
      %dma_wait3A_150 = tpu.memref_slice %arg4[%add3A, %dma_wait3A] : memref<32x16xf32, #tpu.memory_space<hbm>> -> memref<1x16xf32, #tpu.memory_space<hbm>>
      %dma_wait3A_151 = tpu.memref_squeeze %dma_wait3A_150 : memref<1x16xf32, #tpu.memory_space<hbm>> -> memref<16xf32, #tpu.memory_space<hbm>>
      %dma_wait3A_152 = arith.constant 0 : i32
      %dma_wait3A_153 = tpu.memref_slice %arg4[%add3A, %dma_wait3A_152] : memref<32x16xf32, #tpu.memory_space<hbm>> -> memref<1x16xf32, #tpu.memory_space<hbm>>
      %dma_wait3A_154 = tpu.memref_squeeze %dma_wait3A_153 : memref<1x16xf32, #tpu.memory_space<hbm>> -> memref<16xf32, #tpu.memory_space<hbm>>
      tpu.wait_dma2 semaphore(%run_scoped3A : memref<!tpu.dma_semaphore, #tpu.memory_space<semaphore_mem>>) src(%arg8 : memref<16xf32, #tpu.memory_space<vmem>>) dst(%dma_wait3A_154 : memref<16xf32, #tpu.memory_space<hbm>>)
      tpu.yield
    }) : () -> ()
    return
  }
}

module attributes {stable_mosaic.version = 14 : i64} {
  func.func @_ce_kernel(%arg0: i32, %arg1: i32, %arg2: memref<81x8x4096xf32, #tpu.memory_space<vmem>>, %arg3: memref<8x4096xi32, #tpu.memory_space<vmem>>, %arg4: memref<8x4096xf32, #tpu.memory_space<vmem>>) attributes {dimension_semantics = [#tpu.dimension_semantics<arbitrary>, #tpu.dimension_semantics<arbitrary>], iteration_bounds = array<i64: 4, 5>, scalar_prefetch = 0 : i64, scratch_operands = 0 : i64, tpu.core_type = #tpu.core_type<tc>, window_params = [{transform_indices = @transform_0, window_bounds = array<i64: 81, 8, 4096>}, {transform_indices = @transform_1, window_bounds = array<i64: 8, 4096>}, {transform_indices = @transform_2, window_bounds = array<i64: 8, 4096>}]} {
    %get3A = arith.constant 0 : index
    %get3A_0 = arith.constant 0 : index
    %get3A_1 = arith.constant 0 : index
    %get3A_2 = vector.load %arg2[%get3A, %get3A_0, %get3A_1] : memref<81x8x4096xf32, #tpu.memory_space<vmem>>, vector<81x8x4096xf32>
    %get3A_3 = arith.constant 0 : index
    %get3A_4 = arith.constant 0 : index
    %get3A_5 = vector.load %arg3[%get3A_3, %get3A_4] : memref<8x4096xi32, #tpu.memory_space<vmem>>, vector<8x4096xi32>
    %reduce_max3A = arith.constant dense<0xFF800000> : vector<8x4096xf32>
    %reduce_max3A_6 = vector.multi_reduction <maximumf>, %get3A_2, %reduce_max3A [0] : vector<81x8x4096xf32> to vector<8x4096xf32>
    %broadcast_in_dim3A = vector.shape_cast %reduce_max3A_6 : vector<8x4096xf32> to vector<1x8x4096xf32>
    %sub3A = vector.broadcast %broadcast_in_dim3A : vector<1x8x4096xf32> to vector<81x8x4096xf32>
    %sub3A_7 = arith.subf %get3A_2, %sub3A : vector<81x8x4096xf32>
    %exp3A = math.exp %sub3A_7 : vector<81x8x4096xf32>
    %reduce_sum3A = arith.constant dense<0.000000e+00> : vector<8x4096xf32>
    %reduce_sum3A_8 = vector.multi_reduction <add>, %exp3A, %reduce_sum3A [0] : vector<81x8x4096xf32> to vector<8x4096xf32>
    %broadcast_in_dim3A_9 = vector.shape_cast %reduce_sum3A_8 : vector<8x4096xf32> to vector<1x8x4096xf32>
    %squeeze3A = vector.shape_cast %broadcast_in_dim3A : vector<1x8x4096xf32> to vector<8x4096xf32>
    %squeeze3A_10 = vector.shape_cast %broadcast_in_dim3A_9 : vector<1x8x4096xf32> to vector<8x4096xf32>
    %log3A = math.log %squeeze3A_10 : vector<8x4096xf32>
    %add3A = arith.addf %squeeze3A, %log3A : vector<8x4096xf32>
    %iota3A = tpu.iota {dimensions = array<i32: 0>} : vector<81x8x4096xi32>
    %broadcast_in_dim3A_11 = vector.shape_cast %get3A_5 : vector<8x4096xi32> to vector<1x8x4096xi32>
    %eq3A = vector.broadcast %broadcast_in_dim3A_11 : vector<1x8x4096xi32> to vector<81x8x4096xi32>
    %eq3A_12 = arith.cmpi eq, %iota3A, %eq3A : vector<81x8x4096xi32>
    %jit3A = arith.constant 0.000000e+00 : f32
    %broadcast_in_dim3A_13 = vector.broadcast %jit3A : f32 to vector<81x8x4096xf32>
    %select_n3A = arith.select %eq3A_12, %get3A_2, %broadcast_in_dim3A_13 : vector<81x8x4096xi1>, vector<81x8x4096xf32>
    %reduce_sum3A_14 = arith.constant dense<0.000000e+00> : vector<8x4096xf32>
    %reduce_sum3A_15 = vector.multi_reduction <add>, %select_n3A, %reduce_sum3A_14 [0] : vector<81x8x4096xf32> to vector<8x4096xf32>
    %sub3A_16 = arith.subf %add3A, %reduce_sum3A_15 : vector<8x4096xf32>
    %swap3A = arith.constant 0 : index
    %swap3A_17 = arith.constant 0 : index
    %swap3A_18 = vector.load %arg4[%swap3A, %swap3A_17] : memref<8x4096xf32, #tpu.memory_space<vmem>>, vector<8x4096xf32>
    tpu.vector_store %arg4[%swap3A, %swap3A_17], %sub3A_16 {strides = array<i32>} : memref<8x4096xf32, #tpu.memory_space<vmem>>, vector<8x4096xf32>,
    return
  }
  func.func @transform_0(%arg0: i32, %arg1: i32) -> (i32, i32, i32) {
    %c0_i32 = arith.constant 0 : i32
    %c0_i32_0 = arith.constant 0 : i32
    return %c0_i32, %arg0, %arg1 : i32, i32, i32
  }
  func.func @transform_1(%arg0: i32, %arg1: i32) -> (i32, i32) {
    %c0_i32 = arith.constant 0 : i32
    return %arg0, %arg1 : i32, i32
  }
  func.func @transform_2(%arg0: i32, %arg1: i32) -> (i32, i32) {
    %c0_i32 = arith.constant 0 : i32
    return %arg0, %arg1 : i32, i32
  }
}

</mosaic_0001>

<sc_bundles>
// kernel: kernel.4.cloned.1.call-start
scs
__scs_entry_jumppad:
0x0: {  	(pc) =	sbr.rel $0x88, $3  }
0x1: {  	(tag) =	ssettag $0x0;
	lr =	simm.s32 $0x1  }
0x2: {  	[smem:$0x3F9F] =	sst lr;
	_ =	strace $0xD0000000  }
0x3: {  	_ = 	snop  }
0x4: {  	_ = 	snop  }
0x5: {  	_ = 	snop  }
0x6: {  	_ = 	snop  }
0x7: {  	_ = 	snop  }
__scs_overlays_trampoline_lowered:
0x8: {  	[smem:$0x3FAE] =	sst s0  }
0x9: {  	[smem:$0x3FAF] =	sst s1  }
0xa: {  	[smem:$0x3FB0] =	sst s2  }
0xb: {  	[smem:$0x3FB1] =	sst s3  }
0xc: {  	[smem:$0x3FB2] =	sst s4  }
0xd: {  	[smem:$0x3FB3] =	sst s5  }
0xe: {  	[smem:$0x3FB4] =	sst s6  }
0xf: {  	[smem:$0x3FB5] =	sst s7  }
0x10: {  	[smem:$0x3FB6] =	sst s8  }
0x11: {  	[smem:$0x3FB7] =	sst s9;
	s0 =	simm.s32 @!p0 $0x0  }
0x12: {  	s1 =	sld [smem:$0x3F9D];
	s0 =	simm.s32 @p0 $0x1  }
0x13: {  	[smem:$0x3FB8] =	sst s0;
	s0 =	simm.s32 @!p1 $0x0  }
0x14: {  	s2 =	sld [smem:$0x3F9C];
	s0 =	simm.s32 @p1 $0x1  }
0x15: {  	[smem:$0x3FB9] =	sst s0;
	s0 =	simm.s32 @!p2 $0x0  }
0x16: {  	s3 =	sld [smem:$0x3FDB];
	s0 =	simm.s32 @p2 $0x1  }
0x17: {  	s4 =	simm.s32 $0x1BF5;
	[smem:$0x3FBB] =	sst s0  }
0x18: {  	s0 =	sld [smem:$0x3F9E];
	_ =	swait.ge [sflag:s4], $0x0  }
0x19: {  	s7 =	sld [smem:$0x3F9F]  }
0x1a: {  	s8 =	sadd.s32 $0xFFFFE003, lr  }
0x1b: {  	s9 =	sadd.s32 $0xFFFFFEF7, lr;
	s5 =	simm.s32 $0xFFFFFFFF;
	p2 =	slt.u32 s8, $0xFFFFF086  }
0x1c: {  	p1 =	slt.u32 s9, $0xF7A;
	s5 =	simm.s32 @!p2 $0x0  }
0x1d: {  	s5 =	simm.s32 @p1 $0x1;
	p0 =	seq.s32 s7, s2  }
0x1e: {  	s7 =	smul.u32 @!p0 $0xF7A, s2;
	p2 =	seq.s32 @!p0 s5, $0x0  }
0x1f: {  	s9 =	smul.u32 $0xF7A, s1;
	s8 =	simm.s32 @!p0 $0x1BF5;
	p2 =	por !p2, p0  }
0x20: {  	[sflag:s8] =	ssyncset.s32 @!p0 $0xFFFFF086;
	s6 =	sadd.s32 @!p0 s3, s7;
	s7 =	simm.s32 @!p0 $0x108  }
0x21: {  	s3 =	sadd.s32 s3, s9;
	s6 =	sadd.s32 @!p0 $0x88, s6;
	s7 =	simm.s32 @p2 $0x1082  }
0x22: {  	[simem:s7], [sflag:s8] =	dma.local @!p0 [hbm:s6], $0xF7A  }
0x23: {  	s9 =	sor.u32 $0xD0000000, s2;
	s6 =	simm.s32 $0x108;
	_ =	swait.ge @!p0 [sflag:s8], $0x0  }
0x24: {  	s3 =	sadd.s32 $0x88, s3;
	s6 =	simm.s32 @!p1 $0x1082;
	[sflag:s4] =	ssyncset.s32 $0xFFFFF086  }
0x25: {  	[simem:s6], [sflag:s4] =	dma.local [hbm:s3], $0xF7A  }
0x26: {  	[smem:$0x3F9F] =	sst s1;
	(tag) =	ssettag s2;
	_ =	strace s9  }
0x27: {  	s1 =	sld [smem:$0x3FAF]  }
0x28: {  	s2 =	sld [smem:$0x3FB0]  }
0x29: {  	s4 =	sld [smem:$0x3FB2]  }
0x2a: {  	p0 =	seq.s32 s5, $0x0;
	s5 =	sld [smem:$0x3FB3]  }
0x2b: {  	s6 =	sld [smem:$0x3FB4]  }
0x2c: {  	s7 =	sld [smem:$0x3FB5]  }
0x2d: {  	s3 =	simm.s32 $0x108;
	s8 =	sld [smem:$0x3FB6]  }
0x2e: {  	s3 =	simm.s32 @!p0 $0x1082;
	s9 =	sld [smem:$0x3FB7]  }
0x2f: {  	lr =	sadd.s32 s0, s3;
	s0 =	sld [smem:$0x3FAE]  }
0x30: {  	s3 =	sld [smem:$0x3FB1]  }
0x31: {  	[smem:$0x3FBA] =	sst s10  }
0x32: {  	s10 =	sld [smem:$0x3FB8];
	_ =	sdelay $0x3  }
0x33: {  	p0 =	seq.s32 s10, $0x1;
	s10 =	sld [smem:$0x3FBA];
	_ =	sdelay $0x3  }
0x34: {  	[smem:$0x3FBA] =	sst s10  }
0x35: {  	s10 =	sld [smem:$0x3FB9];
	_ =	sdelay $0x3  }
0x36: {  	p1 =	seq.s32 s10, $0x1;
	s10 =	sld [smem:$0x3FBA];
	_ =	sdelay $0x3  }
0x37: {  	[smem:$0x3FBA] =	sst s10  }
0x38: {  	s10 =	sld [smem:$0x3FBB]  }
0x39: {  	_ = 	snop;
	(pc) =	sbr.ind lr, $3  }
0x3a: {  	_ = 	snop  }
0x3b: {  	_ = 	snop  }
0x3c: {  	p2 =	seq.s32 s10, $0x1;
	s10 =	sld [smem:$0x3FBA]  }
0x3d: {  	_ =	shalt  }
0x3e: {  	_ =	shalt  }
0x3f: {  	_ =	shalt  }
0x40: {  	_ =	shalt  }
0x41: {  	_ =	shalt  }
0x42: {  	_ =	shalt  }
0x43: {  	_ =	shalt  }
0x44: {  	_ =	shalt  }
0x45: {  	_ =	shalt  }
0x46: {  	_ =	shalt  }
0x47: {  	_ =	shalt  }
0x48: {  	_ =	shalt  }
0x49: {  	_ =	shalt  }
0x4a: {  	_ =	shalt  }
0x4b: {  	_ =	shalt  }
0x4c: {  	_ =	shalt  }
0x4d: {  	_ =	shalt  }
0x4e: {  	_ =	shalt  }
0x4f: {  	_ =	shalt  }
0x50: {  	_ =	shalt  }
0x51: {  	_ =	shalt  }
0x52: {  	_ =	shalt  }
0x53: {  	_ =	shalt  }
0x54: {  	_ =	shalt  }
0x55: {  	_ =	shalt  }
0x56: {  	_ =	shalt  }
0x57: {  	_ =	shalt  }
0x58: {  	_ =	shalt  }
0x59: {  	_ =	shalt  }
0x5a: {  	_ =	shalt  }
0x5b: {  	_ =	shalt  }
0x5c: {  	_ =	shalt  }
0x5d: {  	_ =	shalt  }
0x5e: {  	_ =	shalt  }
0x5f: {  	_ =	shalt  }
0x60: {  	_ =	shalt  }
0x61: {  	_ =	shalt  }
0x62: {  	_ =	shalt  }
0x63: {  	_ =	shalt  }
0x64: {  	_ =	shalt  }
0x65: {  	_ =	shalt  }
0x66: {  	_ =	shalt  }
0x67: {  	_ =	shalt  }
0x68: {  	_ =	shalt  }
0x69: {  	_ =	shalt  }
0x6a: {  	_ =	shalt  }
0x6b: {  	_ =	shalt  }
0x6c: {  	_ =	shalt  }
0x6d: {  	_ =	shalt  }
0x6e: {  	_ =	shalt  }
0x6f: {  	_ =	shalt  }
0x70: {  	_ =	shalt  }
0x71: {  	_ =	shalt  }
0x72: {  	_ =	shalt  }
0x73: {  	_ =	shalt  }
0x74: {  	_ =	shalt  }
0x75: {  	_ =	shalt  }
0x76: {  	_ =	shalt  }
0x77: {  	_ =	shalt  }
0x78: {  	_ =	shalt  }
0x79: {  	_ =	shalt  }
0x7a: {  	_ =	shalt  }
0x7b: {  	_ =	shalt  }
0x7c: {  	_ =	shalt  }
0x7d: {  	_ =	shalt  }
0x7e: {  	_ =	shalt  }
0x7f: {  	_ =	shalt  }
0x80: {  	_ =	shalt  }
0x81: {  	_ =	shalt  }
0x82: {  	_ =	shalt  }
0x83: {  	_ =	shalt  }
0x84: {  	_ =	shalt  }
0x85: {  	_ =	shalt  }
0x86: {  	_ =	shalt  }
0x87: {  	_ =	shalt  }
.Lfunc_end0:
.L_simem_size_0:
called_computation_lowered:
.L_overlay_start_0:
0x88: {  	s2 =	sld [smem:$0x3FD9]  }
0x89: {  	s3 =	sld [smem:$0x3FFE];
	_ =	sdelay $0x1  }
0x8a: {  	s1 =	srdreg.scid  }
0x8b: {  	s0 =	sand.u32 $0x1, s1  }
0x8c: {  	s17 =	sshll.u32 s0, $0xA;
	s2 =	sadd.s32 s3, s2  }
0x8d: {  	s2 =	sadd.s32 s2, s17  }
0x8e: {  	[smem:$0x3FC6] =	sst s2  }
0x8f: {  	_ = 	snop  }
0x90: {  	s2 =	sld [smem:$0x3FC8];
	(tm) =	ssettm $0x1  }
0x91: {  	s18 =	sld [smem:$0x3FFB];
	_ =	sdelay $0x3  }
0x92: {  	_ =	strace s18  }
0x93: {  	s3 =	sld [smem:$0x3FFC];
	_ =	sdelay $0x3  }
0x94: {  	_ =	strace s3  }
0x95: {  	s3 =	sld [smem:$0x3FFD];
	_ =	sdelay $0x3  }
0x96: {  	_ =	strace s3  }
0x97: {  	_ =	strace $0x8FFFFFFF  }
0x98: {  	s19 =	sld [smem:$0x3FDB];
	_ =	sdelay $0x1  }
0x99: {  	s4 =	simm.s32 $_scs_section_size  }
0x9a: {  	s5 =	simm.s32 $_size__tile_overlayer_lowered;
	s6 =	simm.s32 $_tile_overlayer_lowered  }
0x9b: {  	s22 =	simm.s32 $0x1BFF;
	s21 =	sshll.u32 s6, $0x1;
	s3 =	sadd.s32 s4, s19  }
0x9c: {  	s7 =	simm.s32 $0x0;
	s20 =	sshll.u32 s5, $0x1;
	s5 =	sadd.s32 s21, s3  }
0x9d: {  	[timem:s7], [sflag:s22] =	dma.local [hbm:s5], s20  }
0x9e: {  	_ =	swait.ge [sflag:s22], s20  }
0x9f: {  	s4 =	ssub.s32 $0x0, s20;
	[sflag:s22] =	ssyncset.done $0x0  }
0xa0: {  	[sflag:s22] =	ssyncadd.s32 s4;
	_ =	sdelay $0x1  }
0xa1: {  	s23 =	simm.s32 $0x1B8B  }
0xa2: {  	_ =	swait.ge [sflag:s23], $0x1  }
0xa3: {  	[sflag:s23] =	ssyncset.done $0x0  }
0xa4: {  	s25 =	simm.s32 $0x1B8E;
	s24 =	sld [smem:$0x3FFE];
	[sflag:s23] =	ssyncadd.s32 $0xFFFFFFFF  }
0xa5: {  	s26 =	simm.s32 $execute0_lowered;
	[smem:$0x3FD2] =	sst s25  }
0xa6: {  	s5 =	sshll.u32 s26, $0x1;
	_ =	strace $0x80000046;
	[dreg:$0x1] =	wrdreg $0xFFFFFFFF  }
0xa7: {  	s28 =	simm.s32 $_size_execute0_lowered;
	s3 =	sadd.s32 s3, s5;
	[dreg:$0x0] =	wrdreg $0x0  }
0xa8: {  	s5 =	sshll.u32 s28, $0x1;
	[dreg:$0x2] =	wrdreg s3  }
0xa9: {  	[dreg:$0x3] =	wrdreg s5  }
0xaa: {  	[dreg:$0x4] =	wrdreg $0xC0  }
0xab: {  	_ =	task [dreg:s7], $0x5FFFF  }
0xac: {  	[dreg:$0x1] =	wrdreg $0xFFFFFFFF  }
0xad: {  	[dreg:$0x0] =	wrdreg $0x60  }
0xae: {  	[dreg:$0x2] =	wrdreg s24  }
0xaf: {  	[dreg:$0x3] =	wrdreg s2  }
0xb0: {  	[dreg:$0x4] =	wrdreg $0x9  }
0xb1: {  	_ =	task.clear_ibuf [dreg:s7], $0x5FFFF;
	_ =	strace $0x90000046  }
0xb2: {  	s29 =	simm.s32 $0x9;
	_ =	strace $0x80000048  }
0xb3: {  	_ =	swait.ge [sflag:s29], $0x1  }
0xb4: {  	[sflag:s29] =	ssyncadd.s32 $0xFFFFFFFF  }
0xb5: {  	_ =	strace $0x90000048  }
0xb6: {  	_ =	sfence  }
0xb7: {  	s30 =	sld [smem:$0x0];
	_ =	sdelay $0x2  }
0xb8: {  	s31 =	sshll.u32 s1, $0xD;
	s1 =	sshrl.u32 s1, $0x2  }
0xb9: {  	s3 =	sand.u32 $0x4000, s31;
	s1 =	sadd.s32 s1, s30  }
0xba: {  	s0 =	sor.u32 s3, s0;
	s1 =	sshll.u32 s1, $0x11  }
0xbb: {  	s0 =	sor.u32 s1, s0  }
0xbc: {  	s0 =	sadd.s32 $0x8F2B, s0  }
0xbd: {  	[sflag:s0] =	ssyncadd.remote.s32 $0x1  }
0xbe: {  	_ =	sfence.sel $0xFFFF  }
0xbf: {  	[dreg:$0x0] =	wrdreg $0xFFFFFFFF;
	(pc) =	sbr.abs _section_cstart, $3  }
0xc0: {  	[dreg:$0x1] =	wrdreg $0xFFFFFFFF  }
0xc1: {  	_ =	task.clear_ibuf [dreg:s7], $0x2FFFF;
	_ =	strace $0x9FFFFFFF  }
0xc2: {  	(tm) =	ssettm $0x7FFFFFFF  }
0xc3: {  	_ =	shalt  }
tec
execute0_lowered:
.L_overlay_start_1:
0x0: {  	(tag) =	ssettag $0x1  }
0x1: {  	s3 =	rddreg [dreg:$0x0]  }
0x2: {  	s4 =	rddreg [dreg:$0x1]  }
0x3: {  	s0 =	rddreg [dreg:$0x2]  }
0x4: {  	s2 =	simm.s32 $0x0;
	s5 =	srdreg.scid;
	s1 =	stileid.u32  }
0x5: {  	s10 =	simm.s32 $0x4E80;
	s11 =	simm.s32 $0x9D00;
	s12 =	simm.s32 $0xBD00  }
0x6: {  	s13 =	simm.s32 $0x0;
	s5 =	sand.u32 $0x1, s5;
	s6 =	sshrl.u32 s1, $0x2  }
0x7: {  	s7 =	sshll.u32 s1, $0x8;
	[smem:$0x7FF] =	sst s2;
	s8 =	sshll.u32 s5, $0x7  }
0x8: {  	s7 =	sand.u32 $0x300, s7;
	s9 =	smul.u32 $0x27400, s6;
	s6 =	sshll.u32 s6, $0xA  }
0x9: {  	_ =	strace $0x80000047;
	s5 =	ssub.s32 $0x2, s5;
	s7 =	sor.u32 s8, s7  }
0xa: {  	s30 =	sshrl.u32 s5, $0x1;
	s8 =	sor.u32 s9, s7;
	s6 =	sor.u32 s6, s7  }
0xb: {  	s31 =	ssub.s32 s5, s30;
	s7 =	simm.s32 $0x80;
	s29 =	sshrl.u32 s8, $0x3  }
0xc: {  	s9 =	simm.s32 $0x1;
	s6 =	sshrl.u32 s6, $0x3;
	s8 =	sadd.s32 s29, s3  }
0xd: {  	s6 =	sadd.s32 s6, s3;
	s4 =	sadd.s32 s4, s29;
	s3 =	sadd.s32 $0x400, s8  }
0xe: {  	v0 =	vimm.s32 $0x0;
	v1 =	vlaneseq.u32;
	v2 =	vimm.s32 $0x1;
	s5 =	sadd.s32 $0x13E00, s6;
	s6 =	smax.u32 s31, $0x1;
	s8 =	simm.s32 $0x400  }
.LBB2_1:
0xf: {  	[tilespmem:s2], [sflag:$0x1] =	stream.strided.gather [hbm4b:s3+s7], $0x4E80, s8, s7, $0x38;
	[tilespmem:$0xBD80] =	vst v63  }
0x10: {  	_ =	swait.ge [sflag:s9], $0x4E80  }
0x11: {  	[sflag:s9] =	ssyncset.done $0x0  }
0x12: {  	[sflag:s9] =	ssyncadd.s32 $0xFFFFB180  }
0x13: {  	[tilespmem:s10], [sflag:$0x1] =	stream.strided.gather [hbm4b:s4+s7], $0x4E80, s8, s7, $0x38;
	[tilespmem:$0xBD80] =	vst v63  }
0x14: {  	_ =	swait.ge [sflag:s9], $0x4E80  }
0x15: {  	[sflag:s9] =	ssyncset.done $0x0  }
0x16: {  	s16 =	simm.s32 $0x9D40;
	[sflag:s9] =	ssyncadd.s32 $0xFFFFB180  }
0x17: {  	[tilespmem:s16+$0x30] =	vst v0  }
0x18: {  	[tilespmem:s16+$0xFFFFFFC0] =	vst v0  }
0x19: {  	[tilespmem:s16+$0xFFFFFFD0] =	vst v0  }
0x1a: {  	[tilespmem:s16+$0xFFFFFFE0] =	vst v0  }
0x1b: {  	[tilespmem:s16+$0xFFFFFFF0] =	vst v0  }
0x1c: {  	[tilespmem:s16+$0x0] =	vst v0  }
0x1d: {  	s17 =	simm.s32 $0x0;
	v4 =	vimm.f32 $0.0e+00;
	s14 =	simm.s32 $0x40;
	s15 =	simm.s32 $0x4EC0;
	v3 =	vimm.s32 $0x0;
	[tilespmem:s16+$0x10] =	vst v0  }
.LBB2_2:
0x1e: {  	s17 =	sadd.s32 $0x8, s17;
	[tilespmem:s16+$0x20] =	vst v3;
	v3 =	vimm.s32 $0x0;
	s16 =	sadd.s32 $0x80, s16  }
0x1f: {  	[tilespmem:s16+$0x30] =	vst v3;
	p0 =	slt.u32 s17, $0x1F8  }
0x20: {  	[tilespmem:s16+$0xFFFFFFC0] =	vst v3  }
.Ltmp0:
0x21: {  	[tilespmem:s16+$0xFFFFFFD0] =	vst v3;
	(pc) =	sbr.rel @p0 .LBB2_2-.Ltmp0, $4  }
0x22: {  	[tilespmem:s16+$0xFFFFFFE0] =	vst v3  }
0x23: {  	[tilespmem:s16+$0xFFFFFFF0] =	vst v3  }
0x24: {  	[tilespmem:s16+$0x0] =	vst v3  }
0x25: {  	[tilespmem:s16+$0x10] =	vst v3  }
0x26: {  	[tilespmem:s16+$0x20] =	vst v3  }
0x27: {  	v5 =	vld [tilespmem:s14+$0xFFFFFFF0]  }
0x28: {  	v6 =	vld [tilespmem:s15+$0x0]  }
0x29: {  	v7 =	vld [tilespmem:s15+$0x10]  }
0x2a: {  	v8 =	vld [tilespmem:s15+$0xFFFFFFC0]  }
0x2b: {  	v9 =	vld [tilespmem:s14+$0xFFFFFFC0]  }
0x2c: {  	v10 =	vld [tilespmem:s15+$0xFFFFFFD0]  }
0x2d: {  	v12 =	vld [tilespmem:s15+$0xFFFFFFE0]  }
0x2e: {  	v14 =	vld [tilespmem:s15+$0xFFFFFFF0]  }
0x2f: {  	v11 =	vld [tilespmem:s14+$0xFFFFFFD0]  }
0x30: {  	v16 =	vld [tilespmem:s15+$0x30]  }
0x31: {  	vm2 =	vgt.s32 v8, $0x0;
	v8 =	vld [tilespmem:s14+$0xFFFFFFE0]  }
0x32: {  	vm6 =	vgt.s32 v10, $0x0;
	v10 =	vld [tilespmem:s15+$0x20];
	vm3 =	vgt.s32 v12, $0x0;
	v13 =	vnsel vm2, $0x0, v9  }
0x33: {  	v12 =	vld [tilespmem:s14+$0x0];
	vm4 =	vgt.s32 v14, $0x0;
	vm5 =	vgt.s32 v6, $0x0;
	v4 =	vadd.f32 v13, v4  }
0x34: {  	vm1 =	vgt.s32 v7, $0x0;
	v14 =	vld [tilespmem:s14+$0x30];
	v9 =	vmax.f32 v9, $0.0e+00;
	v15 =	vnsel vm6, $0x0, v11  }
0x35: {  	v11 =	vmax.f32 v11, $0.0e+00;
	v6 =	vsel vm2, $0x1, v0;
	v4 =	vadd.f32 v15, v4  }
0x36: {  	v13 =	vmax.f32 v5, $0.0e+00;
	v15 =	vsel vm6, $0x0, v11;
	v11 =	vnsel vm3, $0x0, v8  }
0x37: {  	v9 =	vsel vm2, $0x0, v9;
	v5 =	vnsel vm4, $0x0, v5;
	v4 =	vadd.f32 v11, v4;
	v11 =	vld [tilespmem:s14+$0x10]  }
0x38: {  	vm2 =	vgt.s32 v16, $0x0;
	v3 =	vadd.s32 v6, v3;
	vm0 =	vgt.s32 v10, $0x0  }
0x39: {  	v6 =	vnsel vm5, $0x0, v12;
	v10 =	vnsel vm2, $0x0, v14;
	v4 =	vadd.f32 v5, v4  }
0x3a: {  	v7 =	vld [tilespmem:s14+$0x20];
	v8 =	vmax.f32 v8, $0.0e+00;
	v63 =	vmax.f32 v12, $0.0e+00;
	v5 =	vsel vm6, $0x1, v0  }
0x3b: {  	v3 =	vadd.s32 v5, v3;
	v5 =	vsel vm3, $0x1, v0;
	v4 =	vadd.f32 v6, v4  }
0x3c: {  	v3 =	vadd.s32 v5, v3;
	v5 =	vsel vm4, $0x1, v0;
	v6 =	vnsel vm1, $0x0, v11  }
0x3d: {  	v3 =	vadd.s32 v5, v3;
	v5 =	vsel vm5, $0x1, v0;
	v12 =	vmax.f32 v11, $0.0e+00  }
0x3e: {  	v4 =	vadd.f32 v6, v4;
	v3 =	vadd.s32 v5, v3;
	v5 =	vsel vm1, $0x1, v0  }
0x3f: {  	v6 =	vnsel vm0, $0x0, v7;
	v3 =	vadd.s32 v5, v3;
	v5 =	vsel vm0, $0x1, v0  }
0x40: {  	v11 =	vmax.f32 v14, $0.0e+00;
	v6 =	vadd.f32 v6, v4;
	v3 =	vadd.s32 v5, v3  }
0x41: {  	[tilespmem:s14+$0xFFFFFFC0] =	vst v9;
	v4 =	vsel vm2, $0x1, v0;
	v5 =	vshra.s32 v9, $0x12;
	v9 =	vsel vm3, $0x0, v8  }
0x42: {  	v8 =	vsel vm5, $0x0, v63;
	v4 =	vadd.s32 v4, v3;
	v3 =	vadd.f32 v10, v6  }
0x43: {  	s16 =	simm.s32 $0x0;
	s17 =	simm.s32 $0xC0;
	[tilespmem:s14+$0xFFFFFFD0] =	vst v15;
	v6 =	vshra.s32 v15, $0x12;
	v10 =	vmax.f32 v7, $0.0e+00;
	v7 =	vsel vm4, $0x0, v13  }
.LBB2_4:
0x44: {  	v13 =	vld [tilespmem:s17+$0xFFFFFFF0];
	[tilespmem:s14+$0xFFFFFFE0] =	vst v9;
	v12 =	vsel vm1, $0x0, v12;
	v10 =	vsel vm0, $0x0, v10;
	v11 =	vsel vm2, $0x0, v11;
	s15 =	sadd.s32 $0x80, s15  }
0x45: {  	v9 =	vshra.s32 v9, $0x12;
	v15 =	vshra.s32 v8, $0x12;
	v14 =	vld [tilespmem:s15+$0x0];
	[tilespmem:s14+$0xFFFFFFF0] =	vst v7;
	v7 =	vshra.s32 v7, $0x12  }
0x46: {  	v17 =	vshra.s32 v10, $0x12;
	v18 =	vshra.s32 v11, $0x12;
	v16 =	vld [tilespmem:s15+$0x10];
	[tilespmem:s14+$0x0] =	vst v8;
	v8 =	vshra.s32 v12, $0x12  }
0x47: {  	s16 =	sadd.s32 $0x8, s16;
	v5 =	vand.u32 $0xFFFFFFF0, v5;
	v6 =	vand.u32 $0xFFFFFFF0, v6;
	v9 =	vand.u32 $0xFFFFFFF0, v9;
	v19 =	vld [tilespmem:s15+$0xFFFFFFC0];
	[tilespmem:s14+$0x10] =	vst v12  }
0x48: {  	p0 =	slt.u32 s16, $0x4D8;
	v15 =	vand.u32 $0xFFFFFFF0, v15;
	v7 =	vand.u32 $0xFFFFFFF0, v7;
	v8 =	vand.u32 $0xFFFFFFF0, v8;
	v12 =	vld [tilespmem:s17+$0xFFFFFFC0];
	[tilespmem:s14+$0x20] =	vst v10  }
0x49: {  	v17 =	vand.u32 $0xFFFFFFF0, v17;
	v10 =	vld [tilespmem:s15+$0xFFFFFFD0];
	v20 =	vmax.f32 v13, $0.0e+00;
	[tilespmem:s14+$0x30] =	vst v11;
	v11 =	vand.u32 $0xFFFFFFF0, v18;
	s14 =	smov.u32 s17  }
0x4a: {  	v21 =	vor.u32 v1, v5;
	v22 =	vor.u32 v1, v6;
	v9 =	vor.u32 v1, v9;
	v18 =	vld [tilespmem:s17+$0xFFFFFFD0]  }
0x4b: {  	v15 =	vor.u32 v1, v15;
	v7 =	vor.u32 v1, v7;
	v8 =	vor.u32 v1, v8;
	v6 =	vld [tilespmem:s15+$0xFFFFFFE0]  }
0x4c: {  	v17 =	vor.u32 v1, v17;
	v11 =	vor.u32 v1, v11;
	vm2 =	vgt.s32 v19, $0x0;
	v19 =	vld [tilespmem:s17+$0xFFFFFFE0]  }
0x4d: {  	v5 =	vnsel vm2, $0x0, v12;
	v12 =	vmax.f32 v12, $0.0e+00;
	v23 =	vld [tilespmem:s15+$0xFFFFFFF0]  }
0x4e: {  	v3 =	vadd.f32 v5, v3;
	v5 =	vsel vm2, $0x0, v12;
	vm6 =	vgt.s32 v10, $0x0;
	v10 =	vld [tilespmem:s15+$0x20]  }
0x4f: {  	[tilespmem:s17+$0xFFFFFFC0] =	vst v5;
	v5 =	vshra.s32 v5, $0x12;
	v12 =	vnsel vm6, $0x0, v18;
	v18 =	vmax.f32 v18, $0.0e+00;
	v24 =	vld [tilespmem:s15+$0x30]  }
0x50: {  	v3 =	vadd.f32 v12, v3;
	v12 =	vsel vm6, $0x0, v18;
	vm3 =	vgt.s32 v6, $0x0;
	v18 =	vld [tilespmem:s17+$0x0]  }
0x51: {  	v6 =	vshra.s32 v12, $0x12;
	v25 =	vnsel vm3, $0x0, v19;
	v19 =	vmax.f32 v19, $0.0e+00;
	[tilespmem:v21+s11+$0x0] =	vst.idx.add.s32.msk $0xffff, v2  }
0x52: {  	vm5 =	vgt.s32 v14, $0x0;
	[tilespmem:s17+$0xFFFFFFD0] =	vst v12;
	v3 =	vadd.f32 v25, v3;
	vm4 =	vgt.s32 v23, $0x0;
	v12 =	vld [tilespmem:s17+$0x10]  }
0x53: {  	vm1 =	vgt.s32 v16, $0x0;
	v13 =	vnsel vm4, $0x0, v13;
	vm0 =	vgt.s32 v10, $0x0;
	[tilespmem:v22+s11+$0x0] =	vst.idx.add.s32.msk $0xffff, v2  }
0x54: {  	v10 =	vsel vm2, $0x1, v0;
	v3 =	vadd.f32 v13, v3;
	v13 =	vld [tilespmem:s17+$0x20];
	vm2 =	vgt.s32 v24, $0x0  }
0x55: {  	v4 =	vadd.s32 v10, v4;
	v10 =	vsel vm6, $0x1, v0;
	v14 =	vnsel vm5, $0x0, v18;
	[tilespmem:v9+s11+$0x0] =	vst.idx.add.s32.msk $0xffff, v2  }
0x56: {  	v4 =	vadd.s32 v10, v4;
	v9 =	vsel vm3, $0x1, v0;
	v3 =	vadd.f32 v14, v3;
	v14 =	vld [tilespmem:s17+$0x30]  }
0x57: {  	v4 =	vadd.s32 v9, v4;
	v9 =	vsel vm4, $0x1, v0;
	v10 =	vnsel vm1, $0x0, v12;
	[tilespmem:v15+s11+$0x0] =	vst.idx.add.s32.msk $0xffff, v2  }
0x58: {  	v4 =	vadd.s32 v9, v4;
	v9 =	vsel vm5, $0x1, v0;
	v3 =	vadd.f32 v10, v3;
	[tilespmem:v8+s11+$0x0] =	vst.idx.add.s32.msk $0xffff, v2  }
0x59: {  	v4 =	vadd.s32 v9, v4;
	v8 =	vsel vm1, $0x1, v0;
	v9 =	vnsel vm0, $0x0, v13;
	[tilespmem:v17+s11+$0x0] =	vst.idx.add.s32.msk $0xffff, v2  }
.Ltmp1:
0x5a: {  	v4 =	vadd.s32 v8, v4;
	v8 =	vsel vm0, $0x1, v0;
	v3 =	vadd.f32 v9, v3;
	[tilespmem:v11+s11+$0x0] =	vst.idx.add.s32.msk $0xffff, v2;
	(pc) =	sbr.rel @p0 .LBB2_4-.Ltmp1, $4  }
0x5b: {  	v4 =	vadd.s32 v8, v4;
	v8 =	vsel vm2, $0x1, v0;
	v9 =	vnsel vm2, $0x0, v14;
	[tilespmem:v7+s11+$0x0] =	vst.idx.add.s32.msk $0xffff, v2  }
0x5c: {  	s18 =	simm.s32 $0x0;
	v15 =	vmax.f32 v18, $0.0e+00;
	v4 =	vadd.s32 v8, v4;
	v3 =	vadd.f32 v9, v3  }
0x5d: {  	v12 =	vmax.f32 v12, $0.0e+00;
	v10 =	vmax.f32 v13, $0.0e+00;
	v11 =	vmax.f32 v14, $0.0e+00  }
0x5e: {  	s17 =	sadd.s32 $0x80, s17;
	v7 =	vsel vm4, $0x0, v20;
	v8 =	vsel vm5, $0x0, v15;
	v9 =	vsel vm3, $0x0, v19  }
0x5f: {  	v12 =	vsel vm1, $0x0, v12  }
0x60: {  	[tilespmem:s14+$0xFFFFFFE0] =	vst v9;
	v10 =	vsel vm0, $0x0, v10;
	v11 =	vsel vm2, $0x0, v11;
	v5 =	vand.u32 $0xFFFFFFF0, v5  }
0x61: {  	v55 =	vshra.s32 v9, $0x12;
	[tilespmem:s14+$0xFFFFFFF0] =	vst v7;
	v6 =	vand.u32 $0xFFFFFFF0, v6;
	v5 =	vor.u32 v1, v5  }
0x62: {  	v13 =	vshra.s32 v8, $0x12;
	[tilespmem:s14+$0x0] =	vst v8;
	v56 =	vand.u32 $0xFFFFFFF0, v55;
	v6 =	vor.u32 v1, v6  }
0x63: {  	v57 =	vshra.s32 v12, $0x12;
	[tilespmem:s14+$0x10] =	vst v12;
	v58 =	vand.u32 $0xFFFFFFF0, v13;
	v8 =	vor.u32 v1, v56  }
0x64: {  	v59 =	vshra.s32 v10, $0x12;
	[tilespmem:s14+$0x20] =	vst v10;
	v9 =	vand.u32 $0xFFFFFFF0, v57;
	v60 =	vor.u32 v1, v58  }
0x65: {  	v61 =	vshra.s32 v11, $0x12;
	[tilespmem:s14+$0x30] =	vst v11;
	v13 =	vand.u32 $0xFFFFFFF0, v59;
	v9 =	vor.u32 v1, v9  }
0x66: {  	v7 =	vshra.s32 v7, $0x12;
	v62 =	vand.u32 $0xFFFFFFF0, v61;
	v63 =	vor.u32 v1, v13;
	[tilespmem:v5+s11+$0x0] =	vst.idx.add.s32.msk $0xffff, v2  }
0x67: {  	v5 =	vand.u32 $0xFFFFFFF0, v7;
	v7 =	vor.u32 v1, v62;
	[tilespmem:v6+s11+$0x0] =	vst.idx.add.s32.msk $0xffff, v2  }
0x68: {  	v5 =	vor.u32 v1, v5;
	[tilespmem:v8+s11+$0x0] =	vst.idx.add.s32.msk $0xffff, v2  }
0x69: {  	[tilespmem:v60+s11+$0x0] =	vst.idx.add.s32.msk $0xffff, v2  }
0x6a: {  	[tilespmem:v9+s11+$0x0] =	vst.idx.add.s32.msk $0xffff, v2  }
0x6b: {  	[tilespmem:v63+s11+$0x0] =	vst.idx.add.s32.msk $0xffff, v2  }
0x6c: {  	[tilespmem:v7+s11+$0x0] =	vst.idx.add.s32.msk $0xffff, v2  }
0x6d: {  	[tilespmem:v5+s11+$0x0] =	vst.idx.add.s32.msk $0xffff, v2  }
.LBB2_6:
0x6e: {  	s14 =	sshra.s32 s18, $0x2  }
0x6f: {  	v5 =	vld [tilespmem:s14+$0x4E00]  }
0x70: {  	v6 =	vld [tilespmem:s14+$0x9C80];
	_ =	sdelay $0x4  }
0x71: {  	vm0 =	vgt.s32 v6, $0x0;
	v6 =	vmax.f32 v5, $0.0e+00  }
0x72: {  	v6 =	vsel vm0, $0x0, v6  }
0x73: {  	v7 =	vshra.s32 v6, $0x12  }
0x74: {  	v7 =	vand.u32 $0xFFFFFFF0, v7  }
0x75: {  	p0 =	sne.s32 s18, $0x40;
	v7 =	vor.u32 v1, v7  }
.Ltmp2:
0x76: {  	_ = 	snop;
	(pc) =	sbr.rel @p0 .LBB2_6-.Ltmp2, $3  }
0x77: {  	_ =	sdelay $0x1  }
0x78: {  	v5 =	vnsel vm0, $0x0, v5;
	[tilespmem:s14+$0x4E00] =	vst v6;
	v6 =	vsel vm0, $0x1, v0  }
0x79: {  	s18 =	sadd.s32 $0x40, s18;
	v3 =	vadd.f32 v5, v3;
	v4 =	vadd.s32 v6, v4;
	[tilespmem:v7+s11+$0x0] =	vst.idx.add.s32.msk $0xffff, v2  }
0x7a: {  	s17 =	simm.s32 $0xBCF0  }
0x7b: {  	v5 =	vld [tilespmem:s17+$0xFFFFFDD0]  }
0x7c: {  	v6 =	vld [tilespmem:s17+$0xFFFFFDC0]  }
0x7d: {  	v7 =	vld [tilespmem:s17+$0x0]  }
0x7e: {  	v8 =	vld [tilespmem:s17+$0xFFFFFFF0]  }
0x7f: {  	v9 =	vld [tilespmem:s17+$0xFFFFFEB0]  }
0x80: {  	v10 =	vld [tilespmem:s17+$0xFFFFFFE0]  }
0x81: {  	v11 =	vld [tilespmem:s17+$0xFFFFFFD0]  }
0x82: {  	v12 =	vld [tilespmem:s17+$0xFFFFFFC0]  }
0x83: {  	v13 =	vld [tilespmem:s17+$0xFFFFFFB0]  }
0x84: {  	v14 =	vld [tilespmem:s17+$0xFFFFFFA0]  }
0x85: {  	v15 =	vld [tilespmem:s17+$0xFFFFFC30]  }
0x86: {  	v16 =	vld [tilespmem:s17+$0xFFFFFF90]  }
0x87: {  	v17 =	vld [tilespmem:s17+$0xFFFFFEA0]  }
0x88: {  	v18 =	vld [tilespmem:s17+$0xFFFFFDB0]  }
0x89: {  	v19 =	vld [tilespmem:s17+$0xFFFFFC10]  }
0x8a: {  	v20 =	vld [tilespmem:s17+$0xFFFFFF80]  }
0x8b: {  	v21 =	vld [tilespmem:s17+$0xFFFFFF70]  }
0x8c: {  	v22 =	vld [tilespmem:s17+$0xFFFFFF60]  }
0x8d: {  	v23 =	vld [tilespmem:s17+$0xFFFFFF20]  }
0x8e: {  	v24 =	vld [tilespmem:s17+$0xFFFFFF10]  }
0x8f: {  	v25 =	vld [tilespmem:s17+$0xFFFFFF30]  }
0x90: {  	v26 =	vld [tilespmem:s17+$0xFFFFFF40]  }
0x91: {  	v27 =	vld [tilespmem:s17+$0xFFFFFF50]  }
0x92: {  	v28 =	vld [tilespmem:s17+$0xFFFFFE10]  }
0x93: {  	v29 =	vld [tilespmem:s17+$0xFFFFFE20]  }
0x94: {  	v33 =	vld [tilespmem:s17+$0xFFFFFE30]  }
0x95: {  	v34 =	vld [tilespmem:s17+$0xFFFFFD10]  }
0x96: {  	v35 =	vld [tilespmem:s17+$0xFFFFFD20]  }
0x97: {  	v36 =	vld [tilespmem:s17+$0xFFFFFE40]  }
0x98: {  	v37 =	vld [tilespmem:s17+$0xFFFFFD30]  }
0x99: {  	v38 =	vld [tilespmem:s17+$0xFFFFFD70];
	v23 =	vadd.s32 v24, v23  }
0x9a: {  	v39 =	vld [tilespmem:s17+$0xFFFFFE90];
	v23 =	vadd.s32 v25, v23  }
0x9b: {  	v40 =	vld [tilespmem:s17+$0xFFFFFD50];
	v23 =	vadd.s32 v26, v23  }
0x9c: {  	v41 =	vld [tilespmem:s17+$0xFFFFFE50];
	v23 =	vadd.s32 v27, v23  }
0x9d: {  	v42 =	vld [tilespmem:s17+$0xFFFFFE60];
	v22 =	vadd.s32 v22, v23  }
0x9e: {  	v43 =	vld [tilespmem:s17+$0xFFFFFE70];
	v21 =	vadd.s32 v21, v22  }
0x9f: {  	v44 =	vld [tilespmem:s17+$0xFFFFFD40];
	v20 =	vadd.s32 v20, v21  }
0xa0: {  	v45 =	vld [tilespmem:s17+$0xFFFFFE80];
	v16 =	vadd.s32 v16, v20  }
0xa1: {  	v46 =	vld [tilespmem:s17+$0xFFFFFD60];
	v14 =	vadd.s32 v14, v16  }
0xa2: {  	(xrf0) =	vadd.scan.msk.s32 $0xffff, v4;
	v47 =	vld [tilespmem:s17+$0xFFFFFED0];
	v13 =	vadd.s32 v13, v14  }
0xa3: {  	v30 =	vld [tilespmem:s17+$0xFFFFFEC0];
	v12 =	vadd.s32 v12, v13  }
0xa4: {  	v31 =	vld [tilespmem:s17+$0xFFFFFDA0];
	v11 =	vadd.s32 v11, v12  }
0xa5: {  	v48 =	vld [tilespmem:s17+$0xFFFFFEE0];
	v10 =	vadd.s32 v10, v11  }
0xa6: {  	v49 =	vld [tilespmem:s17+$0xFFFFFEF0];
	v8 =	vadd.s32 v8, v10  }
0xa7: {  	v50 =	vld [tilespmem:s17+$0xFFFFFF00];
	v7 =	vadd.s32 v7, v8  }
0xa8: {  	v52 =	vld [tilespmem:s17+$0xFFFFFDE0];
	v4, _, _ =	vpop (xrf0);
	v28 =	vadd.s32 v28, v29;
	v25 =	vadd.s32 v34, v35;
	(xrf0) =	vadd.scan.msk.s32 $0xffff, v7  }
0xa9: {  	(v2sf) =	vpush v4, $0xF;
	v4 =	vld [tilespmem:s17+$0xFFFFFD80];
	v24 =	vadd.s32 v33, v28;
	v23 =	vadd.s32 v37, v25  }
0xaa: {  	v24 =	vadd.s32 v36, v24;
	v12 =	vadd.s32 v44, v23;
	v7 =	vld [tilespmem:s17+$0xFFFFFD90]  }
0xab: {  	v53 =	vld [tilespmem:s17+$0xFFFFFDF0];
	v16 =	vadd.s32 v41, v24;
	v12 =	vadd.s32 v40, v12  }
0xac: {  	v54 =	vld [tilespmem:s17+$0xFFFFFC20];
	v14 =	vadd.s32 v42, v16;
	v10 =	vadd.s32 v46, v12  }
0xad: {  	v55 =	vld [tilespmem:s17+$0xFFFFFE00];
	v13 =	vadd.s32 v43, v14;
	v10 =	vadd.s32 v38, v10  }
0xae: {  	v56 =	vld [tilespmem:s17+$0xFFFFFC40];
	v11 =	vadd.s32 v45, v13;
	v4 =	vadd.s32 v4, v10;
	v51, _, _ =	vpop (xrf0)  }
0xaf: {  	v11 =	vadd.s32 v39, v11;
	v4 =	vadd.s32 v7, v4;
	v7 =	vld [tilespmem:s17+$0xFFFFFC50];
	(v2sf) =	vpush v51, $0xF  }
0xb0: {  	v57 =	vld [tilespmem:s17+$0xFFFFFC60];
	v11 =	vadd.s32 v17, v11;
	v4 =	vadd.s32 v31, v4  }
0xb1: {  	v58 =	vld [tilespmem:s17+$0xFFFFFC70];
	v12 =	vadd.s32 v19, v54;
	v9 =	vadd.s32 v9, v11;
	v4 =	vadd.s32 v18, v4  }
0xb2: {  	v59 =	vadd.s32 v15, v12;
	v9 =	vadd.s32 v30, v9;
	v4 =	vadd.s32 v6, v4;
	v6 =	vld [tilespmem:s17+$0xFFFFFC80]  }
0xb3: {  	v8 =	vadd.s32 v47, v9;
	v9 =	vadd.s32 v56, v59;
	v4 =	vadd.s32 v5, v4;
	v5 =	vld [tilespmem:s17+$0xFFFFFC90]  }
0xb4: {  	v60 =	vld [tilespmem:s17+$0xFFFFFCA0];
	v8 =	vadd.s32 v48, v8;
	v7 =	vadd.s32 v7, v9  }
0xb5: {  	v61 =	vld [tilespmem:s17+$0xFFFFFCB0];
	v8 =	vadd.s32 v49, v8;
	v4 =	vadd.s32 v52, v4;
	v7 =	vadd.s32 v57, v7  }
0xb6: {  	v62 =	vld [tilespmem:s17+$0xFFFFFCC0];
	v8 =	vadd.s32 v50, v8;
	v4 =	vadd.s32 v53, v4;
	v7 =	vadd.s32 v58, v7  }
0xb7: {  	(xrf0) =	vadd.scan.msk.s32 $0xffff, v8;
	v4 =	vadd.s32 v55, v4;
	v6 =	vadd.s32 v6, v7  }
0xb8: {  	(xrf0) =	vadd.scan.msk.s32 $0xffff, v4;
	v5 =	vadd.s32 v5, v6  }
0xb9: {  	v4 =	vld [tilespmem:s17+$0xFFFFFCD0];
	v5 =	vadd.s32 v60, v5  }
0xba: {  	v5 =	vadd.s32 v61, v5  }
0xbb: {  	v5 =	vadd.s32 v62, v5;
	_ =	sdelay $0x1  }
0xbc: {  	s14 =	spop (v2sf);
	v63, _, _ =	vpop (xrf0)  }
0xbd: {  	v7 =	vld [tilespmem:s17+$0xFFFFFCE0];
	v4 =	vadd.s32 v4, v5;
	v5, _, _ =	vpop (xrf0);
	s18 =	spop (v2sf);
	(v2sf) =	vpush v63, $0xF  }
0xbe: {  	(v2sf) =	vpush v5, $0xF;
	_ =	sdelay $0x1  }
0xbf: {  	s14 =	smul.u32 $0x3, s14  }
0xc0: {  	v6 =	vld [tilespmem:s17+$0xFFFFFCF0]  }
0xc1: {  	s16 =	simm.s32 $0x0;
	s15 =	simm.s32 $0x1F;
	p0 =	slt.s32 s14, $0x4E20;
	v7 =	vadd.s32 v7, v4;
	v4 =	vld [tilespmem:s17+$0xFFFFFD00]  }
0xc2: {  	s14 =	simm.s32 @!p0 $0x4E20;
	p0 =	por $0x0, $0x0;
	s22 =	sadd.s32 $0x0, s18  }
0xc3: {  	s19 =	simm.s32 $0x0;
	p1 =	por !p0, !p0;
	p2 =	sle.s32 s14, s22  }
0xc4: {  	s20 =	simm.s32 $0xB8F0;
	s21 =	simm.s32 $0x0;
	p1 =	por !p2, !p1  }
0xc5: {  	s17 =	simm.s32 $0x0;
	v5 =	vadd.s32 v6, v7;
	s18 =	simm.s32 $0x1F;
	p3 =	por !p1, !p1  }
.LBB2_8:
0xc6: {  	v6 =	vld [tilespmem:s20+$0xFFFFFD80];
	s19 =	sadd.s32 $0x4, s19;
	v5 =	vadd.s32 v4, v5;
	s15 =	sadd.s32 $0xFFFFFFFC, s15  }
0xc7: {  	v4 =	vld [tilespmem:s20+$0xFFFFFDD0];
	p1 =	slt.u32 s19, $0x1C;
	(xrf0) =	vadd.scan.msk.s32 $0xffff, v5  }
0xc8: {  	v5 =	vld [tilespmem:s20+$0xFFFFFDC0]  }
0xc9: {  	s21 =	ssub.s32 s14, s21;
	v10 =	vld [tilespmem:s20+$0x0]  }
0xca: {  	s16 =	smov.u32 @p3 s21;
	v11 =	vld [tilespmem:s20+$0xFFFFFFF0]  }
0xcb: {  	s17 =	smov.u32 @p3 s18;
	s21 =	sadd.s32 $0xFFFFFFFF, s18;
	v8 =	vld [tilespmem:s20+$0xFFFFFEB0];
	s23 =	spop (v2sf)  }
0xcc: {  	p0 =	por p0, p2;
	v12 =	vld [tilespmem:s20+$0xFFFFFFE0];
	s23 =	sadd.s32 s22, s23;
	s24 =	spop (v2sf)  }
0xcd: {  	p2 =	por !p0, !p0;
	v13 =	vld [tilespmem:s20+$0xFFFFFFD0];
	p3 =	sle.s32 s14, s23;
	s24 =	sadd.s32 s23, s24;
	v7, _, _ =	vpop (xrf0)  }
0xce: {  	v14 =	vld [tilespmem:s20+$0xFFFFFFC0];
	p2 =	por !p3, !p2;
	p0 =	por p0, p3;
	p3 =	sle.s32 s14, s24;
	(v2sf) =	vpush v7, $0xF  }
0xcf: {  	s22 =	ssub.s32 s14, s22;
	v15 =	vld [tilespmem:s20+$0xFFFFFFB0];
	p4 =	por !p0, !p0;
	p0 =	por p0, p3  }
0xd0: {  	p5 =	por !p2, !p2;
	v16 =	vld [tilespmem:s20+$0xFFFFFFA0];
	p3 =	por !p3, !p4;
	p2 =	por !p0, !p0  }
0xd1: {  	s17 =	smov.u32 @p5 s21;
	s16 =	smov.u32 @p5 s22;
	v7 =	vld [tilespmem:s20+$0xFFFFFC30];
	p3 =	por !p3, !p3  }
0xd2: {  	v17 =	vld [tilespmem:s20+$0xFFFFFF90]  }
0xd3: {  	v18 =	vld [tilespmem:s20+$0xFFFFFEA0]  }
0xd4: {  	v19 =	vld [tilespmem:s20+$0xFFFFFDB0]  }
0xd5: {  	v9 =	vld [tilespmem:s20+$0xFFFFFC10]  }
0xd6: {  	v20 =	vld [tilespmem:s20+$0xFFFFFF80]  }
0xd7: {  	v21 =	vld [tilespmem:s20+$0xFFFFFF70]  }
0xd8: {  	v22 =	vld [tilespmem:s20+$0xFFFFFF60]  }
0xd9: {  	v23 =	vld [tilespmem:s20+$0xFFFFFF50]  }
0xda: {  	v24 =	vld [tilespmem:s20+$0xFFFFFF40]  }
0xdb: {  	v25 =	vld [tilespmem:s20+$0xFFFFFF30]  }
0xdc: {  	v26 =	vld [tilespmem:s20+$0xFFFFFF20]  }
0xdd: {  	s22 =	sadd.s32 $0xFFFFFFFD, s18;
	v27 =	vld [tilespmem:s20+$0xFFFFFF10];
	s21 =	spop (v2sf)  }
0xde: {  	s23 =	ssub.s32 s14, s23;
	s18 =	sadd.s32 $0xFFFFFFFE, s18;
	v28 =	vld [tilespmem:s20+$0xFFFFFE10];
	s21 =	sadd.s32 s24, s21  }
0xdf: {  	s16 =	smov.u32 @p3 s23;
	s23 =	ssub.s32 s14, s24;
	v29 =	vld [tilespmem:s20+$0xFFFFFE20];
	p4 =	sge.s32 s21, s14  }
0xe0: {  	s17 =	smov.u32 @p3 s18;
	v30 =	vld [tilespmem:s20+$0xFFFFFE30];
	p2 =	por !p4, !p2;
	p0 =	por p0, p4  }
0xe1: {  	s18 =	smov.u32 s15;
	v31 =	vld [tilespmem:s20+$0xFFFFFD10];
	p2 =	por !p2, !p2  }
0xe2: {  	v26 =	vadd.s32 v27, v26;
	v27 =	vld [tilespmem:s20+$0xFFFFFD20];
	s17 =	smov.u32 @p2 s22;
	s16 =	smov.u32 @p2 s23  }
0xe3: {  	v25 =	vadd.s32 v25, v26;
	v26 =	vld [tilespmem:s20+$0xFFFFFE40]  }
0xe4: {  	v24 =	vadd.s32 v24, v25;
	v25 =	vadd.s32 v28, v29;
	v28 =	vld [tilespmem:s20+$0xFFFFFD30]  }
0xe5: {  	v23 =	vadd.s32 v23, v24;
	v24 =	vadd.s32 v30, v25;
	v25 =	vld [tilespmem:s20+$0xFFFFFD70]  }
0xe6: {  	v22 =	vadd.s32 v22, v23;
	v23 =	vld [tilespmem:s20+$0xFFFFFE90]  }
0xe7: {  	v21 =	vadd.s32 v21, v22;
	v22 =	vadd.s32 v31, v27;
	v27 =	vld [tilespmem:s20+$0xFFFFFD50]  }
0xe8: {  	v20 =	vadd.s32 v20, v21;
	v21 =	vadd.s32 v26, v24;
	v24 =	vld [tilespmem:s20+$0xFFFFFE50]  }
0xe9: {  	v17 =	vadd.s32 v17, v20;
	v20 =	vld [tilespmem:s20+$0xFFFFFE60]  }
0xea: {  	v16 =	vadd.s32 v16, v17;
	v17 =	vld [tilespmem:s20+$0xFFFFFE70]  }
0xeb: {  	v15 =	vadd.s32 v15, v16;
	v16 =	vld [tilespmem:s20+$0xFFFFFD40]  }
0xec: {  	v14 =	vadd.s32 v14, v15;
	v15 =	vld [tilespmem:s20+$0xFFFFFE80]  }
0xed: {  	v13 =	vadd.s32 v13, v14;
	v14 =	vadd.s32 v24, v21;
	v21 =	vld [tilespmem:s20+$0xFFFFFD60]  }
0xee: {  	v12 =	vadd.s32 v12, v13;
	v13 =	vadd.s32 v20, v14;
	v14 =	vld [tilespmem:s20+$0xFFFFFED0];
	v20 =	vadd.s32 v28, v22  }
0xef: {  	v11 =	vadd.s32 v11, v12;
	v12 =	vadd.s32 v17, v13;
	v13 =	vld [tilespmem:s20+$0xFFFFFD90]  }
0xf0: {  	v10 =	vadd.s32 v10, v11;
	v11 =	vld [tilespmem:s20+$0xFFFFFEC0];
	v16 =	vadd.s32 v16, v20  }
0xf1: {  	v12 =	vadd.s32 v15, v12;
	v15 =	vadd.s32 v27, v16;
	v16 =	vld [tilespmem:s20+$0xFFFFFDA0];
	(xrf0) =	vadd.scan.msk.s32 $0xffff, v10  }
0xf2: {  	v10 =	vadd.s32 v23, v12;
	v12 =	vld [tilespmem:s20+$0xFFFFFEE0];
	v15 =	vadd.s32 v21, v15  }
0xf3: {  	v10 =	vadd.s32 v18, v10;
	v17 =	vld [tilespmem:s20+$0xFFFFFEF0];
	v15 =	vadd.s32 v25, v15  }
0xf4: {  	v8 =	vadd.s32 v8, v10;
	v10 =	vld [tilespmem:s20+$0xFFFFFF00];
	v6 =	vadd.s32 v6, v15  }
0xf5: {  	v8 =	vadd.s32 v11, v8;
	v6 =	vadd.s32 v13, v6;
	v11 =	vld [tilespmem:s20+$0xFFFFFDE0]  }
0xf6: {  	v8 =	vadd.s32 v14, v8;
	v6 =	vadd.s32 v16, v6;
	v13 =	vld [tilespmem:s20+$0xFFFFFDF0]  }
0xf7: {  	v8 =	vadd.s32 v12, v8;
	v6 =	vadd.s32 v19, v6;
	v12 =	vld [tilespmem:s20+$0xFFFFFE00];
	v14, _, _ =	vpop (xrf0)  }
0xf8: {  	v8 =	vadd.s32 v17, v8;
	v5 =	vadd.s32 v5, v6;
	(v2sf) =	vpush v14, $0xF  }
0xf9: {  	v6 =	vadd.s32 v10, v8;
	v4 =	vadd.s32 v4, v5  }
0xfa: {  	v4 =	vadd.s32 v11, v4;
	v5 =	vld [tilespmem:s20+$0xFFFFFC20];
	(xrf0) =	vadd.scan.msk.s32 $0xffff, v6  }
0xfb: {  	v4 =	vadd.s32 v13, v4;
	v6 =	vld [tilespmem:s20+$0xFFFFFC60]  }
0xfc: {  	v4 =	vadd.s32 v12, v4;
	v8 =	vld [tilespmem:s20+$0xFFFFFC40]  }
0xfd: {  	v10 =	vld [tilespmem:s20+$0xFFFFFC50];
	(xrf0) =	vadd.scan.msk.s32 $0xffff, v4  }
0xfe: {  	v4 =	vld [tilespmem:s20+$0xFFFFFC70]  }
0xff: {  	v5 =	vadd.s32 v9, v5;
	v9 =	vld [tilespmem:s20+$0xFFFFFC80]  }
0x100: {  	v5 =	vadd.s32 v7, v5;
	v7 =	vld [tilespmem:s20+$0xFFFFFC90];
	v11, _, _ =	vpop (xrf0)  }
0x101: {  	v5 =	vadd.s32 v8, v5;
	v8 =	vld [tilespmem:s20+$0xFFFFFCA0]  }
0x102: {  	v5 =	vadd.s32 v10, v5;
	v10 =	vld [tilespmem:s20+$0xFFFFFCB0]  }
0x103: {  	v5 =	vadd.s32 v6, v5;
	v6 =	vld [tilespmem:s20+$0xFFFFFCC0];
	(v2sf) =	vpush v11, $0xF;
	v11, _, _ =	vpop (xrf0)  }
0x104: {  	v4 =	vadd.s32 v4, v5;
	v5 =	vld [tilespmem:s20+$0xFFFFFCD0];
	(v2sf) =	vpush v11, $0xF  }
0x105: {  	v4 =	vadd.s32 v9, v4;
	v9 =	vld [tilespmem:s20+$0xFFFFFCE0]  }
0x106: {  	v4 =	vadd.s32 v7, v4;
	v7 =	vld [tilespmem:s20+$0xFFFFFCF0]  }
0x107: {  	v8 =	vadd.s32 v8, v4;
	v4 =	vld [tilespmem:s20+$0xFFFFFD00];
	s22 =	spop (v2sf)  }
.Ltmp3:
0x108: {  	s22 =	sadd.s32 s21, s22;
	v8 =	vadd.s32 v10, v8;
	(pc) =	sbr.rel @p1 .LBB2_8-.Ltmp3, $4  }
0x109: {  	p3 =	por !p0, !p0;
	p2 =	sle.s32 s14, s22;
	v6 =	vadd.s32 v6, v8  }
0x10a: {  	p3 =	por !p2, !p3;
	v5 =	vadd.s32 v5, v6  }
0x10b: {  	p3 =	por !p3, !p3;
	v5 =	vadd.s32 v9, v5  }
0x10c: {  	s20 =	sadd.s32 $0xFFFFFC00, s20;
	v5 =	vadd.s32 v7, v5  }
0x10d: {  	v4 =	vadd.s32 v4, v5  }
0x10e: {  	(xrf0) =	vadd.scan.msk.s32 $0xffff, v4;
	_ =	sdelay $0x5  }
0x10f: {  	v4, _, _ =	vpop (xrf0)  }
0x110: {  	(v2sf) =	vpush v4, $0xF;
	_ =	sdelay $0x8  }
0x111: {  	s19 =	ssub.s32 s14, s21;
	s17 =	smov.u32 @p3 s18  }
0x112: {  	p0 =	por p0, p2;
	s21 =	ssub.s32 s14, s22;
	s15 =	spop (v2sf)  }
0x113: {  	s16 =	smov.u32 @p3 s19;
	s15 =	sadd.s32 s22, s15;
	s20 =	spop (v2sf)  }
0x114: {  	s19 =	sadd.s32 $0xFFFFFFFF, s18;
	p3 =	sle.s32 s14, s15;
	s20 =	sadd.s32 s15, s20  }
0x115: {  	p1 =	por !p0, !p0;
	p0 =	por p0, p3;
	p4 =	sle.s32 s14, s20  }
0x116: {  	p1 =	por !p3, !p1;
	p5 =	por !p0, !p0;
	p0 =	por p0, p4  }
0x117: {  	p1 =	por !p1, !p1;
	p2 =	por !p4, !p5;
	s28 =	spop (v2sf)  }
0x118: {  	p0 =	por !p0, !p0;
	s17 =	smov.u32 @p1 s19;
	s19 =	sadd.s32 s20, s28  }
0x119: {  	s16 =	smov.u32 @p1 s21;
	s21 =	sadd.s32 $0xFFFFFFFD, s18;
	p6 =	sge.s32 s19, s14  }
0x11a: {  	s18 =	sadd.s32 $0xFFFFFFFE, s18;
	p1 =	por !p2, !p2;
	p0 =	por !p6, !p0  }
0x11b: {  	s17 =	smov.u32 @p1 s18;
	p0 =	por !p0, !p0  }
0x11c: {  	s15 =	ssub.s32 s14, s15;
	s17 =	smov.u32 @p0 s21  }
0x11d: {  	s16 =	smov.u32 @p1 s15;
	s15 =	ssub.s32 s14, s20;
	s29 =	sshll.u32 s17, $0xA  }
0x11e: {  	s16 =	smov.u32 @p0 s15;
	s15 =	sshra.s32 s29, $0x2  }
0x11f: {  	s30 =	sadd.s32 $0x9D00, s15  }
0x120: {  	p1 =	por $0x0, $0x0;
	v5 =	vmov s30  }
.Ltmp4:
0x121: {  	_ = 	snop;
	(pc) =	sbr.rel @p1 .LBB2_10-.Ltmp4, $3  }
0x122: {  	_ =	sdelay $0x1  }
0x123: {  	s31 =	simm.s32 $0xF0  }
0x124: {  	p3 =	por $0x0, $0x0;
	s18 =	sshllo.u32 s17, $0x4;
	s15 =	simm.s32 $0x0;
	v4 =	vld.idx.msk [tilespmem:v5+s31+$0x0 ss:$0x1], $0xffff  }
0x125: {  	p1 =	por $0x0, $0x0  }
.Ltmp5:
0x126: {  	_ = 	snop;
	(pc) =	sbr.rel @p1 .LBB2_12-.Ltmp5, $3  }
0x127: {  	_ =	sdelay $0x1  }
0x128: {  	s17 =	simm.s32 $0xE0  }
0x129: {  	v6 =	vld.idx.msk [tilespmem:v5+s17+$0x0 ss:$0x1], $0xffff;
	(xrf0) =	vadd.scan.msk.s32 $0xffff, v4  }
0x12a: {  	_ = 	snop  }
0x12b: {  	p1 =	por $0x0, $0x0  }
.Ltmp6:
0x12c: {  	_ = 	snop;
	(pc) =	sbr.rel @p1 .LBB2_14-.Ltmp6, $3  }
0x12d: {  	_ =	sdelay $0x1  }
0x12e: {  	s17 =	simm.s32 $0xD0;
	v7, _, _ =	vpop (xrf0)  }
0x12f: {  	p0 =	por $0x1, $0x1;
	v4 =	vld.idx.msk [tilespmem:v5+s17+$0x0 ss:$0x1], $0xffff;
	(xrf0) =	vadd.scan.msk.s32 $0xffff, v6;
	(v2sf) =	vpush v7, $0xF  }
0x130: {  	_ = 	snop  }
0x131: {  	p1 =	por $0x0, $0x0  }
.Ltmp7:
0x132: {  	s17 =	simm.s32 @!p0 $0x0;
	(pc) =	sbr.rel @p1 .LBB2_16-.Ltmp7, $4  }
0x133: {  	s17 =	simm.s32 @p0 $0x1;
	p0 =	por $0x1, $0x1  }
0x134: {  	[smem:$0x7FB] =	sst s17;
	s17 =	simm.s32 @!p0 $0x0  }
0x135: {  	s31 =	simm.s32 $0xC0;
	s17 =	simm.s32 @p0 $0x1;
	v7, _, _ =	vpop (xrf0)  }
0x136: {  	v6 =	vld.idx.msk [tilespmem:v5+s31+$0x0 ss:$0x1], $0xffff;
	p0 =	por $0x1, $0x1;
	[smem:$0x7FC] =	sst s17;
	(xrf0) =	vadd.scan.msk.s32 $0xffff, v4;
	(v2sf) =	vpush v7, $0xF  }
0x137: {  	_ =	sdelay $0x4  }
0x138: {  	v7, _, _ =	vpop (xrf0)  }
0x139: {  	(v2sf) =	vpush v7, $0xF;
	_ =	sdelay $0x2  }
0x13a: {  	p1 =	por $0x0, $0x0  }
.Ltmp8:
0x13b: {  	_ = 	snop;
	(pc) =	sbr.rel @p1 .LBB2_18-.Ltmp8, $4  }
0x13c: {  	s17 =	simm.s32 $0xB0;
	p2 =	por $0x1, $0x1  }
0x13d: {  	v4 =	vld.idx.msk [tilespmem:v5+s17+$0x0 ss:$0x1], $0xffff;
	s17 =	simm.s32 @!p2 $0x0  }
0x13e: {  	s17 =	simm.s32 @p2 $0x1  }
0x13f: {  	[smem:$0x7FD] =	sst s17;
	(xrf0) =	vadd.scan.msk.s32 $0xffff, v6;
	s19 =	spop (v2sf)  }
0x140: {  	_ =	sdelay $0x4  }
0x141: {  	v6, _, _ =	vpop (xrf0)  }
0x142: {  	(v2sf) =	vpush v6, $0xF  }
0x143: {  	s17 =	sadd.s32 $0x0, s19  }
0x144: {  	p1 =	por $0x0, $0x0;
	s20 =	simm.s32 $0xA0;
	p4 =	por $0x0, $0x0  }
.Ltmp9:
0x145: {  	s21 =	ssub.s32 s16, s15;
	s23 =	simm.s32 $0x0;
	(pc) =	sbr.rel @p4 .LBB2_20-.Ltmp9, $4  }
0x146: {  	s25 =	simm.s32 $0x240;
	p5 =	por !p1, !p1;
	p1 =	sge.s32 s17, s16;
	(xrf0) =	vadd.scan.msk.s32 $0xffff, v4  }
0x147: {  	s22 =	spop (v2sf);
	p3 =	por $0x1, $0x1;
	p5 =	por !p1, !p5;
	v4 =	vld.idx.msk [tilespmem:v5+s20+$0x0 ss:$0x1], $0xffff  }
0x148: {  	s24 =	smov.u32 s17;
	p6 =	por !p5, !p5;
	p5 =	por $0x0, $0x0  }
0x149: {  	s23 =	smov.u32 @p6 s21;
	s21 =	simm.s32 $0x0;
	s20 =	smov.u32 s18  }
.LBB2_21:
0x14a: {  	s26 =	sshra.s32 s25, $0x2  }
0x14b: {  	s17 =	sadd.s32 s17, s22;
	s21 =	smov.u32 @p6 s20;
	p4 =	seq.s32 s25, $0x0  }
.Ltmp10:
0x14c: {  	s25 =	sadd.s32 $0xFFFFFFC0, s25;
	p5 =	por p5, p1;
	(xrf0) =	vadd.scan.msk.s32 $0xffff, v4;
	v4 =	vld.idx.msk [tilespmem:v5+s26+$0x0 ss:$0x1], $0xffff;
	v6, _, _ =	vpop (xrf0);
	(pc) =	sbr.rel @!p4 .LBB2_21-.Ltmp10, $4  }
0x14d: {  	p6 =	por !p5, !p5;
	p1 =	sge.s32 s17, s16;
	(v2sf) =	vpush v6, $0xF  }
0x14e: {  	p6 =	por !p1, !p6  }
0x14f: {  	s26 =	ssub.s32 s16, s24;
	s24 =	smov.u32 s17;
	p6 =	por !p6, !p6  }
0x150: {  	s20 =	sadd.s32 $0xFFFFFFFF, s20;
	s23 =	smov.u32 @p6 s26;
	s22 =	spop (v2sf)  }
0x151: {  	_ = 	snop  }
0x152: {  	_ = 	snop  }
.LBB2_23:
0x153: {  	s25 =	sld [smem:$0x7FD];
	_ =	sdelay $0x1  }
0x154: {  	p1 =	por @p3 p5, p1;
	p4 =	por $0x0, $0x0;
	s29 =	sld [smem:$0x7FB]  }
0x155: {  	p6 =	por !p6, !p3;
	s30 =	sld [smem:$0x7FC];
	p2 =	seq.s32 s25, $0x1  }
0x156: {  	p1 =	por @!p3 p4, p4;
	s17 =	sadd.s32 @p2 s17, s22;
	s22 =	smov.u32 s20  }
0x157: {  	p5 =	por @p2 !p1, !p1;
	p4 =	sge.s32 @p2 s17, s16;
	s22 =	smov.u32 @p6 s21  }
0x158: {  	s21 =	ssub.s32 @p2 s16, s24;
	s24 =	smov.u32 s15;
	p5 =	por @p2 !p4, !p5  }
0x159: {  	s24 =	smov.u32 @p2 s17;
	s17 =	spop @p0 (v2sf);
	p4 =	por @!p2 p0, p0  }
0x15a: {  	p5 =	por @p2 !p5, !p5;
	p1 =	por @p2 p1, p4;
	s19 =	smov.u32 @p0 s17  }
0x15b: {  	s17 =	smov.u32 s15;
	p4 =	por $0x0, $0x0;
	p6 =	por !p5, !p2  }
0x15c: {  	s19 =	sadd.s32 @p0 s24, s19;
	p1 =	por @!p2 p4, p4;
	p5 =	por @!p2 p0, p0  }
0x15d: {  	s21 =	smov.u32 @p6 s23;
	p6 =	por p3, p3;
	p3 =	seq.s32 s29, $0x1  }
0x15e: {  	s23 =	smov.u32 s18;
	p4 =	sge.s32 @p0 s19, s16;
	p5 =	por !p5, !p2  }
0x15f: {  	s20 =	sadd.s32 @p6 $0xFFFFFFFF, s20;
	s17 =	smov.u32 @p6 s22;
	s22 =	smov.u32 s15  }
0x160: {  	s23 =	smov.u32 @p6 s20;
	p6 =	por @p0 !p1, !p1;
	s20 =	smov.u32 @p0 s24  }
0x161: {  	s24 =	smov.u32 s23;
	p6 =	por @p0 !p4, !p6;
	s22 =	smov.u32 @p0 s20  }
0x162: {  	v5, _, _ =	vpop @p3 (xrf0);
	p4 =	por @!p0 p0, p0;
	s24 =	smov.u32 @p5 s17;
	s17 =	smov.u32 s15  }
0x163: {  	(v2sf) =	vpush @p3 v5, $0xF;
	p5 =	por @p0 !p6, !p6;
	s20 =	ssub.s32 @p0 s16, s22;
	s22 =	smov.u32 s18  }
0x164: {  	s17 =	smov.u32 @p2 s21;
	p6 =	por !p5, !p0;
	s21 =	sadd.s32 @p2 $0xFFFFFFFF, s23  }
0x165: {  	(xrf0) =	vadd.scan.msk.s32 $0xffff, v4;
	s20 =	smov.u32 @p6 s17;
	s17 =	smov.u32 s15;
	p6 =	por @p0 p1, p4  }
0x166: {  	p1 =	por p0, p0;
	s22 =	smov.u32 @p2 s21;
	s21 =	smov.u32 s15  }
0x167: {  	p4 =	por $0x0, $0x0;
	s17 =	smov.u32 @p0 s19;
	p0 =	seq.s32 s30, $0x1  }
0x168: {  	p6 =	por @!p1 p4, p4;
	s21 =	smov.u32 @p2 s24;
	s23 =	smov.u32 s22  }
0x169: {  	s22 =	sadd.s32 @p1 $0xFFFFFFFF, s22;
	s24 =	smov.u32 s18;
	s19 =	spop @p0 (v2sf)  }
0x16a: {  	p5 =	por @!p1 p0, p0;
	p4 =	por @p0 !p6, !p6;
	p2 =	por p6, p6  }
0x16b: {  	v4, _, _ =	vpop (xrf0);
	s24 =	smov.u32 @p1 s22;
	s19 =	smov.u32 @p0 s19;
	p5 =	por !p5, !p1  }
0x16c: {  	(v2sf) =	vpush v4, $0xF;
	s22 =	smov.u32 s15;
	s19 =	sadd.s32 @p0 s17, s19;
	s23 =	smov.u32 @p5 s21  }
0x16d: {  	s17 =	smov.u32 @p0 s17;
	s21 =	smov.u32 s15;
	p6 =	sge.s32 @p0 s19, s16  }
0x16e: {  	s21 =	smov.u32 @p1 s20;
	s17 =	ssub.s32 @p0 s16, s17;
	s20 =	smov.u32 s15  }
0x16f: {  	s22 =	smov.u32 @p1 s23;
	s23 =	smov.u32 s15;
	p4 =	por @p0 !p6, !p4  }
0x170: {  	s20 =	smov.u32 @p0 s19;
	p6 =	por @!p0 p0, p0;
	p4 =	por @p0 !p4, !p4  }
0x171: {  	s19 =	smov.u32 @p3 s20;
	p6 =	por @p0 p2, p6;
	p5 =	por !p4, !p0  }
0x172: {  	p2 =	por $0x0, $0x0;
	s17 =	smov.u32 @p5 s21;
	s21 =	spop @p3 (v2sf)  }
0x173: {  	p6 =	por @!p0 p2, p2;
	p4 =	por @!p0 p0, p0;
	s21 =	smov.u32 @p3 s21  }
0x174: {  	s19 =	smov.u32 @p3 s19;
	p5 =	por @p3 !p6, !p6;
	s20 =	sadd.s32 @p3 s20, s21  }
0x175: {  	p1 =	por !p4, !p0;
	s21 =	smov.u32 s15;
	p2 =	sge.s32 @p3 s20, s16  }
0x176: {  	s21 =	smov.u32 @p0 s17;
	s17 =	smov.u32 s24;
	p5 =	por @p3 !p2, !p5  }
0x177: {  	s19 =	ssub.s32 @p3 s16, s19;
	s17 =	smov.u32 @p1 s22;
	p4 =	por @p3 !p5, !p5  }
0x178: {  	s22 =	smov.u32 s18;
	p2 =	por @!p3 p0, p0;
	p5 =	por !p4, !p3  }
0x179: {  	s23 =	smov.u32 @p0 s17;
	s19 =	smov.u32 @p5 s21;
	s21 =	sadd.s32 @p0 $0xFFFFFFFF, s24  }
0x17a: {  	p1 =	por @p3 p6, p2;
	s22 =	smov.u32 @p0 s21;
	s21 =	smov.u32 s15  }
0x17b: {  	s31 =	spop (v2sf);
	p0 =	por $0x0, $0x0;
	s21 =	smov.u32 @p3 s20  }
0x17c: {  	p1 =	por @!p3 p0, p0;
	s20 =	sadd.s32 s21, s31  }
0x17d: {  	s17 =	smov.u32 s15;
	p1 =	por !p1, !p1;
	p6 =	sge.s32 s20, s16  }
0x17e: {  	s17 =	smov.u32 @p3 s19;
	p1 =	por !p6, !p1  }
0x17f: {  	p4 =	por @!p3 p0, p0;
	s16 =	ssub.s32 s16, s21;
	p0 =	por !p1, !p1  }
0x180: {  	s17 =	smov.u32 @p0 s16;
	s16 =	simm.s32 $0x9D40  }
0x181: {  	[tilespmem:s16+$0xFFFFFFC0] =	vst v0  }
0x182: {  	[tilespmem:s16+$0x30] =	vst v0  }
0x183: {  	[tilespmem:s16+$0x20] =	vst v0  }
0x184: {  	p2 =	por !p4, !p3;
	[tilespmem:s16+$0x10] =	vst v0  }
0x185: {  	s24 =	sadd.s32 @p3 $0xFFFFFFFF, s22;
	s22 =	smov.u32 @p2 s23;
	[tilespmem:s16+$0x0] =	vst v0  }
0x186: {  	s18 =	smov.u32 @p3 s24;
	s15 =	smov.u32 @p3 s22;
	[tilespmem:s16+$0xFFFFFFF0] =	vst v0  }
0x187: {  	s15 =	smov.u32 @p0 s18;
	s18 =	simm.s32 $0x0;
	[tilespmem:s16+$0xFFFFFFE0] =	vst v0  }
.LBB2_24:
0x188: {  	s18 =	sadd.s32 $0x8, s18;
	[tilespmem:s16+$0xFFFFFFD0] =	vst v0;
	s16 =	sadd.s32 $0x80, s16  }
0x189: {  	[tilespmem:s16+$0xFFFFFFC0] =	vst v0;
	p0 =	slt.u32 s18, $0x1F8  }
0x18a: {  	[tilespmem:s16+$0x30] =	vst v0  }
.Ltmp11:
0x18b: {  	[tilespmem:s16+$0x20] =	vst v0;
	(pc) =	sbr.rel @p0 .LBB2_24-.Ltmp11, $4  }
0x18c: {  	[tilespmem:s16+$0x10] =	vst v0  }
0x18d: {  	[tilespmem:s16+$0x0] =	vst v0  }
0x18e: {  	[tilespmem:s16+$0xFFFFFFF0] =	vst v0  }
0x18f: {  	[tilespmem:s16+$0xFFFFFFE0] =	vst v0  }
0x190: {  	[tilespmem:s16+$0xFFFFFFD0] =	vst v0;
	s31 =	simm.s32 $0x40  }
0x191: {  	v5 =	vld [tilespmem:s31+$0xFFFFFFC0]  }
0x192: {  	v7 =	vld [tilespmem:s31+$0x30]  }
0x193: {  	v6 =	vld [tilespmem:s31+$0xFFFFFFF0];
	_ =	sdelay $0x2  }
0x194: {  	v4 =	vmov s15;
	v11 =	vld [tilespmem:s31+$0xFFFFFFE0];
	v8 =	vshra.s32 v5, $0x16;
	v5 =	vshrl.u32 v5, $0x9  }
0x195: {  	v9 =	vld [tilespmem:s31+$0x0];
	v10 =	vshrl.u32 v7, $0x9;
	vm0 =	veq.s32 v8, v4;
	v5 =	vand.u32 $0x1FF0, v5  }
0x196: {  	v8 =	vshrl.u32 v6, $0x9;
	v6 =	vshra.s32 v6, $0x16;
	v12 =	vor.u32 v1, v5  }
0x197: {  	v7 =	vshra.s32 v7, $0x16;
	v8 =	vand.u32 $0x1FF0, v8;
	v5 =	vld [tilespmem:s31+$0x20];
	vm1 =	veq.s32 v6, v4  }
0x198: {  	v13 =	vand.u32 $0x1FF0, v10;
	vm2 =	veq.s32 v7, v4;
	v6 =	vld [tilespmem:s31+$0xFFFFFFD0];
	v8 =	vor.u32 v1, v8  }
0x199: {  	v7 =	vor.u32 v1, v13  }
0x19a: {  	v14 =	vshrl.u32 v9, $0x9;
	v10 =	vshrl.u32 v11, $0x9;
	v13 =	vshra.s32 v9, $0x16;
	v9 =	vld [tilespmem:s31+$0x10]  }
0x19b: {  	s16 =	simm.s32 $0x0;
	s18 =	simm.s32 $0xC0;
	v11 =	vshra.s32 v11, $0x16;
	[tilespmem:v12+s11+$0x0] =	vst.idx.add.s32.msk vm0, v2;
	vm0 =	veq.s32 v13, v4;
	v12 =	vand.u32 $0x1FF0, v14  }
.LBB2_26:
0x19c: {  	v13 =	vld [tilespmem:s18+$0xFFFFFFF0];
	s16 =	sadd.s32 $0x8, s16;
	vm5 =	veq.s32 v11, v4;
	v10 =	vand.u32 $0x1FF0, v10;
	v11 =	vor.u32 v1, v12  }
0x19d: {  	v12 =	vshra.s32 v6, $0x16;
	p0 =	slt.u32 s16, $0x4D8;
	v10 =	vor.u32 v1, v10;
	[tilespmem:v8+s11+$0x0] =	vst.idx.add.s32.msk vm1, v2;
	v8 =	vshra.s32 v5, $0x16  }
0x19e: {  	vm4 =	veq.s32 v12, v4;
	v5 =	vshrl.u32 v5, $0x9;
	vm3 =	veq.s32 v8, v4;
	[tilespmem:v7+s11+$0x0] =	vst.idx.add.s32.msk vm2, v2  }
0x19f: {  	v6 =	vshrl.u32 v6, $0x9;
	v5 =	vand.u32 $0x1FF0, v5;
	v7 =	vld [tilespmem:s18+$0xFFFFFFC0];
	v8 =	vshrl.u32 v9, $0x9  }
0x1a0: {  	v6 =	vand.u32 $0x1FF0, v6;
	v9 =	vshra.s32 v9, $0x16;
	v14 =	vor.u32 v1, v5;
	v12 =	vld [tilespmem:s18+$0x30]  }
0x1a1: {  	vm6 =	veq.s32 v9, v4;
	v8 =	vand.u32 $0x1FF0, v8;
	v15 =	vshrl.u32 v13, $0x9;
	v5 =	vld [tilespmem:s18+$0x20]  }
0x1a2: {  	v16 =	vor.u32 v1, v6;
	v17 =	vor.u32 v1, v8;
	v9 =	vld [tilespmem:s18+$0xFFFFFFE0]  }
0x1a3: {  	[tilespmem:v10+s11+$0x0] =	vst.idx.add.s32.msk vm5, v2  }
0x1a4: {  	v6 =	vshra.s32 v7, $0x16;
	v7 =	vshrl.u32 v7, $0x9;
	[tilespmem:v11+s11+$0x0] =	vst.idx.add.s32.msk vm0, v2  }
0x1a5: {  	vm0 =	veq.s32 v6, v4;
	v6 =	vand.u32 $0x1FF0, v7;
	v7 =	vshra.s32 v13, $0x16;
	v13 =	vld [tilespmem:s18+$0x0]  }
0x1a6: {  	v8 =	vand.u32 $0x1FF0, v15;
	v10 =	vshrl.u32 v12, $0x9;
	v18 =	vor.u32 v1, v6;
	v6 =	vld [tilespmem:s18+$0xFFFFFFD0]  }
.Ltmp12:
0x1a7: {  	vm1 =	veq.s32 v7, v4;
	v7 =	vshra.s32 v12, $0x16;
	v11 =	vand.u32 $0x1FF0, v10;
	[tilespmem:v16+s11+$0x0] =	vst.idx.add.s32.msk vm4, v2;
	(pc) =	sbr.rel @p0 .LBB2_26-.Ltmp12, $4  }
0x1a8: {  	v8 =	vor.u32 v1, v8;
	vm2 =	veq.s32 v7, v4;
	[tilespmem:v14+s11+$0x0] =	vst.idx.add.s32.msk vm3, v2  }
0x1a9: {  	v10 =	vshrl.u32 v9, $0x9;
	v7 =	vor.u32 v1, v11;
	[tilespmem:v17+s11+$0x0] =	vst.idx.add.s32.msk vm6, v2  }
0x1aa: {  	v11 =	vshra.s32 v9, $0x16;
	v12 =	vshra.s32 v13, $0x16;
	v13 =	vshrl.u32 v13, $0x9;
	v9 =	vld [tilespmem:s18+$0x10]  }
0x1ab: {  	s18 =	sadd.s32 $0x80, s18;
	[tilespmem:v18+s11+$0x0] =	vst.idx.add.s32.msk vm0, v2;
	vm0 =	veq.s32 v12, v4;
	v12 =	vand.u32 $0x1FF0, v13  }
0x1ac: {  	vm3 =	veq.s32 v11, v4;
	v10 =	vand.u32 $0x1FF0, v10;
	v59 =	vshra.s32 v6, $0x16  }
0x1ad: {  	v12 =	vor.u32 v1, v12;
	v60 =	vshra.s32 v5, $0x16;
	v6 =	vshrl.u32 v6, $0x9  }
0x1ae: {  	v5 =	vshrl.u32 v5, $0x9;
	vm4 =	veq.s32 v59, v4;
	v10 =	vor.u32 v1, v10  }
0x1af: {  	vm5 =	veq.s32 v60, v4;
	v6 =	vand.u32 $0x1FF0, v6;
	v5 =	vand.u32 $0x1FF0, v5  }
0x1b0: {  	v6 =	vor.u32 v1, v6;
	v61 =	vshrl.u32 v9, $0x9;
	v62 =	vshra.s32 v9, $0x16  }
0x1b1: {  	[tilespmem:v8+s11+$0x0] =	vst.idx.add.s32.msk vm1, v2;
	v5 =	vor.u32 v1, v5;
	vm15 =	veq.s32 v62, v4;
	v63 =	vand.u32 $0x1FF0, v61  }
0x1b2: {  	[tilespmem:v7+s11+$0x0] =	vst.idx.add.s32.msk vm2, v2;
	v7 =	vor.u32 v1, v63  }
0x1b3: {  	[tilespmem:v12+s11+$0x0] =	vst.idx.add.s32.msk vm0, v2  }
0x1b4: {  	[tilespmem:v10+s11+$0x0] =	vst.idx.add.s32.msk vm3, v2  }
0x1b5: {  	[tilespmem:v6+s11+$0x0] =	vst.idx.add.s32.msk vm4, v2  }
0x1b6: {  	[tilespmem:v5+s11+$0x0] =	vst.idx.add.s32.msk vm5, v2  }
0x1b7: {  	s16 =	simm.s32 $0x0;
	s18 =	simm.s32 $0x0;
	[tilespmem:v7+s11+$0x0] =	vst.idx.add.s32.msk vm15, v2  }
.LBB2_28:
0x1b8: {  	s19 =	sshra.s32 s18, $0x2  }
0x1b9: {  	v5 =	vld [tilespmem:s19+$0x4E00];
	_ =	sdelay $0x4  }
0x1ba: {  	v6 =	vshra.s32 v5, $0x16;
	v5 =	vshrl.u32 v5, $0x9  }
0x1bb: {  	vm0 =	veq.s32 v6, v4;
	v5 =	vand.u32 $0x1FF0, v5  }
0x1bc: {  	p0 =	seq.s32 s18, $0x40;
	v5 =	vor.u32 v1, v5  }
.Ltmp13:
0x1bd: {  	_ = 	snop;
	(pc) =	sbr.rel @!p0 .LBB2_28-.Ltmp13, $2  }
0x1be: {  	_ =	sdelay $0x2  }
0x1bf: {  	s18 =	sadd.s32 $0x40, s18;
	[tilespmem:v5+s11+$0x0] =	vst.idx.add.s32.msk vm0, v2  }
0x1c0: {  	s19 =	simm.s32 $0xBCF0  }
0x1c1: {  	v4 =	vld [tilespmem:s19+$0xFFFFFD80]  }
0x1c2: {  	v5 =	vld [tilespmem:s19+$0xFFFFFDD0]  }
0x1c3: {  	v6 =	vld [tilespmem:s19+$0xFFFFFDC0]  }
0x1c4: {  	v7 =	vld [tilespmem:s19+$0x0]  }
0x1c5: {  	v8 =	vld [tilespmem:s19+$0xFFFFFFF0]  }
0x1c6: {  	v9 =	vld [tilespmem:s19+$0xFFFFFEB0]  }
0x1c7: {  	v10 =	vld [tilespmem:s19+$0xFFFFFFE0]  }
0x1c8: {  	v11 =	vld [tilespmem:s19+$0xFFFFFFD0]  }
0x1c9: {  	v12 =	vld [tilespmem:s19+$0xFFFFFFC0]  }
0x1ca: {  	v13 =	vld [tilespmem:s19+$0xFFFFFFB0]  }
0x1cb: {  	v14 =	vld [tilespmem:s19+$0xFFFFFFA0]  }
0x1cc: {  	v15 =	vld [tilespmem:s19+$0xFFFFFC30]  }
0x1cd: {  	v16 =	vld [tilespmem:s19+$0xFFFFFF90]  }
0x1ce: {  	v17 =	vld [tilespmem:s19+$0xFFFFFEA0]  }
0x1cf: {  	v18 =	vld [tilespmem:s19+$0xFFFFFDB0]  }
0x1d0: {  	v19 =	vld [tilespmem:s19+$0xFFFFFC10]  }
0x1d1: {  	v20 =	vld [tilespmem:s19+$0xFFFFFF80]  }
0x1d2: {  	v21 =	vld [tilespmem:s19+$0xFFFFFF70]  }
0x1d3: {  	v22 =	vld [tilespmem:s19+$0xFFFFFF60]  }
0x1d4: {  	v23 =	vld [tilespmem:s19+$0xFFFFFF20]  }
0x1d5: {  	v24 =	vld [tilespmem:s19+$0xFFFFFF10]  }
0x1d6: {  	v25 =	vld [tilespmem:s19+$0xFFFFFF30]  }
0x1d7: {  	v26 =	vld [tilespmem:s19+$0xFFFFFF40]  }
0x1d8: {  	v27 =	vld [tilespmem:s19+$0xFFFFFF50]  }
0x1d9: {  	v28 =	vld [tilespmem:s19+$0xFFFFFE10]  }
0x1da: {  	v29 =	vld [tilespmem:s19+$0xFFFFFE20]  }
0x1db: {  	v33 =	vld [tilespmem:s19+$0xFFFFFE30]  }
0x1dc: {  	v34 =	vld [tilespmem:s19+$0xFFFFFD10]  }
0x1dd: {  	v35 =	vld [tilespmem:s19+$0xFFFFFD20]  }
0x1de: {  	v36 =	vld [tilespmem:s19+$0xFFFFFE40]  }
0x1df: {  	v37 =	vld [tilespmem:s19+$0xFFFFFD30]  }
0x1e0: {  	v38 =	vld [tilespmem:s19+$0xFFFFFD70];
	v23 =	vadd.s32 v24, v23  }
0x1e1: {  	v39 =	vld [tilespmem:s19+$0xFFFFFE90];
	v23 =	vadd.s32 v25, v23  }
0x1e2: {  	v40 =	vld [tilespmem:s19+$0xFFFFFD50];
	v23 =	vadd.s32 v26, v23  }
0x1e3: {  	v41 =	vld [tilespmem:s19+$0xFFFFFE50];
	v23 =	vadd.s32 v27, v23  }
0x1e4: {  	v42 =	vld [tilespmem:s19+$0xFFFFFE60];
	v22 =	vadd.s32 v22, v23  }
0x1e5: {  	v43 =	vld [tilespmem:s19+$0xFFFFFE70];
	v21 =	vadd.s32 v21, v22  }
0x1e6: {  	v44 =	vld [tilespmem:s19+$0xFFFFFD40];
	v20 =	vadd.s32 v20, v21  }
0x1e7: {  	v45 =	vld [tilespmem:s19+$0xFFFFFE80];
	v16 =	vadd.s32 v16, v20  }
0x1e8: {  	v46 =	vld [tilespmem:s19+$0xFFFFFD60];
	v14 =	vadd.s32 v14, v16  }
0x1e9: {  	v47 =	vld [tilespmem:s19+$0xFFFFFED0];
	v13 =	vadd.s32 v13, v14  }
0x1ea: {  	v30 =	vld [tilespmem:s19+$0xFFFFFEC0];
	v12 =	vadd.s32 v12, v13  }
0x1eb: {  	v31 =	vld [tilespmem:s19+$0xFFFFFDA0];
	v11 =	vadd.s32 v11, v12  }
0x1ec: {  	v48 =	vld [tilespmem:s19+$0xFFFFFEE0];
	v10 =	vadd.s32 v10, v11  }
0x1ed: {  	v49 =	vld [tilespmem:s19+$0xFFFFFEF0];
	v8 =	vadd.s32 v8, v10  }
0x1ee: {  	v50 =	vld [tilespmem:s19+$0xFFFFFF00];
	v28 =	vadd.s32 v28, v29;
	v25 =	vadd.s32 v34, v35;
	v7 =	vadd.s32 v7, v8  }
0x1ef: {  	v52 =	vld [tilespmem:s19+$0xFFFFFDE0];
	v24 =	vadd.s32 v33, v28;
	v23 =	vadd.s32 v37, v25;
	(xrf0) =	vadd.scan.msk.s32 $0xffff, v7  }
0x1f0: {  	v24 =	vadd.s32 v36, v24;
	v12 =	vadd.s32 v44, v23;
	v7 =	vld [tilespmem:s19+$0xFFFFFD90]  }
0x1f1: {  	v53 =	vld [tilespmem:s19+$0xFFFFFDF0];
	v16 =	vadd.s32 v41, v24;
	v12 =	vadd.s32 v40, v12  }
0x1f2: {  	v54 =	vld [tilespmem:s19+$0xFFFFFC20];
	v14 =	vadd.s32 v42, v16;
	v10 =	vadd.s32 v46, v12  }
0x1f3: {  	v55 =	vld [tilespmem:s19+$0xFFFFFE00];
	v13 =	vadd.s32 v43, v14;
	v10 =	vadd.s32 v38, v10  }
0x1f4: {  	v56 =	vld [tilespmem:s19+$0xFFFFFC40];
	v11 =	vadd.s32 v45, v13;
	v4 =	vadd.s32 v4, v10  }
0x1f5: {  	v11 =	vadd.s32 v39, v11;
	v4 =	vadd.s32 v7, v4;
	v7 =	vld [tilespmem:s19+$0xFFFFFC50];
	v51, _, _ =	vpop (xrf0)  }
0x1f6: {  	v57 =	vld [tilespmem:s19+$0xFFFFFC60];
	v11 =	vadd.s32 v17, v11;
	v4 =	vadd.s32 v31, v4;
	(v2sf) =	vpush v51, $0xF  }
0x1f7: {  	v58 =	vld [tilespmem:s19+$0xFFFFFC70];
	v12 =	vadd.s32 v19, v54;
	v9 =	vadd.s32 v9, v11;
	v4 =	vadd.s32 v18, v4  }
0x1f8: {  	v59 =	vadd.s32 v15, v12;
	v9 =	vadd.s32 v30, v9;
	v4 =	vadd.s32 v6, v4;
	v6 =	vld [tilespmem:s19+$0xFFFFFC80]  }
0x1f9: {  	v8 =	vadd.s32 v47, v9;
	v9 =	vadd.s32 v56, v59;
	v4 =	vadd.s32 v5, v4;
	v5 =	vld [tilespmem:s19+$0xFFFFFC90]  }
0x1fa: {  	v60 =	vld [tilespmem:s19+$0xFFFFFCA0];
	v8 =	vadd.s32 v48, v8;
	v7 =	vadd.s32 v7, v9  }
0x1fb: {  	v61 =	vld [tilespmem:s19+$0xFFFFFCB0];
	v8 =	vadd.s32 v49, v8;
	v4 =	vadd.s32 v52, v4;
	v7 =	vadd.s32 v57, v7  }
0x1fc: {  	v62 =	vld [tilespmem:s19+$0xFFFFFCC0];
	v8 =	vadd.s32 v50, v8;
	v4 =	vadd.s32 v53, v4;
	v7 =	vadd.s32 v58, v7  }
0x1fd: {  	(xrf0) =	vadd.scan.msk.s32 $0xffff, v8;
	v4 =	vadd.s32 v55, v4;
	v6 =	vadd.s32 v6, v7  }
0x1fe: {  	(xrf0) =	vadd.scan.msk.s32 $0xffff, v4;
	v5 =	vadd.s32 v5, v6  }
0x1ff: {  	v4 =	vld [tilespmem:s19+$0xFFFFFCD0];
	v5 =	vadd.s32 v60, v5  }
0x200: {  	v5 =	vadd.s32 v61, v5  }
0x201: {  	v5 =	vadd.s32 v62, v5;
	_ =	sdelay $0x1  }
0x202: {  	v63, _, _ =	vpop (xrf0)  }
0x203: {  	v7 =	vld [tilespmem:s19+$0xFFFFFCE0];
	(v2sf) =	vpush v63, $0xF;
	v4 =	vadd.s32 v4, v5;
	v5, _, _ =	vpop (xrf0)  }
0x204: {  	s20 =	spop (v2sf);
	(v2sf) =	vpush v5, $0xF;
	_ =	sdelay $0x2  }
0x205: {  	v6 =	vld [tilespmem:s19+$0xFFFFFCF0]  }
0x206: {  	v7 =	vadd.s32 v7, v4;
	v4 =	vld [tilespmem:s19+$0xFFFFFD00]  }
0x207: {  	p0 =	por $0x0, $0x0;
	s18 =	simm.s32 $0x1F;
	s24 =	sadd.s32 $0x0, s20  }
0x208: {  	s21 =	simm.s32 $0x0;
	p1 =	por !p0, !p0;
	p2 =	sle.s32 s17, s24  }
0x209: {  	s22 =	simm.s32 $0xB8F0;
	s23 =	simm.s32 $0x0;
	p1 =	por !p2, !p1  }
0x20a: {  	s19 =	simm.s32 $0x0;
	v5 =	vadd.s32 v6, v7;
	s20 =	simm.s32 $0x1F;
	p3 =	por !p1, !p1  }
.LBB2_30:
0x20b: {  	v6 =	vld [tilespmem:s22+$0xFFFFFD80];
	s21 =	sadd.s32 $0x4, s21;
	v5 =	vadd.s32 v4, v5;
	s18 =	sadd.s32 $0xFFFFFFFC, s18  }
0x20c: {  	v4 =	vld [tilespmem:s22+$0xFFFFFDD0];
	p1 =	slt.u32 s21, $0x1C;
	(xrf0) =	vadd.scan.msk.s32 $0xffff, v5  }
0x20d: {  	v5 =	vld [tilespmem:s22+$0xFFFFFDC0]  }
0x20e: {  	s23 =	ssub.s32 s17, s23;
	v10 =	vld [tilespmem:s22+$0x0]  }
0x20f: {  	s16 =	smov.u32 @p3 s23;
	v11 =	vld [tilespmem:s22+$0xFFFFFFF0]  }
0x210: {  	s19 =	smov.u32 @p3 s20;
	s23 =	sadd.s32 $0xFFFFFFFF, s20;
	v8 =	vld [tilespmem:s22+$0xFFFFFEB0];
	s25 =	spop (v2sf)  }
0x211: {  	p0 =	por p0, p2;
	v12 =	vld [tilespmem:s22+$0xFFFFFFE0];
	s25 =	sadd.s32 s24, s25;
	s26 =	spop (v2sf)  }
0x212: {  	p2 =	por !p0, !p0;
	v13 =	vld [tilespmem:s22+$0xFFFFFFD0];
	p3 =	sle.s32 s17, s25;
	s26 =	sadd.s32 s25, s26;
	v7, _, _ =	vpop (xrf0)  }
0x213: {  	v14 =	vld [tilespmem:s22+$0xFFFFFFC0];
	p2 =	por !p3, !p2;
	p0 =	por p0, p3;
	p3 =	sle.s32 s17, s26;
	(v2sf) =	vpush v7, $0xF  }
0x214: {  	s24 =	ssub.s32 s17, s24;
	v15 =	vld [tilespmem:s22+$0xFFFFFFB0];
	p4 =	por !p0, !p0;
	p0 =	por p0, p3  }
0x215: {  	p5 =	por !p2, !p2;
	v16 =	vld [tilespmem:s22+$0xFFFFFFA0];
	p3 =	por !p3, !p4;
	p2 =	por !p0, !p0  }
0x216: {  	s19 =	smov.u32 @p5 s23;
	s16 =	smov.u32 @p5 s24;
	v7 =	vld [tilespmem:s22+$0xFFFFFC30];
	p3 =	por !p3, !p3  }
0x217: {  	v17 =	vld [tilespmem:s22+$0xFFFFFF90]  }
0x218: {  	v18 =	vld [tilespmem:s22+$0xFFFFFEA0]  }
0x219: {  	v19 =	vld [tilespmem:s22+$0xFFFFFDB0]  }
0x21a: {  	v9 =	vld [tilespmem:s22+$0xFFFFFC10]  }
0x21b: {  	v20 =	vld [tilespmem:s22+$0xFFFFFF80]  }
0x21c: {  	v21 =	vld [tilespmem:s22+$0xFFFFFF70]  }
0x21d: {  	v22 =	vld [tilespmem:s22+$0xFFFFFF60]  }
0x21e: {  	v23 =	vld [tilespmem:s22+$0xFFFFFF50]  }
0x21f: {  	v24 =	vld [tilespmem:s22+$0xFFFFFF40]  }
0x220: {  	v25 =	vld [tilespmem:s22+$0xFFFFFF30]  }
0x221: {  	v26 =	vld [tilespmem:s22+$0xFFFFFF20]  }
0x222: {  	s24 =	sadd.s32 $0xFFFFFFFD, s20;
	v27 =	vld [tilespmem:s22+$0xFFFFFF10];
	s23 =	spop (v2sf)  }
0x223: {  	s25 =	ssub.s32 s17, s25;
	s20 =	sadd.s32 $0xFFFFFFFE, s20;
	v28 =	vld [tilespmem:s22+$0xFFFFFE10];
	s23 =	sadd.s32 s26, s23  }
0x224: {  	s16 =	smov.u32 @p3 s25;
	s25 =	ssub.s32 s17, s26;
	v29 =	vld [tilespmem:s22+$0xFFFFFE20];
	p4 =	sge.s32 s23, s17  }
0x225: {  	s19 =	smov.u32 @p3 s20;
	v30 =	vld [tilespmem:s22+$0xFFFFFE30];
	p2 =	por !p4, !p2;
	p0 =	por p0, p4  }
0x226: {  	s20 =	smov.u32 s18;
	v31 =	vld [tilespmem:s22+$0xFFFFFD10];
	p2 =	por !p2, !p2  }
0x227: {  	v26 =	vadd.s32 v27, v26;
	v27 =	vld [tilespmem:s22+$0xFFFFFD20];
	s19 =	smov.u32 @p2 s24;
	s16 =	smov.u32 @p2 s25  }
0x228: {  	v25 =	vadd.s32 v25, v26;
	v26 =	vld [tilespmem:s22+$0xFFFFFE40]  }
0x229: {  	v24 =	vadd.s32 v24, v25;
	v25 =	vadd.s32 v28, v29;
	v28 =	vld [tilespmem:s22+$0xFFFFFD30]  }
0x22a: {  	v23 =	vadd.s32 v23, v24;
	v24 =	vadd.s32 v30, v25;
	v25 =	vld [tilespmem:s22+$0xFFFFFD70]  }
0x22b: {  	v22 =	vadd.s32 v22, v23;
	v23 =	vld [tilespmem:s22+$0xFFFFFE90]  }
0x22c: {  	v21 =	vadd.s32 v21, v22;
	v22 =	vadd.s32 v31, v27;
	v27 =	vld [tilespmem:s22+$0xFFFFFD50]  }
0x22d: {  	v20 =	vadd.s32 v20, v21;
	v21 =	vadd.s32 v26, v24;
	v24 =	vld [tilespmem:s22+$0xFFFFFE50]  }
0x22e: {  	v17 =	vadd.s32 v17, v20;
	v20 =	vld [tilespmem:s22+$0xFFFFFE60]  }
0x22f: {  	v16 =	vadd.s32 v16, v17;
	v17 =	vld [tilespmem:s22+$0xFFFFFE70]  }
0x230: {  	v15 =	vadd.s32 v15, v16;
	v16 =	vld [tilespmem:s22+$0xFFFFFD40]  }
0x231: {  	v14 =	vadd.s32 v14, v15;
	v15 =	vld [tilespmem:s22+$0xFFFFFE80]  }
0x232: {  	v13 =	vadd.s32 v13, v14;
	v14 =	vadd.s32 v24, v21;
	v21 =	vld [tilespmem:s22+$0xFFFFFD60]  }
0x233: {  	v12 =	vadd.s32 v12, v13;
	v13 =	vadd.s32 v20, v14;
	v14 =	vld [tilespmem:s22+$0xFFFFFED0];
	v20 =	vadd.s32 v28, v22  }
0x234: {  	v11 =	vadd.s32 v11, v12;
	v12 =	vadd.s32 v17, v13;
	v13 =	vld [tilespmem:s22+$0xFFFFFD90]  }
0x235: {  	v10 =	vadd.s32 v10, v11;
	v11 =	vld [tilespmem:s22+$0xFFFFFEC0];
	v16 =	vadd.s32 v16, v20  }
0x236: {  	v12 =	vadd.s32 v15, v12;
	v15 =	vadd.s32 v27, v16;
	v16 =	vld [tilespmem:s22+$0xFFFFFDA0];
	(xrf0) =	vadd.scan.msk.s32 $0xffff, v10  }
0x237: {  	v10 =	vadd.s32 v23, v12;
	v12 =	vld [tilespmem:s22+$0xFFFFFEE0];
	v15 =	vadd.s32 v21, v15  }
0x238: {  	v10 =	vadd.s32 v18, v10;
	v17 =	vld [tilespmem:s22+$0xFFFFFEF0];
	v15 =	vadd.s32 v25, v15  }
0x239: {  	v8 =	vadd.s32 v8, v10;
	v10 =	vld [tilespmem:s22+$0xFFFFFF00];
	v6 =	vadd.s32 v6, v15  }
0x23a: {  	v8 =	vadd.s32 v11, v8;
	v6 =	vadd.s32 v13, v6;
	v11 =	vld [tilespmem:s22+$0xFFFFFDE0]  }
0x23b: {  	v8 =	vadd.s32 v14, v8;
	v6 =	vadd.s32 v16, v6;
	v13 =	vld [tilespmem:s22+$0xFFFFFDF0]  }
0x23c: {  	v8 =	vadd.s32 v12, v8;
	v6 =	vadd.s32 v19, v6;
	v12 =	vld [tilespmem:s22+$0xFFFFFE00];
	v14, _, _ =	vpop (xrf0)  }
0x23d: {  	v8 =	vadd.s32 v17, v8;
	v5 =	vadd.s32 v5, v6;
	(v2sf) =	vpush v14, $0xF  }
0x23e: {  	v6 =	vadd.s32 v10, v8;
	v4 =	vadd.s32 v4, v5  }
0x23f: {  	v4 =	vadd.s32 v11, v4;
	v5 =	vld [tilespmem:s22+$0xFFFFFC20];
	(xrf0) =	vadd.scan.msk.s32 $0xffff, v6  }
0x240: {  	v4 =	vadd.s32 v13, v4;
	v6 =	vld [tilespmem:s22+$0xFFFFFC60]  }
0x241: {  	v4 =	vadd.s32 v12, v4;
	v8 =	vld [tilespmem:s22+$0xFFFFFC40]  }
0x242: {  	v10 =	vld [tilespmem:s22+$0xFFFFFC50];
	(xrf0) =	vadd.scan.msk.s32 $0xffff, v4  }
0x243: {  	v4 =	vld [tilespmem:s22+$0xFFFFFC70]  }
0x244: {  	v5 =	vadd.s32 v9, v5;
	v9 =	vld [tilespmem:s22+$0xFFFFFC80]  }
0x245: {  	v5 =	vadd.s32 v7, v5;
	v7 =	vld [tilespmem:s22+$0xFFFFFC90];
	v11, _, _ =	vpop (xrf0)  }
0x246: {  	v5 =	vadd.s32 v8, v5;
	v8 =	vld [tilespmem:s22+$0xFFFFFCA0]  }
0x247: {  	v5 =	vadd.s32 v10, v5;
	v10 =	vld [tilespmem:s22+$0xFFFFFCB0]  }
0x248: {  	v5 =	vadd.s32 v6, v5;
	v6 =	vld [tilespmem:s22+$0xFFFFFCC0];
	(v2sf) =	vpush v11, $0xF;
	v11, _, _ =	vpop (xrf0)  }
0x249: {  	v4 =	vadd.s32 v4, v5;
	v5 =	vld [tilespmem:s22+$0xFFFFFCD0];
	(v2sf) =	vpush v11, $0xF  }
0x24a: {  	v4 =	vadd.s32 v9, v4;
	v9 =	vld [tilespmem:s22+$0xFFFFFCE0]  }
0x24b: {  	v4 =	vadd.s32 v7, v4;
	v7 =	vld [tilespmem:s22+$0xFFFFFCF0]  }
0x24c: {  	v8 =	vadd.s32 v8, v4;
	v4 =	vld [tilespmem:s22+$0xFFFFFD00];
	s24 =	spop (v2sf)  }
.Ltmp14:
0x24d: {  	s24 =	sadd.s32 s23, s24;
	v8 =	vadd.s32 v10, v8;
	(pc) =	sbr.rel @p1 .LBB2_30-.Ltmp14, $4  }
0x24e: {  	p3 =	por !p0, !p0;
	p2 =	sle.s32 s17, s24;
	v6 =	vadd.s32 v6, v8  }
0x24f: {  	p3 =	por !p2, !p3;
	v5 =	vadd.s32 v5, v6  }
0x250: {  	p3 =	por !p3, !p3;
	v5 =	vadd.s32 v9, v5  }
0x251: {  	s22 =	sadd.s32 $0xFFFFFC00, s22;
	v5 =	vadd.s32 v7, v5  }
0x252: {  	v4 =	vadd.s32 v4, v5  }
0x253: {  	(xrf0) =	vadd.scan.msk.s32 $0xffff, v4;
	_ =	sdelay $0x5  }
0x254: {  	v4, _, _ =	vpop (xrf0)  }
0x255: {  	(v2sf) =	vpush v4, $0xF;
	_ =	sdelay $0x8  }
0x256: {  	s21 =	ssub.s32 s17, s23;
	s19 =	smov.u32 @p3 s20  }
0x257: {  	p0 =	por p0, p2;
	s23 =	ssub.s32 s17, s24;
	s18 =	spop (v2sf)  }
0x258: {  	s16 =	smov.u32 @p3 s21;
	s18 =	sadd.s32 s24, s18;
	s22 =	spop (v2sf)  }
0x259: {  	s21 =	sadd.s32 $0xFFFFFFFF, s20;
	p3 =	sle.s32 s17, s18;
	s22 =	sadd.s32 s18, s22  }
0x25a: {  	p1 =	por !p0, !p0;
	p0 =	por p0, p3;
	p4 =	sle.s32 s17, s22  }
0x25b: {  	p1 =	por !p3, !p1;
	p5 =	por !p0, !p0;
	p0 =	por p0, p4  }
0x25c: {  	p1 =	por !p1, !p1;
	p2 =	por !p4, !p5;
	s29 =	spop (v2sf)  }
0x25d: {  	p0 =	por !p0, !p0;
	s19 =	smov.u32 @p1 s21;
	s21 =	sadd.s32 s22, s29  }
0x25e: {  	s16 =	smov.u32 @p1 s23;
	s23 =	sadd.s32 $0xFFFFFFFD, s20;
	p6 =	sge.s32 s21, s17  }
0x25f: {  	s20 =	sadd.s32 $0xFFFFFFFE, s20;
	p1 =	por !p2, !p2;
	p0 =	por !p6, !p0  }
0x260: {  	s19 =	smov.u32 @p1 s20;
	p0 =	por !p0, !p0  }
0x261: {  	s18 =	ssub.s32 s17, s18;
	s19 =	smov.u32 @p0 s23  }
0x262: {  	s16 =	smov.u32 @p1 s18;
	s17 =	ssub.s32 s17, s22;
	s30 =	sshll.u32 s19, $0xA  }
0x263: {  	s16 =	smov.u32 @p0 s17;
	s17 =	sshra.s32 s30, $0x2  }
0x264: {  	s17 =	sadd.s32 $0x9D00, s17  }
0x265: {  	p1 =	por $0x0, $0x0;
	v5 =	vmov s17  }
.Ltmp15:
0x266: {  	_ = 	snop;
	(pc) =	sbr.rel @p1 .LBB2_32-.Ltmp15, $3  }
0x267: {  	_ =	sdelay $0x1  }
0x268: {  	s31 =	simm.s32 $0xF0  }
0x269: {  	p3 =	por $0x0, $0x0;
	s18 =	simm.s32 $0x0;
	s19 =	sshllo.u32 s19, $0x4;
	v4 =	vld.idx.msk [tilespmem:v5+s31+$0x0 ss:$0x1], $0xffff  }
0x26a: {  	p1 =	por $0x0, $0x0  }
.Ltmp16:
0x26b: {  	_ = 	snop;
	(pc) =	sbr.rel @p1 .LBB2_34-.Ltmp16, $3  }
0x26c: {  	_ =	sdelay $0x1  }
0x26d: {  	s17 =	simm.s32 $0xE0  }
0x26e: {  	v6 =	vld.idx.msk [tilespmem:v5+s17+$0x0 ss:$0x1], $0xffff;
	(xrf0) =	vadd.scan.msk.s32 $0xffff, v4  }
0x26f: {  	_ = 	snop  }
0x270: {  	p1 =	por $0x0, $0x0  }
.Ltmp17:
0x271: {  	_ = 	snop;
	(pc) =	sbr.rel @p1 .LBB2_36-.Ltmp17, $3  }
0x272: {  	_ =	sdelay $0x1  }
0x273: {  	s17 =	simm.s32 $0xD0;
	v7, _, _ =	vpop (xrf0)  }
0x274: {  	p0 =	por $0x1, $0x1;
	v4 =	vld.idx.msk [tilespmem:v5+s17+$0x0 ss:$0x1], $0xffff;
	(xrf0) =	vadd.scan.msk.s32 $0xffff, v6;
	(v2sf) =	vpush v7, $0xF  }
0x275: {  	_ = 	snop  }
0x276: {  	p1 =	por $0x0, $0x0  }
.Ltmp18:
0x277: {  	s17 =	simm.s32 @!p0 $0x0;
	(pc) =	sbr.rel @p1 .LBB2_38-.Ltmp18, $4  }
0x278: {  	s17 =	simm.s32 @p0 $0x1;
	p0 =	por $0x1, $0x1  }
0x279: {  	[smem:$0x7F8] =	sst s17;
	s17 =	simm.s32 @!p0 $0x0  }
0x27a: {  	s31 =	simm.s32 $0xC0;
	s17 =	simm.s32 @p0 $0x1;
	v7, _, _ =	vpop (xrf0)  }
0x27b: {  	v6 =	vld.idx.msk [tilespmem:v5+s31+$0x0 ss:$0x1], $0xffff;
	p0 =	por $0x1, $0x1;
	[smem:$0x7F9] =	sst s17;
	(xrf0) =	vadd.scan.msk.s32 $0xffff, v4;
	(v2sf) =	vpush v7, $0xF  }
0x27c: {  	_ =	sdelay $0x4  }
0x27d: {  	v7, _, _ =	vpop (xrf0)  }
0x27e: {  	(v2sf) =	vpush v7, $0xF;
	_ =	sdelay $0x2  }
0x27f: {  	p1 =	por $0x0, $0x0  }
.Ltmp19:
0x280: {  	_ = 	snop;
	(pc) =	sbr.rel @p1 .LBB2_40-.Ltmp19, $4  }
0x281: {  	s17 =	simm.s32 $0xB0;
	p2 =	por $0x1, $0x1  }
0x282: {  	v4 =	vld.idx.msk [tilespmem:v5+s17+$0x0 ss:$0x1], $0xffff;
	s17 =	simm.s32 @!p2 $0x0  }
0x283: {  	s17 =	simm.s32 @p2 $0x1  }
0x284: {  	[smem:$0x7FA] =	sst s17;
	(xrf0) =	vadd.scan.msk.s32 $0xffff, v6;
	s20 =	spop (v2sf)  }
0x285: {  	_ =	sdelay $0x4  }
0x286: {  	v6, _, _ =	vpop (xrf0)  }
0x287: {  	(v2sf) =	vpush v6, $0xF  }
0x288: {  	s17 =	sadd.s32 $0x0, s20  }
0x289: {  	p1 =	por $0x0, $0x0;
	s21 =	simm.s32 $0xA0;
	p4 =	por $0x0, $0x0  }
.Ltmp20:
0x28a: {  	s22 =	ssub.s32 s16, s18;
	s24 =	simm.s32 $0x0;
	(pc) =	sbr.rel @p4 .LBB2_42-.Ltmp20, $4  }
0x28b: {  	s26 =	simm.s32 $0x240;
	p5 =	por !p1, !p1;
	p1 =	sge.s32 s17, s16;
	(xrf0) =	vadd.scan.msk.s32 $0xffff, v4  }
0x28c: {  	s23 =	spop (v2sf);
	p3 =	por $0x1, $0x1;
	p5 =	por !p1, !p5;
	v4 =	vld.idx.msk [tilespmem:v5+s21+$0x0 ss:$0x1], $0xffff  }
0x28d: {  	s25 =	smov.u32 s17;
	p6 =	por !p5, !p5;
	p5 =	por $0x0, $0x0  }
0x28e: {  	s24 =	smov.u32 @p6 s22;
	s22 =	simm.s32 $0x0;
	s21 =	smov.u32 s19  }
.LBB2_43:
0x28f: {  	s28 =	sshra.s32 s26, $0x2  }
0x290: {  	s17 =	sadd.s32 s17, s23;
	s22 =	smov.u32 @p6 s21;
	p4 =	seq.s32 s26, $0x0  }
.Ltmp21:
0x291: {  	s26 =	sadd.s32 $0xFFFFFFC0, s26;
	p5 =	por p5, p1;
	(xrf0) =	vadd.scan.msk.s32 $0xffff, v4;
	v4 =	vld.idx.msk [tilespmem:v5+s28+$0x0 ss:$0x1], $0xffff;
	v6, _, _ =	vpop (xrf0);
	(pc) =	sbr.rel @!p4 .LBB2_43-.Ltmp21, $4  }
0x292: {  	p6 =	por !p5, !p5;
	p1 =	sge.s32 s17, s16;
	(v2sf) =	vpush v6, $0xF  }
0x293: {  	p6 =	por !p1, !p6  }
0x294: {  	s28 =	ssub.s32 s16, s25;
	s25 =	smov.u32 s17;
	p6 =	por !p6, !p6  }
0x295: {  	s21 =	sadd.s32 $0xFFFFFFFF, s21;
	s24 =	smov.u32 @p6 s28;
	s23 =	spop (v2sf)  }
0x296: {  	_ = 	snop  }
0x297: {  	_ = 	snop  }
.LBB2_45:
0x298: {  	s26 =	sld [smem:$0x7FA];
	_ =	sdelay $0x1  }
0x299: {  	p1 =	por @p3 p5, p1;
	p4 =	por $0x0, $0x0;
	s29 =	sld [smem:$0x7F8]  }
0x29a: {  	p6 =	por !p6, !p3;
	s30 =	sld [smem:$0x7F9];
	p2 =	seq.s32 s26, $0x1  }
0x29b: {  	p1 =	por @!p3 p4, p4;
	s17 =	sadd.s32 @p2 s17, s23;
	s23 =	smov.u32 s21  }
0x29c: {  	p5 =	por @p2 !p1, !p1;
	p4 =	sge.s32 @p2 s17, s16;
	s23 =	smov.u32 @p6 s22  }
0x29d: {  	s22 =	ssub.s32 @p2 s16, s25;
	s25 =	smov.u32 s18;
	p5 =	por @p2 !p4, !p5  }
0x29e: {  	s25 =	smov.u32 @p2 s17;
	s17 =	spop @p0 (v2sf);
	p4 =	por @!p2 p0, p0  }
0x29f: {  	p5 =	por @p2 !p5, !p5;
	p1 =	por @p2 p1, p4;
	s20 =	smov.u32 @p0 s17  }
0x2a0: {  	s17 =	smov.u32 s18;
	p4 =	por $0x0, $0x0;
	p6 =	por !p5, !p2  }
0x2a1: {  	s20 =	sadd.s32 @p0 s25, s20;
	p1 =	por @!p2 p4, p4;
	p5 =	por @!p2 p0, p0  }
0x2a2: {  	s22 =	smov.u32 @p6 s24;
	p6 =	por p3, p3;
	p3 =	seq.s32 s29, $0x1  }
0x2a3: {  	s24 =	smov.u32 s19;
	p4 =	sge.s32 @p0 s20, s16;
	p5 =	por !p5, !p2  }
0x2a4: {  	s21 =	sadd.s32 @p6 $0xFFFFFFFF, s21;
	s17 =	smov.u32 @p6 s23;
	s23 =	smov.u32 s18  }
0x2a5: {  	s24 =	smov.u32 @p6 s21;
	p6 =	por @p0 !p1, !p1;
	s21 =	smov.u32 @p0 s25  }
0x2a6: {  	s25 =	smov.u32 s24;
	p6 =	por @p0 !p4, !p6;
	s23 =	smov.u32 @p0 s21  }
0x2a7: {  	v5, _, _ =	vpop @p3 (xrf0);
	p4 =	por @!p0 p0, p0;
	s25 =	smov.u32 @p5 s17;
	s17 =	smov.u32 s18  }
0x2a8: {  	(v2sf) =	vpush @p3 v5, $0xF;
	p5 =	por @p0 !p6, !p6;
	s21 =	ssub.s32 @p0 s16, s23;
	s23 =	smov.u32 s19  }
0x2a9: {  	s17 =	smov.u32 @p2 s22;
	p6 =	por !p5, !p0;
	s22 =	sadd.s32 @p2 $0xFFFFFFFF, s24  }
0x2aa: {  	(xrf0) =	vadd.scan.msk.s32 $0xffff, v4;
	s21 =	smov.u32 @p6 s17;
	s17 =	smov.u32 s18;
	p6 =	por @p0 p1, p4  }
0x2ab: {  	p1 =	por p0, p0;
	s23 =	smov.u32 @p2 s22;
	s22 =	smov.u32 s18  }
0x2ac: {  	p4 =	por $0x0, $0x0;
	s17 =	smov.u32 @p0 s20;
	p0 =	seq.s32 s30, $0x1  }
0x2ad: {  	p6 =	por @!p1 p4, p4;
	s22 =	smov.u32 @p2 s25;
	s24 =	smov.u32 s23  }
0x2ae: {  	s23 =	sadd.s32 @p1 $0xFFFFFFFF, s23;
	s25 =	smov.u32 s19;
	s20 =	spop @p0 (v2sf)  }
0x2af: {  	p5 =	por @!p1 p0, p0;
	p4 =	por @p0 !p6, !p6;
	p2 =	por p6, p6  }
0x2b0: {  	v4, _, _ =	vpop (xrf0);
	s25 =	smov.u32 @p1 s23;
	s20 =	smov.u32 @p0 s20;
	p5 =	por !p5, !p1  }
0x2b1: {  	(v2sf) =	vpush v4, $0xF;
	s23 =	smov.u32 s18;
	s20 =	sadd.s32 @p0 s17, s20;
	s24 =	smov.u32 @p5 s22  }
0x2b2: {  	s17 =	smov.u32 @p0 s17;
	s22 =	smov.u32 s18;
	p6 =	sge.s32 @p0 s20, s16  }
0x2b3: {  	s22 =	smov.u32 @p1 s21;
	s17 =	ssub.s32 @p0 s16, s17;
	s21 =	smov.u32 s18  }
0x2b4: {  	s23 =	smov.u32 @p1 s24;
	s24 =	smov.u32 s18;
	p4 =	por @p0 !p6, !p4  }
0x2b5: {  	s21 =	smov.u32 @p0 s20;
	p6 =	por @!p0 p0, p0;
	p4 =	por @p0 !p4, !p4  }
0x2b6: {  	s20 =	smov.u32 @p3 s21;
	p6 =	por @p0 p2, p6;
	p5 =	por !p4, !p0  }
0x2b7: {  	p2 =	por $0x0, $0x0;
	s17 =	smov.u32 @p5 s22;
	s22 =	spop @p3 (v2sf)  }
0x2b8: {  	p6 =	por @!p0 p2, p2;
	p4 =	por @!p0 p0, p0;
	s22 =	smov.u32 @p3 s22  }
0x2b9: {  	s20 =	smov.u32 @p3 s20;
	p5 =	por @p3 !p6, !p6;
	s21 =	sadd.s32 @p3 s21, s22  }
0x2ba: {  	p1 =	por !p4, !p0;
	s22 =	smov.u32 s18;
	p2 =	sge.s32 @p3 s21, s16  }
0x2bb: {  	s22 =	smov.u32 @p0 s17;
	s17 =	smov.u32 s25;
	p5 =	por @p3 !p2, !p5  }
0x2bc: {  	s20 =	ssub.s32 @p3 s16, s20;
	s17 =	smov.u32 @p1 s23;
	p4 =	por @p3 !p5, !p5  }
0x2bd: {  	s23 =	smov.u32 s19;
	p2 =	por @!p3 p0, p0;
	p5 =	por !p4, !p3  }
0x2be: {  	s24 =	smov.u32 @p0 s17;
	s20 =	smov.u32 @p5 s22;
	s22 =	sadd.s32 @p0 $0xFFFFFFFF, s25  }
0x2bf: {  	p1 =	por @p3 p6, p2;
	s23 =	smov.u32 @p0 s22;
	s22 =	smov.u32 s18  }
0x2c0: {  	s31 =	spop (v2sf);
	p0 =	por $0x0, $0x0;
	s22 =	smov.u32 @p3 s21  }
0x2c1: {  	p1 =	por @!p3 p0, p0;
	s21 =	sadd.s32 s22, s31  }
0x2c2: {  	s17 =	smov.u32 s18;
	p1 =	por !p1, !p1;
	p6 =	sge.s32 s21, s16  }
0x2c3: {  	s17 =	smov.u32 @p3 s20;
	p1 =	por !p6, !p1  }
0x2c4: {  	p4 =	por @!p3 p0, p0;
	s16 =	ssub.s32 s16, s22;
	p0 =	por !p1, !p1  }
0x2c5: {  	s17 =	smov.u32 @p0 s16;
	s16 =	simm.s32 $0x9D40  }
0x2c6: {  	[tilespmem:s16+$0xFFFFFFC0] =	vst v0  }
0x2c7: {  	[tilespmem:s16+$0x30] =	vst v0  }
0x2c8: {  	[tilespmem:s16+$0x20] =	vst v0  }
0x2c9: {  	p2 =	por !p4, !p3;
	[tilespmem:s16+$0x10] =	vst v0  }
0x2ca: {  	s25 =	sadd.s32 @p3 $0xFFFFFFFF, s23;
	s23 =	smov.u32 @p2 s24;
	[tilespmem:s16+$0x0] =	vst v0  }
0x2cb: {  	s19 =	smov.u32 @p3 s25;
	s18 =	smov.u32 @p3 s23;
	[tilespmem:s16+$0xFFFFFFF0] =	vst v0  }
0x2cc: {  	s18 =	smov.u32 @p0 s19;
	s19 =	simm.s32 $0x0;
	[tilespmem:s16+$0xFFFFFFE0] =	vst v0  }
.LBB2_46:
0x2cd: {  	s19 =	sadd.s32 $0x8, s19;
	[tilespmem:s16+$0xFFFFFFD0] =	vst v0;
	s16 =	sadd.s32 $0x80, s16  }
0x2ce: {  	[tilespmem:s16+$0xFFFFFFC0] =	vst v0;
	p0 =	slt.u32 s19, $0x1F8  }
0x2cf: {  	[tilespmem:s16+$0x30] =	vst v0  }
.Ltmp22:
0x2d0: {  	[tilespmem:s16+$0x20] =	vst v0;
	(pc) =	sbr.rel @p0 .LBB2_46-.Ltmp22, $4  }
0x2d1: {  	[tilespmem:s16+$0x10] =	vst v0  }
0x2d2: {  	[tilespmem:s16+$0x0] =	vst v0  }
0x2d3: {  	[tilespmem:s16+$0xFFFFFFF0] =	vst v0  }
0x2d4: {  	[tilespmem:s16+$0xFFFFFFE0] =	vst v0  }
0x2d5: {  	[tilespmem:s16+$0xFFFFFFD0] =	vst v0;
	s31 =	simm.s32 $0x40  }
0x2d6: {  	v5 =	vld [tilespmem:s31+$0xFFFFFFC0]  }
0x2d7: {  	v7 =	vld [tilespmem:s31+$0xFFFFFFE0];
	_ =	sdelay $0x1  }
0x2d8: {  	s15 =	sshll.u32 s15, $0x9  }
0x2d9: {  	s15 =	sor.u32 s15, s18;
	v9 =	vld [tilespmem:s31+$0xFFFFFFF0]  }
0x2da: {  	v11 =	vld [tilespmem:s31+$0x20];
	v4 =	vmov s15;
	v6 =	vshra.s32 v5, $0xD  }
0x2db: {  	v5 =	vand.u32 $0x1FF0, v5;
	v8 =	vshra.s32 v7, $0xD;
	vm3 =	veq.s32 v6, v4  }
0x2dc: {  	v13 =	vld [tilespmem:s31+$0x30];
	v7 =	vand.u32 $0x1FF0, v7;
	v12 =	vor.u32 v1, v5;
	vm2 =	veq.s32 v8, v4  }
0x2dd: {  	v5 =	vld [tilespmem:s31+$0xFFFFFFD0];
	v8 =	vor.u32 v1, v7;
	_ =	sdelay $0x1  }
0x2de: {  	v14 =	vshra.s32 v11, $0xD;
	v6 =	vand.u32 $0x1FF0, v9;
	v7 =	vshra.s32 v9, $0xD;
	v9 =	vld [tilespmem:s31+$0x10]  }
0x2df: {  	v10 =	vld [tilespmem:s31+$0x0];
	vm1 =	veq.s32 v14, v4;
	vm0 =	veq.s32 v7, v4;
	v7 =	vand.u32 $0x1FF0, v11  }
0x2e0: {  	s16 =	simm.s32 $0x0;
	s18 =	simm.s32 $0xC0;
	v11 =	vand.u32 $0x1FF0, v13;
	v7 =	vor.u32 v1, v7;
	[tilespmem:v12+s11+$0x0] =	vst.idx.add.s32.msk vm3, v2;
	v12 =	vshra.s32 v13, $0xD  }
.LBB2_48:
0x2e1: {  	s16 =	sadd.s32 $0x8, s16;
	v13 =	vshra.s32 v5, $0xD;
	[tilespmem:v8+s11+$0x0] =	vst.idx.add.s32.msk vm2, v2;
	vm3 =	veq.s32 v12, v4  }
0x2e2: {  	v5 =	vand.u32 $0x1FF0, v5;
	v8 =	vor.u32 v1, v6;
	v12 =	vld [tilespmem:s18+$0xFFFFFFF0];
	p0 =	slt.u32 s16, $0x4D8;
	vm4 =	veq.s32 v13, v4  }
0x2e3: {  	v11 =	vor.u32 v1, v11;
	v14 =	vor.u32 v1, v5;
	v13 =	vld [tilespmem:s18+$0xFFFFFFE0];
	v5 =	vshra.s32 v9, $0xD  }
0x2e4: {  	v15 =	vld [tilespmem:s18+$0xFFFFFFC0];
	v6 =	vshra.s32 v10, $0xD;
	vm5 =	veq.s32 v5, v4;
	v5 =	vand.u32 $0x1FF0, v9  }
0x2e5: {  	v16 =	vld [tilespmem:s18+$0x30];
	vm6 =	veq.s32 v6, v4;
	v6 =	vand.u32 $0x1FF0, v10;
	v9 =	vor.u32 v1, v5  }
0x2e6: {  	v17 =	vld [tilespmem:s18+$0x20];
	v10 =	vor.u32 v1, v6  }
0x2e7: {  	v5 =	vld [tilespmem:s18+$0xFFFFFFD0];
	v6 =	vand.u32 $0x1FF0, v12  }
0x2e8: {  	[tilespmem:v8+s11+$0x0] =	vst.idx.add.s32.msk vm0, v2  }
0x2e9: {  	v18 =	vshra.s32 v13, $0xD;
	v13 =	vand.u32 $0x1FF0, v13;
	v8 =	vshra.s32 v15, $0xD;
	[tilespmem:v7+s11+$0x0] =	vst.idx.add.s32.msk vm1, v2  }
0x2ea: {  	v7 =	vand.u32 $0x1FF0, v15;
	vm2 =	veq.s32 v18, v4;
	vm7 =	veq.s32 v8, v4;
	[tilespmem:v9+s11+$0x0] =	vst.idx.add.s32.msk vm5, v2  }
0x2eb: {  	v7 =	vor.u32 v1, v7;
	v8 =	vor.u32 v1, v13;
	[tilespmem:v10+s11+$0x0] =	vst.idx.add.s32.msk vm6, v2  }
.Ltmp23:
0x2ec: {  	v9 =	vshra.s32 v12, $0xD;
	[tilespmem:v11+s11+$0x0] =	vst.idx.add.s32.msk vm3, v2;
	(pc) =	sbr.rel @p0 .LBB2_48-.Ltmp23, $4  }
0x2ed: {  	vm0 =	veq.s32 v9, v4;
	[tilespmem:v14+s11+$0x0] =	vst.idx.add.s32.msk vm4, v2  }
0x2ee: {  	v11 =	vshra.s32 v17, $0xD;
	v9 =	vld [tilespmem:s18+$0x10]  }
0x2ef: {  	vm1 =	veq.s32 v11, v4;
	v11 =	vand.u32 $0x1FF0, v17;
	v10 =	vld [tilespmem:s18+$0x0]  }
0x2f0: {  	v12 =	vshra.s32 v16, $0xD;
	s18 =	sadd.s32 $0x80, s18;
	[tilespmem:v7+s11+$0x0] =	vst.idx.add.s32.msk vm7, v2;
	v7 =	vor.u32 v1, v11;
	v11 =	vand.u32 $0x1FF0, v16  }
0x2f1: {  	_ = 	snop  }
0x2f2: {  	v6 =	vor.u32 v1, v6;
	v62 =	vshra.s32 v5, $0xD  }
0x2f3: {  	vm5 =	veq.s32 v12, v4;
	v5 =	vand.u32 $0x1FF0, v5;
	v63 =	vor.u32 v1, v11  }
0x2f4: {  	vm15 =	veq.s32 v62, v4;
	v5 =	vor.u32 v1, v5;
	v13 =	vshra.s32 v9, $0xD  }
0x2f5: {  	v60 =	vand.u32 $0x1FF0, v9;
	vm3 =	veq.s32 v13, v4;
	v59 =	vshra.s32 v10, $0xD  }
0x2f6: {  	[tilespmem:v8+s11+$0x0] =	vst.idx.add.s32.msk vm2, v2;
	v61 =	vand.u32 $0x1FF0, v10;
	v9 =	vor.u32 v1, v60;
	vm4 =	veq.s32 v59, v4  }
0x2f7: {  	[tilespmem:v7+s11+$0x0] =	vst.idx.add.s32.msk vm1, v2;
	v10 =	vor.u32 v1, v61  }
0x2f8: {  	[tilespmem:v6+s11+$0x0] =	vst.idx.add.s32.msk vm0, v2  }
0x2f9: {  	[tilespmem:v63+s11+$0x0] =	vst.idx.add.s32.msk vm5, v2  }
0x2fa: {  	[tilespmem:v5+s11+$0x0] =	vst.idx.add.s32.msk vm15, v2  }
0x2fb: {  	[tilespmem:v9+s11+$0x0] =	vst.idx.add.s32.msk vm3, v2  }
0x2fc: {  	s16 =	simm.s32 $0x0;
	s18 =	simm.s32 $0x0;
	[tilespmem:v10+s11+$0x0] =	vst.idx.add.s32.msk vm4, v2  }
.LBB2_50:
0x2fd: {  	s19 =	sshra.s32 s18, $0x2  }
0x2fe: {  	v5 =	vld [tilespmem:s19+$0x4E00];
	_ =	sdelay $0x4  }
0x2ff: {  	v6 =	vshra.s32 v5, $0xD  }
0x300: {  	v5 =	vand.u32 $0x1FF0, v5;
	vm0 =	veq.s32 v6, v4  }
0x301: {  	p0 =	seq.s32 s18, $0x40;
	v5 =	vor.u32 v1, v5  }
.Ltmp24:
0x302: {  	_ = 	snop;
	(pc) =	sbr.rel @!p0 .LBB2_50-.Ltmp24, $2  }
0x303: {  	_ =	sdelay $0x2  }
0x304: {  	s18 =	sadd.s32 $0x40, s18;
	[tilespmem:v5+s11+$0x0] =	vst.idx.add.s32.msk vm0, v2  }
0x305: {  	s19 =	simm.s32 $0xBCF0  }
0x306: {  	v4 =	vld [tilespmem:s19+$0xFFFFFD80]  }
0x307: {  	v5 =	vld [tilespmem:s19+$0xFFFFFDD0]  }
0x308: {  	v6 =	vld [tilespmem:s19+$0xFFFFFDC0]  }
0x309: {  	v7 =	vld [tilespmem:s19+$0x0]  }
0x30a: {  	v8 =	vld [tilespmem:s19+$0xFFFFFFF0]  }
0x30b: {  	v9 =	vld [tilespmem:s19+$0xFFFFFEB0]  }
0x30c: {  	v10 =	vld [tilespmem:s19+$0xFFFFFFE0]  }
0x30d: {  	v11 =	vld [tilespmem:s19+$0xFFFFFFD0]  }
0x30e: {  	v12 =	vld [tilespmem:s19+$0xFFFFFFC0]  }
0x30f: {  	v13 =	vld [tilespmem:s19+$0xFFFFFFB0]  }
0x310: {  	v14 =	vld [tilespmem:s19+$0xFFFFFFA0]  }
0x311: {  	v15 =	vld [tilespmem:s19+$0xFFFFFC30]  }
0x312: {  	v16 =	vld [tilespmem:s19+$0xFFFFFF90]  }
0x313: {  	v17 =	vld [tilespmem:s19+$0xFFFFFEA0]  }
0x314: {  	v18 =	vld [tilespmem:s19+$0xFFFFFDB0]  }
0x315: {  	v19 =	vld [tilespmem:s19+$0xFFFFFC10]  }
0x316: {  	v20 =	vld [tilespmem:s19+$0xFFFFFF80]  }
0x317: {  	v21 =	vld [tilespmem:s19+$0xFFFFFF70]  }
0x318: {  	v22 =	vld [tilespmem:s19+$0xFFFFFF60]  }
0x319: {  	v23 =	vld [tilespmem:s19+$0xFFFFFF20]  }
0x31a: {  	v24 =	vld [tilespmem:s19+$0xFFFFFF10]  }
0x31b: {  	v25 =	vld [tilespmem:s19+$0xFFFFFF30]  }
0x31c: {  	v26 =	vld [tilespmem:s19+$0xFFFFFF40]  }
0x31d: {  	v27 =	vld [tilespmem:s19+$0xFFFFFF50]  }
0x31e: {  	v28 =	vld [tilespmem:s19+$0xFFFFFE10]  }
0x31f: {  	v29 =	vld [tilespmem:s19+$0xFFFFFE20]  }
0x320: {  	v33 =	vld [tilespmem:s19+$0xFFFFFE30]  }
0x321: {  	v34 =	vld [tilespmem:s19+$0xFFFFFD10]  }
0x322: {  	v35 =	vld [tilespmem:s19+$0xFFFFFD20]  }
0x323: {  	v36 =	vld [tilespmem:s19+$0xFFFFFE40]  }
0x324: {  	v37 =	vld [tilespmem:s19+$0xFFFFFD30]  }
0x325: {  	v38 =	vld [tilespmem:s19+$0xFFFFFD70];
	v23 =	vadd.s32 v24, v23  }
0x326: {  	v39 =	vld [tilespmem:s19+$0xFFFFFE90];
	v23 =	vadd.s32 v25, v23  }
0x327: {  	v40 =	vld [tilespmem:s19+$0xFFFFFD50];
	v23 =	vadd.s32 v26, v23  }
0x328: {  	v41 =	vld [tilespmem:s19+$0xFFFFFE50];
	v23 =	vadd.s32 v27, v23  }
0x329: {  	v42 =	vld [tilespmem:s19+$0xFFFFFE60];
	v22 =	vadd.s32 v22, v23  }
0x32a: {  	v43 =	vld [tilespmem:s19+$0xFFFFFE70];
	v21 =	vadd.s32 v21, v22  }
0x32b: {  	v44 =	vld [tilespmem:s19+$0xFFFFFD40];
	v20 =	vadd.s32 v20, v21  }
0x32c: {  	v45 =	vld [tilespmem:s19+$0xFFFFFE80];
	v16 =	vadd.s32 v16, v20  }
0x32d: {  	v46 =	vld [tilespmem:s19+$0xFFFFFD60];
	v14 =	vadd.s32 v14, v16  }
0x32e: {  	v47 =	vld [tilespmem:s19+$0xFFFFFED0];
	v13 =	vadd.s32 v13, v14  }
0x32f: {  	v30 =	vld [tilespmem:s19+$0xFFFFFEC0];
	v12 =	vadd.s32 v12, v13  }
0x330: {  	v31 =	vld [tilespmem:s19+$0xFFFFFDA0];
	v11 =	vadd.s32 v11, v12  }
0x331: {  	v48 =	vld [tilespmem:s19+$0xFFFFFEE0];
	v10 =	vadd.s32 v10, v11  }
0x332: {  	v49 =	vld [tilespmem:s19+$0xFFFFFEF0];
	v8 =	vadd.s32 v8, v10  }
0x333: {  	v50 =	vld [tilespmem:s19+$0xFFFFFF00];
	v28 =	vadd.s32 v28, v29;
	v25 =	vadd.s32 v34, v35;
	v7 =	vadd.s32 v7, v8  }
0x334: {  	v52 =	vld [tilespmem:s19+$0xFFFFFDE0];
	v24 =	vadd.s32 v33, v28;
	v23 =	vadd.s32 v37, v25;
	(xrf0) =	vadd.scan.msk.s32 $0xffff, v7  }
0x335: {  	v24 =	vadd.s32 v36, v24;
	v12 =	vadd.s32 v44, v23;
	v7 =	vld [tilespmem:s19+$0xFFFFFD90]  }
0x336: {  	v53 =	vld [tilespmem:s19+$0xFFFFFDF0];
	v16 =	vadd.s32 v41, v24;
	v12 =	vadd.s32 v40, v12  }
0x337: {  	v54 =	vld [tilespmem:s19+$0xFFFFFC20];
	v14 =	vadd.s32 v42, v16;
	v10 =	vadd.s32 v46, v12  }
0x338: {  	v55 =	vld [tilespmem:s19+$0xFFFFFE00];
	v13 =	vadd.s32 v43, v14;
	v10 =	vadd.s32 v38, v10  }
0x339: {  	v56 =	vld [tilespmem:s19+$0xFFFFFC40];
	v11 =	vadd.s32 v45, v13;
	v4 =	vadd.s32 v4, v10  }
0x33a: {  	v11 =	vadd.s32 v39, v11;
	v4 =	vadd.s32 v7, v4;
	v7 =	vld [tilespmem:s19+$0xFFFFFC50];
	v51, _, _ =	vpop (xrf0)  }
0x33b: {  	v57 =	vld [tilespmem:s19+$0xFFFFFC60];
	v11 =	vadd.s32 v17, v11;
	v4 =	vadd.s32 v31, v4;
	(v2sf) =	vpush v51, $0xF  }
0x33c: {  	v58 =	vld [tilespmem:s19+$0xFFFFFC70];
	v12 =	vadd.s32 v19, v54;
	v9 =	vadd.s32 v9, v11;
	v4 =	vadd.s32 v18, v4  }
0x33d: {  	v59 =	vadd.s32 v15, v12;
	v9 =	vadd.s32 v30, v9;
	v4 =	vadd.s32 v6, v4;
	v6 =	vld [tilespmem:s19+$0xFFFFFC80]  }
0x33e: {  	v8 =	vadd.s32 v47, v9;
	v9 =	vadd.s32 v56, v59;
	v4 =	vadd.s32 v5, v4;
	v5 =	vld [tilespmem:s19+$0xFFFFFC90]  }
0x33f: {  	v60 =	vld [tilespmem:s19+$0xFFFFFCA0];
	v8 =	vadd.s32 v48, v8;
	v7 =	vadd.s32 v7, v9  }
0x340: {  	v61 =	vld [tilespmem:s19+$0xFFFFFCB0];
	v8 =	vadd.s32 v49, v8;
	v4 =	vadd.s32 v52, v4;
	v7 =	vadd.s32 v57, v7  }
0x341: {  	v62 =	vld [tilespmem:s19+$0xFFFFFCC0];
	v8 =	vadd.s32 v50, v8;
	v4 =	vadd.s32 v53, v4;
	v7 =	vadd.s32 v58, v7  }
0x342: {  	(xrf0) =	vadd.scan.msk.s32 $0xffff, v8;
	v4 =	vadd.s32 v55, v4;
	v6 =	vadd.s32 v6, v7  }
0x343: {  	(xrf0) =	vadd.scan.msk.s32 $0xffff, v4;
	v5 =	vadd.s32 v5, v6  }
0x344: {  	v4 =	vld [tilespmem:s19+$0xFFFFFCD0];
	v5 =	vadd.s32 v60, v5  }
0x345: {  	v5 =	vadd.s32 v61, v5  }
0x346: {  	v5 =	vadd.s32 v62, v5;
	_ =	sdelay $0x1  }
0x347: {  	v63, _, _ =	vpop (xrf0)  }
0x348: {  	v7 =	vld [tilespmem:s19+$0xFFFFFCE0];
	(v2sf) =	vpush v63, $0xF;
	v4 =	vadd.s32 v4, v5;
	v5, _, _ =	vpop (xrf0)  }
0x349: {  	s20 =	spop (v2sf);
	(v2sf) =	vpush v5, $0xF;
	_ =	sdelay $0x2  }
0x34a: {  	v6 =	vld [tilespmem:s19+$0xFFFFFCF0]  }
0x34b: {  	v7 =	vadd.s32 v7, v4;
	v4 =	vld [tilespmem:s19+$0xFFFFFD00]  }
0x34c: {  	p0 =	por $0x0, $0x0;
	s18 =	simm.s32 $0x1F;
	s24 =	sadd.s32 $0x0, s20  }
0x34d: {  	s21 =	simm.s32 $0x0;
	p1 =	por !p0, !p0;
	p2 =	sle.s32 s17, s24  }
0x34e: {  	s22 =	simm.s32 $0xB8F0;
	s23 =	simm.s32 $0x0;
	p1 =	por !p2, !p1  }
0x34f: {  	s19 =	simm.s32 $0x0;
	v5 =	vadd.s32 v6, v7;
	s20 =	simm.s32 $0x1F;
	p3 =	por !p1, !p1  }
.LBB2_52:
0x350: {  	v6 =	vld [tilespmem:s22+$0xFFFFFD80];
	s21 =	sadd.s32 $0x4, s21;
	v5 =	vadd.s32 v4, v5;
	s18 =	sadd.s32 $0xFFFFFFFC, s18  }
0x351: {  	v4 =	vld [tilespmem:s22+$0xFFFFFDD0];
	p1 =	slt.u32 s21, $0x1C;
	(xrf0) =	vadd.scan.msk.s32 $0xffff, v5  }
0x352: {  	v5 =	vld [tilespmem:s22+$0xFFFFFDC0]  }
0x353: {  	s23 =	ssub.s32 s17, s23;
	v10 =	vld [tilespmem:s22+$0x0]  }
0x354: {  	s16 =	smov.u32 @p3 s23;
	v11 =	vld [tilespmem:s22+$0xFFFFFFF0]  }
0x355: {  	s19 =	smov.u32 @p3 s20;
	s23 =	sadd.s32 $0xFFFFFFFF, s20;
	v8 =	vld [tilespmem:s22+$0xFFFFFEB0];
	s25 =	spop (v2sf)  }
0x356: {  	p0 =	por p0, p2;
	v12 =	vld [tilespmem:s22+$0xFFFFFFE0];
	s25 =	sadd.s32 s24, s25;
	s26 =	spop (v2sf)  }
0x357: {  	p2 =	por !p0, !p0;
	v13 =	vld [tilespmem:s22+$0xFFFFFFD0];
	p3 =	sle.s32 s17, s25;
	s26 =	sadd.s32 s25, s26;
	v7, _, _ =	vpop (xrf0)  }
0x358: {  	v14 =	vld [tilespmem:s22+$0xFFFFFFC0];
	p2 =	por !p3, !p2;
	p0 =	por p0, p3;
	p3 =	sle.s32 s17, s26;
	(v2sf) =	vpush v7, $0xF  }
0x359: {  	s24 =	ssub.s32 s17, s24;
	v15 =	vld [tilespmem:s22+$0xFFFFFFB0];
	p4 =	por !p0, !p0;
	p0 =	por p0, p3  }
0x35a: {  	p5 =	por !p2, !p2;
	v16 =	vld [tilespmem:s22+$0xFFFFFFA0];
	p3 =	por !p3, !p4;
	p2 =	por !p0, !p0  }
0x35b: {  	s19 =	smov.u32 @p5 s23;
	s16 =	smov.u32 @p5 s24;
	v7 =	vld [tilespmem:s22+$0xFFFFFC30];
	p3 =	por !p3, !p3  }
0x35c: {  	v17 =	vld [tilespmem:s22+$0xFFFFFF90]  }
0x35d: {  	v18 =	vld [tilespmem:s22+$0xFFFFFEA0]  }
0x35e: {  	v19 =	vld [tilespmem:s22+$0xFFFFFDB0]  }
0x35f: {  	v9 =	vld [tilespmem:s22+$0xFFFFFC10]  }
0x360: {  	v20 =	vld [tilespmem:s22+$0xFFFFFF80]  }
0x361: {  	v21 =	vld [tilespmem:s22+$0xFFFFFF70]  }
0x362: {  	v22 =	vld [tilespmem:s22+$0xFFFFFF60]  }
0x363: {  	v23 =	vld [tilespmem:s22+$0xFFFFFF50]  }
0x364: {  	v24 =	vld [tilespmem:s22+$0xFFFFFF40]  }
0x365: {  	v25 =	vld [tilespmem:s22+$0xFFFFFF30]  }
0x366: {  	v26 =	vld [tilespmem:s22+$0xFFFFFF20]  }
0x367: {  	s24 =	sadd.s32 $0xFFFFFFFD, s20;
	v27 =	vld [tilespmem:s22+$0xFFFFFF10];
	s23 =	spop (v2sf)  }
0x368: {  	s25 =	ssub.s32 s17, s25;
	s20 =	sadd.s32 $0xFFFFFFFE, s20;
	v28 =	vld [tilespmem:s22+$0xFFFFFE10];
	s23 =	sadd.s32 s26, s23  }
0x369: {  	s16 =	smov.u32 @p3 s25;
	s25 =	ssub.s32 s17, s26;
	v29 =	vld [tilespmem:s22+$0xFFFFFE20];
	p4 =	sge.s32 s23, s17  }
0x36a: {  	s19 =	smov.u32 @p3 s20;
	v30 =	vld [tilespmem:s22+$0xFFFFFE30];
	p2 =	por !p4, !p2;
	p0 =	por p0, p4  }
0x36b: {  	s20 =	smov.u32 s18;
	v31 =	vld [tilespmem:s22+$0xFFFFFD10];
	p2 =	por !p2, !p2  }
0x36c: {  	v26 =	vadd.s32 v27, v26;
	v27 =	vld [tilespmem:s22+$0xFFFFFD20];
	s19 =	smov.u32 @p2 s24;
	s16 =	smov.u32 @p2 s25  }
0x36d: {  	v25 =	vadd.s32 v25, v26;
	v26 =	vld [tilespmem:s22+$0xFFFFFE40]  }
0x36e: {  	v24 =	vadd.s32 v24, v25;
	v25 =	vadd.s32 v28, v29;
	v28 =	vld [tilespmem:s22+$0xFFFFFD30]  }
0x36f: {  	v23 =	vadd.s32 v23, v24;
	v24 =	vadd.s32 v30, v25;
	v25 =	vld [tilespmem:s22+$0xFFFFFD70]  }
0x370: {  	v22 =	vadd.s32 v22, v23;
	v23 =	vld [tilespmem:s22+$0xFFFFFE90]  }
0x371: {  	v21 =	vadd.s32 v21, v22;
	v22 =	vadd.s32 v31, v27;
	v27 =	vld [tilespmem:s22+$0xFFFFFD50]  }
0x372: {  	v20 =	vadd.s32 v20, v21;
	v21 =	vadd.s32 v26, v24;
	v24 =	vld [tilespmem:s22+$0xFFFFFE50]  }
0x373: {  	v17 =	vadd.s32 v17, v20;
	v20 =	vld [tilespmem:s22+$0xFFFFFE60]  }
0x374: {  	v16 =	vadd.s32 v16, v17;
	v17 =	vld [tilespmem:s22+$0xFFFFFE70]  }
0x375: {  	v15 =	vadd.s32 v15, v16;
	v16 =	vld [tilespmem:s22+$0xFFFFFD40]  }
0x376: {  	v14 =	vadd.s32 v14, v15;
	v15 =	vld [tilespmem:s22+$0xFFFFFE80]  }
0x377: {  	v13 =	vadd.s32 v13, v14;
	v14 =	vadd.s32 v24, v21;
	v21 =	vld [tilespmem:s22+$0xFFFFFD60]  }
0x378: {  	v12 =	vadd.s32 v12, v13;
	v13 =	vadd.s32 v20, v14;
	v14 =	vld [tilespmem:s22+$0xFFFFFED0];
	v20 =	vadd.s32 v28, v22  }
0x379: {  	v11 =	vadd.s32 v11, v12;
	v12 =	vadd.s32 v17, v13;
	v13 =	vld [tilespmem:s22+$0xFFFFFD90]  }
0x37a: {  	v10 =	vadd.s32 v10, v11;
	v11 =	vld [tilespmem:s22+$0xFFFFFEC0];
	v16 =	vadd.s32 v16, v20  }
0x37b: {  	v12 =	vadd.s32 v15, v12;
	v15 =	vadd.s32 v27, v16;
	v16 =	vld [tilespmem:s22+$0xFFFFFDA0];
	(xrf0) =	vadd.scan.msk.s32 $0xffff, v10  }
0x37c: {  	v10 =	vadd.s32 v23, v12;
	v12 =	vld [tilespmem:s22+$0xFFFFFEE0];
	v15 =	vadd.s32 v21, v15  }
0x37d: {  	v10 =	vadd.s32 v18, v10;
	v17 =	vld [tilespmem:s22+$0xFFFFFEF0];
	v15 =	vadd.s32 v25, v15  }
0x37e: {  	v8 =	vadd.s32 v8, v10;
	v10 =	vld [tilespmem:s22+$0xFFFFFF00];
	v6 =	vadd.s32 v6, v15  }
0x37f: {  	v8 =	vadd.s32 v11, v8;
	v6 =	vadd.s32 v13, v6;
	v11 =	vld [tilespmem:s22+$0xFFFFFDE0]  }
0x380: {  	v8 =	vadd.s32 v14, v8;
	v6 =	vadd.s32 v16, v6;
	v13 =	vld [tilespmem:s22+$0xFFFFFDF0]  }
0x381: {  	v8 =	vadd.s32 v12, v8;
	v6 =	vadd.s32 v19, v6;
	v12 =	vld [tilespmem:s22+$0xFFFFFE00];
	v14, _, _ =	vpop (xrf0)  }
0x382: {  	v8 =	vadd.s32 v17, v8;
	v5 =	vadd.s32 v5, v6;
	(v2sf) =	vpush v14, $0xF  }
0x383: {  	v6 =	vadd.s32 v10, v8;
	v4 =	vadd.s32 v4, v5  }
0x384: {  	v4 =	vadd.s32 v11, v4;
	v5 =	vld [tilespmem:s22+$0xFFFFFC20];
	(xrf0) =	vadd.scan.msk.s32 $0xffff, v6  }
0x385: {  	v4 =	vadd.s32 v13, v4;
	v6 =	vld [tilespmem:s22+$0xFFFFFC60]  }
0x386: {  	v4 =	vadd.s32 v12, v4;
	v8 =	vld [tilespmem:s22+$0xFFFFFC40]  }
0x387: {  	v10 =	vld [tilespmem:s22+$0xFFFFFC50];
	(xrf0) =	vadd.scan.msk.s32 $0xffff, v4  }
0x388: {  	v4 =	vld [tilespmem:s22+$0xFFFFFC70]  }
0x389: {  	v5 =	vadd.s32 v9, v5;
	v9 =	vld [tilespmem:s22+$0xFFFFFC80]  }
0x38a: {  	v5 =	vadd.s32 v7, v5;
	v7 =	vld [tilespmem:s22+$0xFFFFFC90];
	v11, _, _ =	vpop (xrf0)  }
0x38b: {  	v5 =	vadd.s32 v8, v5;
	v8 =	vld [tilespmem:s22+$0xFFFFFCA0]  }
0x38c: {  	v5 =	vadd.s32 v10, v5;
	v10 =	vld [tilespmem:s22+$0xFFFFFCB0]  }
0x38d: {  	v5 =	vadd.s32 v6, v5;
	v6 =	vld [tilespmem:s22+$0xFFFFFCC0];
	(v2sf) =	vpush v11, $0xF;
	v11, _, _ =	vpop (xrf0)  }
0x38e: {  	v4 =	vadd.s32 v4, v5;
	v5 =	vld [tilespmem:s22+$0xFFFFFCD0];
	(v2sf) =	vpush v11, $0xF  }
0x38f: {  	v4 =	vadd.s32 v9, v4;
	v9 =	vld [tilespmem:s22+$0xFFFFFCE0]  }
0x390: {  	v4 =	vadd.s32 v7, v4;
	v7 =	vld [tilespmem:s22+$0xFFFFFCF0]  }
0x391: {  	v8 =	vadd.s32 v8, v4;
	v4 =	vld [tilespmem:s22+$0xFFFFFD00];
	s24 =	spop (v2sf)  }
.Ltmp25:
0x392: {  	s24 =	sadd.s32 s23, s24;
	v8 =	vadd.s32 v10, v8;
	(pc) =	sbr.rel @p1 .LBB2_52-.Ltmp25, $4  }
0x393: {  	p3 =	por !p0, !p0;
	p2 =	sle.s32 s17, s24;
	v6 =	vadd.s32 v6, v8  }
0x394: {  	p3 =	por !p2, !p3;
	v5 =	vadd.s32 v5, v6  }
0x395: {  	p3 =	por !p3, !p3;
	v5 =	vadd.s32 v9, v5  }
0x396: {  	s22 =	sadd.s32 $0xFFFFFC00, s22;
	v5 =	vadd.s32 v7, v5  }
0x397: {  	v4 =	vadd.s32 v4, v5  }
0x398: {  	(xrf0) =	vadd.scan.msk.s32 $0xffff, v4;
	_ =	sdelay $0x5  }
0x399: {  	v4, _, _ =	vpop (xrf0)  }
0x39a: {  	(v2sf) =	vpush v4, $0xF;
	_ =	sdelay $0x8  }
0x39b: {  	s21 =	ssub.s32 s17, s23;
	s19 =	smov.u32 @p3 s20  }
0x39c: {  	p0 =	por p0, p2;
	s23 =	ssub.s32 s17, s24;
	s18 =	spop (v2sf)  }
0x39d: {  	s16 =	smov.u32 @p3 s21;
	s18 =	sadd.s32 s24, s18;
	s22 =	spop (v2sf)  }
0x39e: {  	s21 =	sadd.s32 $0xFFFFFFFF, s20;
	p3 =	sle.s32 s17, s18;
	s22 =	sadd.s32 s18, s22  }
0x39f: {  	p1 =	por !p0, !p0;
	p0 =	por p0, p3;
	p4 =	sle.s32 s17, s22  }
0x3a0: {  	p1 =	por !p3, !p1;
	p5 =	por !p0, !p0;
	p0 =	por p0, p4  }
0x3a1: {  	p1 =	por !p1, !p1;
	p2 =	por !p4, !p5;
	s28 =	spop (v2sf)  }
0x3a2: {  	p0 =	por !p0, !p0;
	s19 =	smov.u32 @p1 s21;
	s21 =	sadd.s32 s22, s28  }
0x3a3: {  	s16 =	smov.u32 @p1 s23;
	s23 =	sadd.s32 $0xFFFFFFFD, s20;
	p6 =	sge.s32 s21, s17  }
0x3a4: {  	s20 =	sadd.s32 $0xFFFFFFFE, s20;
	p1 =	por !p2, !p2;
	p0 =	por !p6, !p0  }
0x3a5: {  	s19 =	smov.u32 @p1 s20;
	p0 =	por !p0, !p0  }
0x3a6: {  	s18 =	ssub.s32 s17, s18;
	s19 =	smov.u32 @p0 s23  }
0x3a7: {  	s16 =	smov.u32 @p1 s18;
	s17 =	ssub.s32 s17, s22;
	s29 =	sshll.u32 s19, $0xA  }
0x3a8: {  	s16 =	smov.u32 @p0 s17;
	s17 =	sshra.s32 s29, $0x2  }
0x3a9: {  	s30 =	sadd.s32 $0x9D00, s17  }
0x3aa: {  	p1 =	por $0x0, $0x0;
	v5 =	vmov s30  }
.Ltmp26:
0x3ab: {  	_ = 	snop;
	(pc) =	sbr.rel @p1 .LBB2_54-.Ltmp26, $3  }
0x3ac: {  	_ =	sdelay $0x1  }
0x3ad: {  	s31 =	simm.s32 $0xF0  }
0x3ae: {  	p3 =	por $0x0, $0x0;
	s19 =	sshllo.u32 s19, $0x4;
	s17 =	simm.s32 $0x0;
	v4 =	vld.idx.msk [tilespmem:v5+s31+$0x0 ss:$0x1], $0xffff  }
0x3af: {  	p1 =	por $0x0, $0x0  }
.Ltmp27:
0x3b0: {  	_ = 	snop;
	(pc) =	sbr.rel @p1 .LBB2_56-.Ltmp27, $3  }
0x3b1: {  	_ =	sdelay $0x1  }
0x3b2: {  	s18 =	simm.s32 $0xE0  }
0x3b3: {  	v6 =	vld.idx.msk [tilespmem:v5+s18+$0x0 ss:$0x1], $0xffff;
	(xrf0) =	vadd.scan.msk.s32 $0xffff, v4  }
0x3b4: {  	_ = 	snop  }
0x3b5: {  	p1 =	por $0x0, $0x0  }
.Ltmp28:
0x3b6: {  	_ = 	snop;
	(pc) =	sbr.rel @p1 .LBB2_58-.Ltmp28, $3  }
0x3b7: {  	_ =	sdelay $0x1  }
0x3b8: {  	s18 =	simm.s32 $0xD0;
	v7, _, _ =	vpop (xrf0)  }
0x3b9: {  	p0 =	por $0x1, $0x1;
	v4 =	vld.idx.msk [tilespmem:v5+s18+$0x0 ss:$0x1], $0xffff;
	(xrf0) =	vadd.scan.msk.s32 $0xffff, v6;
	(v2sf) =	vpush v7, $0xF  }
0x3ba: {  	_ = 	snop  }
0x3bb: {  	p1 =	por $0x0, $0x0  }
.Ltmp29:
0x3bc: {  	s18 =	simm.s32 @!p0 $0x0;
	(pc) =	sbr.rel @p1 .LBB2_60-.Ltmp29, $4  }
0x3bd: {  	s18 =	simm.s32 @p0 $0x1;
	p0 =	por $0x1, $0x1  }
0x3be: {  	[smem:$0x7F5] =	sst s18;
	s18 =	simm.s32 @!p0 $0x0  }
0x3bf: {  	s31 =	simm.s32 $0xC0;
	s18 =	simm.s32 @p0 $0x1;
	v7, _, _ =	vpop (xrf0)  }
0x3c0: {  	v6 =	vld.idx.msk [tilespmem:v5+s31+$0x0 ss:$0x1], $0xffff;
	p0 =	por $0x1, $0x1;
	[smem:$0x7F6] =	sst s18;
	(xrf0) =	vadd.scan.msk.s32 $0xffff, v4;
	(v2sf) =	vpush v7, $0xF  }
0x3c1: {  	_ =	sdelay $0x4  }
0x3c2: {  	v7, _, _ =	vpop (xrf0)  }
0x3c3: {  	(v2sf) =	vpush v7, $0xF;
	_ =	sdelay $0x2  }
0x3c4: {  	p1 =	por $0x0, $0x0  }
.Ltmp30:
0x3c5: {  	_ = 	snop;
	(pc) =	sbr.rel @p1 .LBB2_62-.Ltmp30, $4  }
0x3c6: {  	s18 =	simm.s32 $0xB0;
	p2 =	por $0x1, $0x1  }
0x3c7: {  	v4 =	vld.idx.msk [tilespmem:v5+s18+$0x0 ss:$0x1], $0xffff;
	s18 =	simm.s32 @!p2 $0x0  }
0x3c8: {  	s18 =	simm.s32 @p2 $0x1  }
0x3c9: {  	[smem:$0x7F7] =	sst s18;
	(xrf0) =	vadd.scan.msk.s32 $0xffff, v6;
	s20 =	spop (v2sf)  }
0x3ca: {  	_ =	sdelay $0x4  }
0x3cb: {  	v6, _, _ =	vpop (xrf0)  }
0x3cc: {  	(v2sf) =	vpush v6, $0xF  }
0x3cd: {  	s18 =	sadd.s32 $0x0, s20  }
0x3ce: {  	p1 =	por $0x0, $0x0;
	s21 =	simm.s32 $0xA0;
	p4 =	por $0x0, $0x0  }
.Ltmp31:
0x3cf: {  	s22 =	ssub.s32 s16, s17;
	s24 =	simm.s32 $0x0;
	(pc) =	sbr.rel @p4 .LBB2_64-.Ltmp31, $4  }
0x3d0: {  	s26 =	simm.s32 $0x240;
	p5 =	por !p1, !p1;
	p1 =	sge.s32 s18, s16;
	(xrf0) =	vadd.scan.msk.s32 $0xffff, v4  }
0x3d1: {  	s23 =	spop (v2sf);
	p3 =	por $0x1, $0x1;
	p5 =	por !p1, !p5;
	v4 =	vld.idx.msk [tilespmem:v5+s21+$0x0 ss:$0x1], $0xffff  }
0x3d2: {  	s25 =	smov.u32 s18;
	p6 =	por !p5, !p5;
	p5 =	por $0x0, $0x0  }
0x3d3: {  	s24 =	smov.u32 @p6 s22;
	s22 =	simm.s32 $0x0;
	s21 =	smov.u32 s19  }
.LBB2_65:
0x3d4: {  	s28 =	sshra.s32 s26, $0x2  }
0x3d5: {  	s18 =	sadd.s32 s18, s23;
	s22 =	smov.u32 @p6 s21;
	p4 =	seq.s32 s26, $0x0  }
.Ltmp32:
0x3d6: {  	s26 =	sadd.s32 $0xFFFFFFC0, s26;
	p5 =	por p5, p1;
	(xrf0) =	vadd.scan.msk.s32 $0xffff, v4;
	v4 =	vld.idx.msk [tilespmem:v5+s28+$0x0 ss:$0x1], $0xffff;
	v6, _, _ =	vpop (xrf0);
	(pc) =	sbr.rel @!p4 .LBB2_65-.Ltmp32, $4  }
0x3d7: {  	p6 =	por !p5, !p5;
	p1 =	sge.s32 s18, s16;
	(v2sf) =	vpush v6, $0xF  }
0x3d8: {  	p6 =	por !p1, !p6  }
0x3d9: {  	s28 =	ssub.s32 s16, s25;
	s25 =	smov.u32 s18;
	p6 =	por !p6, !p6  }
0x3da: {  	s21 =	sadd.s32 $0xFFFFFFFF, s21;
	s24 =	smov.u32 @p6 s28;
	s23 =	spop (v2sf)  }
0x3db: {  	_ = 	snop  }
0x3dc: {  	_ = 	snop  }
.LBB2_67:
0x3dd: {  	s26 =	sld [smem:$0x7F7];
	_ =	sdelay $0x1  }
0x3de: {  	p1 =	por @p3 p5, p1  }
0x3df: {  	p4 =	por $0x0, $0x0;
	p6 =	por !p6, !p3;
	p2 =	seq.s32 s26, $0x1  }
0x3e0: {  	s29 =	sld [smem:$0x7F5];
	p1 =	por @!p3 p4, p4;
	s18 =	sadd.s32 @p2 s18, s23  }
0x3e1: {  	p5 =	por @p2 !p1, !p1;
	s23 =	smov.u32 s21;
	p4 =	sge.s32 @p2 s18, s16  }
0x3e2: {  	s23 =	smov.u32 @p6 s22;
	s22 =	ssub.s32 @p2 s16, s25;
	s25 =	smov.u32 s17  }
0x3e3: {  	s30 =	sld [smem:$0x7F6];
	p5 =	por @p2 !p4, !p5;
	s25 =	smov.u32 @p2 s18  }
0x3e4: {  	s18 =	spop @p0 (v2sf);
	p4 =	por @!p2 p0, p0;
	p5 =	por @p2 !p5, !p5  }
0x3e5: {  	p1 =	por @p2 p1, p4;
	s20 =	smov.u32 @p0 s18;
	s18 =	smov.u32 s17  }
0x3e6: {  	p4 =	por $0x0, $0x0;
	p6 =	por !p5, !p2;
	s20 =	sadd.s32 @p0 s25, s20  }
0x3e7: {  	p1 =	por @!p2 p4, p4;
	p5 =	por @!p2 p0, p0;
	s22 =	smov.u32 @p6 s24  }
0x3e8: {  	p6 =	por p3, p3;
	p3 =	seq.s32 s29, $0x1;
	s24 =	smov.u32 s19  }
0x3e9: {  	p4 =	sge.s32 @p0 s20, s16;
	p5 =	por !p5, !p2;
	s21 =	sadd.s32 @p6 $0xFFFFFFFF, s21  }
0x3ea: {  	s18 =	smov.u32 @p6 s23;
	s23 =	smov.u32 s17;
	s24 =	smov.u32 @p6 s21  }
0x3eb: {  	p6 =	por @p0 !p1, !p1;
	s21 =	smov.u32 @p0 s25;
	s25 =	smov.u32 s24  }
0x3ec: {  	p6 =	por @p0 !p4, !p6;
	s23 =	smov.u32 @p0 s21;
	p4 =	por @!p0 p0, p0  }
0x3ed: {  	v5, _, _ =	vpop @p3 (xrf0);
	s25 =	smov.u32 @p5 s18;
	s18 =	smov.u32 s17;
	p5 =	por @p0 !p6, !p6  }
0x3ee: {  	(v2sf) =	vpush @p3 v5, $0xF;
	s21 =	ssub.s32 @p0 s16, s23;
	s18 =	smov.u32 @p2 s22;
	p6 =	por !p5, !p0  }
0x3ef: {  	(xrf0) =	vadd.scan.msk.s32 $0xffff, v4;
	s23 =	smov.u32 s19;
	s22 =	sadd.s32 @p2 $0xFFFFFFFF, s24;
	s21 =	smov.u32 @p6 s18  }
0x3f0: {  	s18 =	smov.u32 s17;
	p6 =	por @p0 p1, p4;
	p1 =	por p0, p0  }
0x3f1: {  	s23 =	smov.u32 @p2 s22;
	s22 =	smov.u32 s17;
	p4 =	por $0x0, $0x0  }
0x3f2: {  	s18 =	smov.u32 @p0 s20;
	p0 =	seq.s32 s30, $0x1;
	p6 =	por @!p1 p4, p4  }
0x3f3: {  	s22 =	smov.u32 @p2 s25;
	s24 =	smov.u32 s23;
	s23 =	sadd.s32 @p1 $0xFFFFFFFF, s23  }
0x3f4: {  	s25 =	smov.u32 s19;
	s20 =	spop @p0 (v2sf);
	p5 =	por @!p1 p0, p0  }
0x3f5: {  	v4, _, _ =	vpop (xrf0);
	p4 =	por @p0 !p6, !p6;
	p2 =	por p6, p6;
	s25 =	smov.u32 @p1 s23  }
0x3f6: {  	(v2sf) =	vpush v4, $0xF;
	s23 =	smov.u32 s17;
	s20 =	smov.u32 @p0 s20;
	p5 =	por !p5, !p1  }
0x3f7: {  	s20 =	sadd.s32 @p0 s18, s20;
	s24 =	smov.u32 @p5 s22;
	s22 =	smov.u32 s17  }
0x3f8: {  	s18 =	smov.u32 @p0 s18;
	p6 =	sge.s32 @p0 s20, s16;
	s22 =	smov.u32 @p1 s21  }
0x3f9: {  	s18 =	ssub.s32 @p0 s16, s18;
	s21 =	smov.u32 s17;
	s23 =	smov.u32 @p1 s24  }
0x3fa: {  	s24 =	smov.u32 s17;
	p4 =	por @p0 !p6, !p4;
	s21 =	smov.u32 @p0 s20  }
0x3fb: {  	p6 =	por @!p0 p0, p0;
	p4 =	por @p0 !p4, !p4;
	s20 =	smov.u32 @p3 s21  }
0x3fc: {  	p6 =	por @p0 p2, p6;
	p2 =	por $0x0, $0x0;
	p5 =	por !p4, !p0  }
0x3fd: {  	p6 =	por @!p0 p2, p2;
	s18 =	smov.u32 @p5 s22;
	s22 =	spop @p3 (v2sf)  }
0x3fe: {  	p4 =	por @!p0 p0, p0;
	s20 =	smov.u32 @p3 s20;
	s22 =	smov.u32 @p3 s22  }
0x3ff: {  	p5 =	por @p3 !p6, !p6;
	p1 =	por !p4, !p0;
	s21 =	sadd.s32 @p3 s21, s22  }
0x400: {  	s20 =	ssub.s32 @p3 s16, s20;
	s22 =	smov.u32 s17;
	p2 =	sge.s32 @p3 s21, s16  }
0x401: {  	s22 =	smov.u32 @p0 s18;
	s18 =	smov.u32 s25;
	p5 =	por @p3 !p2, !p5  }
0x402: {  	s18 =	smov.u32 @p1 s23;
	s23 =	smov.u32 s19;
	p4 =	por @p3 !p5, !p5  }
0x403: {  	p2 =	por @!p3 p0, p0;
	s24 =	smov.u32 @p0 s18;
	p5 =	por !p4, !p3  }
0x404: {  	p1 =	por @p3 p6, p2;
	s20 =	smov.u32 @p5 s22;
	s22 =	sadd.s32 @p0 $0xFFFFFFFF, s25  }
0x405: {  	s18 =	smov.u32 s17;
	s31 =	spop (v2sf);
	s23 =	smov.u32 @p0 s22  }
0x406: {  	s22 =	smov.u32 s17;
	p0 =	por $0x0, $0x0;
	s18 =	smov.u32 @p3 s20  }
0x407: {  	s20 =	smov.u32 s17;
	p1 =	por @!p3 p0, p0;
	s22 =	smov.u32 @p3 s21  }
0x408: {  	p4 =	por @!p3 p0, p0;
	s25 =	sadd.s32 @p3 $0xFFFFFFFF, s23;
	s21 =	sadd.s32 s22, s31  }
0x409: {  	p2 =	por !p4, !p3;
	p1 =	por !p1, !p1;
	p6 =	sge.s32 s21, s16  }
0x40a: {  	s19 =	smov.u32 @p3 s25;
	s23 =	smov.u32 @p2 s24;
	p1 =	por !p6, !p1  }
0x40b: {  	s16 =	ssub.s32 s16, s22;
	s20 =	smov.u32 @p3 s23;
	p0 =	por !p1, !p1  }
0x40c: {  	s18 =	smov.u32 @p0 s16;
	s20 =	smov.u32 @p0 s19;
	p0 =	por $0x1, $0x1  }
.LBB2_68:
0x40d: {  	s16 =	sshra.s32 s17, $0x2  }
0x40e: {  	[tilespmem:s16+$0x9D00] =	vst v0  }
0x40f: {  	[tilespmem:s16+$0x9D10] =	vst v0  }
0x410: {  	p1 =	por p0, p0;
	[tilespmem:s16+$0x9D20] =	vst v0  }
.Ltmp33:
0x411: {  	[tilespmem:s16+$0x9D30] =	vst v0;
	(pc) =	sbr.rel @p1 .LBB2_68-.Ltmp33, $4  }
0x412: {  	[tilespmem:s16+$0x9D40] =	vst v0  }
0x413: {  	[tilespmem:s16+$0x9D50] =	vst v0  }
0x414: {  	[tilespmem:s16+$0x9D60] =	vst v0  }
0x415: {  	s17 =	simm.s32 $0x200;
	p0 =	por $0x0, $0x0;
	[tilespmem:s16+$0x9D70] =	vst v0  }
0x416: {  	s16 =	simm.s32 $0x40  }
0x417: {  	v5 =	vld [tilespmem:s16+$0x30]  }
0x418: {  	v6 =	vld [tilespmem:s16+$0xFFFFFFD0]  }
0x419: {  	v7 =	vld [tilespmem:s16+$0xFFFFFFE0]  }
0x41a: {  	v8 =	vld [tilespmem:s16+$0xFFFFFFF0]  }
0x41b: {  	v13 =	vld [tilespmem:s16+$0xFFFFFFC0]  }
0x41c: {  	s15 =	sshll.u32 s15, $0x9  }
0x41d: {  	s15 =	sor.u32 s15, s20  }
0x41e: {  	v10 =	vld [tilespmem:s16+$0x0];
	v4 =	vmov s15;
	v9 =	vshra.s32 v5, $0x4;
	v5 =	vshll.u32 v5, $0x4  }
0x41f: {  	v12 =	vld [tilespmem:s16+$0x10];
	v11 =	vshll.u32 v6, $0x4;
	v16 =	vshra.s32 v6, $0x4;
	v6 =	vshll.u32 v7, $0x4  }
0x420: {  	v18 =	vshra.s32 v7, $0x4;
	v7 =	vshra.s32 v8, $0x4;
	v20 =	vshra.s32 v13, $0x4  }
0x421: {  	v14 =	vld [tilespmem:s16+$0x20];
	v15 =	vshll.u32 v13, $0x4;
	vm1 =	veq.s32 v9, v4;
	v5 =	vor.u32 v1, v5  }
0x422: {  	v17 =	vor.u32 v1, v11;
	v9 =	vshll.u32 v8, $0x4;
	v19 =	vor.u32 v1, v6  }
0x423: {  	v6 =	vshll.u32 v10, $0x4;
	v10 =	vshra.s32 v10, $0x4;
	v5 =	vand.u32 $0xFF, v5  }
0x424: {  	v8 =	vshll.u32 v12, $0x4;
	v12 =	vshra.s32 v12, $0x4;
	vm2 =	veq.s32 v20, v4  }
0x425: {  	vm0 =	veq.s32 v16, v4;
	v9 =	vor.u32 v1, v9;
	v11 =	vor.u32 v1, v6  }
0x426: {  	v6 =	vshll.u32 v14, $0x4;
	v13 =	vor.u32 v1, v8;
	v8 =	vor.u32 v1, v15  }
0x427: {  	v15 =	vshra.s32 v14, $0x4;
	v14 =	vor.u32 v1, v6;
	v6 =	vand.u32 $0xFF, v8  }
0x428: {  	s17 =	simm.s32 $0xC0;
	s16 =	simm.s32 $0x0;
	v8 =	vand.u32 $0xFF, v17;
	[tilespmem:v5+s11+$0x0] =	vst.idx.add.s32.msk vm1, v2;
	vm1 =	veq.s32 v18, v4;
	v5 =	vand.u32 $0xFF, v19  }
.LBB2_70:
0x429: {  	v16 =	vld [tilespmem:s17+$0x30];
	s16 =	sadd.s32 $0x8, s16;
	vm6 =	veq.s32 v7, v4;
	v17 =	vand.u32 $0xFF, v9;
	vm4 =	veq.s32 v10, v4  }
0x42a: {  	v18 =	vand.u32 $0xFF, v11;
	vm5 =	veq.s32 v12, v4;
	v19 =	vand.u32 $0xFF, v13;
	v7 =	vld [tilespmem:s17+$0xFFFFFFD0];
	p0 =	slt.u32 s16, $0x4D8  }
0x42b: {  	vm3 =	veq.s32 v15, v4;
	v20 =	vand.u32 $0xFF, v14;
	v9 =	vld [tilespmem:s17+$0xFFFFFFE0]  }
0x42c: {  	v10 =	vld [tilespmem:s17+$0xFFFFFFF0]  }
0x42d: {  	v11 =	vld [tilespmem:s17+$0x0]  }
0x42e: {  	v12 =	vld [tilespmem:s17+$0x10];
	v13 =	vshra.s32 v16, $0x4;
	v14 =	vshll.u32 v16, $0x4  }
0x42f: {  	v15 =	vshll.u32 v7, $0x4;
	v16 =	vld [tilespmem:s17+$0x20];
	vm7 =	veq.s32 v13, v4;
	v13 =	vor.u32 v1, v14  }
0x430: {  	v21 =	vshra.s32 v7, $0x4;
	v14 =	vld [tilespmem:s17+$0xFFFFFFC0];
	v7 =	vshll.u32 v9, $0x4;
	v22 =	vand.u32 $0xFF, v13  }
0x431: {  	v23 =	vor.u32 v1, v15;
	v24 =	vshra.s32 v9, $0x4;
	v9 =	vshll.u32 v10, $0x4;
	[tilespmem:v6+s11+$0x0] =	vst.idx.add.s32.msk vm2, v2  }
0x432: {  	v25 =	vor.u32 v1, v7;
	v7 =	vshra.s32 v10, $0x4;
	v6 =	vshll.u32 v11, $0x4;
	[tilespmem:v8+s11+$0x0] =	vst.idx.add.s32.msk vm0, v2  }
0x433: {  	v9 =	vor.u32 v1, v9;
	v10 =	vshra.s32 v11, $0x4;
	v8 =	vshll.u32 v12, $0x4;
	[tilespmem:v5+s11+$0x0] =	vst.idx.add.s32.msk vm1, v2  }
.Ltmp34:
0x434: {  	v11 =	vor.u32 v1, v6;
	v12 =	vshra.s32 v12, $0x4;
	v5 =	vshll.u32 v16, $0x4;
	[tilespmem:v17+s11+$0x0] =	vst.idx.add.s32.msk vm6, v2;
	(pc) =	sbr.rel @p0 .LBB2_70-.Ltmp34, $4  }
0x435: {  	s19 =	simm.s32 $0x0;
	v13 =	vor.u32 v1, v8;
	v6 =	vshra.s32 v14, $0x4;
	v14 =	vshll.u32 v14, $0x4;
	[tilespmem:v22+s11+$0x0] =	vst.idx.add.s32.msk vm7, v2  }
0x436: {  	v15 =	vshra.s32 v16, $0x4;
	v8 =	vor.u32 v1, v14;
	v14 =	vor.u32 v1, v5;
	[tilespmem:v18+s11+$0x0] =	vst.idx.add.s32.msk vm4, v2  }
0x437: {  	vm0 =	veq.s32 v21, v4;
	vm2 =	veq.s32 v6, v4;
	v6 =	vand.u32 $0xFF, v8;
	[tilespmem:v19+s11+$0x0] =	vst.idx.add.s32.msk vm5, v2  }
0x438: {  	s17 =	sadd.s32 $0x80, s17;
	vm1 =	veq.s32 v24, v4;
	v5 =	vand.u32 $0xFF, v25;
	v8 =	vand.u32 $0xFF, v23;
	[tilespmem:v20+s11+$0x0] =	vst.idx.add.s32.msk vm3, v2  }
0x439: {  	_ =	sdelay $0x1  }
0x43a: {  	vm3 =	veq.s32 v7, v4  }
0x43b: {  	v7 =	vand.u32 $0xFF, v9;
	vm4 =	veq.s32 v10, v4  }
0x43c: {  	v62 =	vand.u32 $0xFF, v11;
	vm5 =	veq.s32 v12, v4  }
0x43d: {  	v63 =	vand.u32 $0xFF, v13;
	vm6 =	veq.s32 v15, v4;
	[tilespmem:v6+s11+$0x0] =	vst.idx.add.s32.msk vm2, v2  }
0x43e: {  	v6 =	vand.u32 $0xFF, v14;
	[tilespmem:v8+s11+$0x0] =	vst.idx.add.s32.msk vm0, v2  }
0x43f: {  	[tilespmem:v5+s11+$0x0] =	vst.idx.add.s32.msk vm1, v2  }
0x440: {  	[tilespmem:v7+s11+$0x0] =	vst.idx.add.s32.msk vm3, v2  }
0x441: {  	[tilespmem:v62+s11+$0x0] =	vst.idx.add.s32.msk vm4, v2  }
0x442: {  	[tilespmem:v63+s11+$0x0] =	vst.idx.add.s32.msk vm5, v2  }
0x443: {  	[tilespmem:v6+s11+$0x0] =	vst.idx.add.s32.msk vm6, v2  }
.LBB2_72:
0x444: {  	s16 =	sshra.s32 s19, $0x2  }
0x445: {  	v5 =	vld [tilespmem:s16+$0x4E00];
	_ =	sdelay $0x4  }
0x446: {  	v6 =	vshra.s32 v5, $0x4;
	v5 =	vshll.u32 v5, $0x4  }
0x447: {  	vm0 =	veq.s32 v6, v4;
	v5 =	vor.u32 v1, v5  }
0x448: {  	p0 =	sne.s32 s19, $0x40;
	v5 =	vand.u32 $0xFF, v5  }
.Ltmp35:
0x449: {  	_ = 	snop;
	(pc) =	sbr.rel @p0 .LBB2_72-.Ltmp35, $2  }
0x44a: {  	_ =	sdelay $0x2  }
0x44b: {  	s19 =	sadd.s32 $0x40, s19;
	[tilespmem:v5+s11+$0x0] =	vst.idx.add.s32.msk vm0, v2  }
0x44c: {  	v4 =	vld [tilespmem:$0x9D00]  }
0x44d: {  	v5 =	vld [tilespmem:$0x9D10]  }
0x44e: {  	v6 =	vld [tilespmem:$0x9D20]  }
0x44f: {  	v7 =	vld [tilespmem:$0x9D30]  }
0x450: {  	v8 =	vld [tilespmem:$0x9D40]  }
0x451: {  	v9 =	vld [tilespmem:$0x9D50]  }
0x452: {  	v4 =	vadd.s32 v4, v5;
	v5 =	vld [tilespmem:$0x9D60]  }
0x453: {  	v4 =	vadd.s32 v6, v4;
	v6 =	vld [tilespmem:$0x9D70]  }
0x454: {  	v4 =	vadd.s32 v7, v4;
	v7 =	vld [tilespmem:$0x9D80]  }
0x455: {  	v60 =	vld [tilespmem:$0x9D90];
	v4 =	vadd.s32 v8, v4  }
0x456: {  	v61 =	vld [tilespmem:$0x9DA0];
	v4 =	vadd.s32 v9, v4  }
0x457: {  	v4 =	vadd.s32 v5, v4;
	v5 =	vld [tilespmem:$0x9DB0]  }
0x458: {  	v4 =	vadd.s32 v6, v4;
	v6 =	vld [tilespmem:$0x9DC0]  }
0x459: {  	v4 =	vadd.s32 v7, v4;
	v7 =	vld [tilespmem:$0x9DD0]  }
0x45a: {  	v62 =	vld [tilespmem:$0x9DE0];
	v4 =	vadd.s32 v60, v4  }
0x45b: {  	v63 =	vld [tilespmem:$0x9DF0];
	v4 =	vadd.s32 v61, v4  }
0x45c: {  	v4 =	vadd.s32 v5, v4  }
0x45d: {  	s16 =	simm.s32 $0x9DF0;
	v4 =	vadd.s32 v6, v4  }
0x45e: {  	v5 =	vld [tilespmem:s16+$0x0];
	v4 =	vadd.s32 v7, v4  }
0x45f: {  	v4 =	vadd.s32 v62, v4  }
0x460: {  	v4 =	vadd.s32 v63, v4  }
0x461: {  	(xrf0) =	vadd.scan.msk.s32 $0xffff, v4;
	_ =	sdelay $0x1  }
0x462: {  	(xrf0) =	vadd.scan.msk.s32 $0xffff, v5;
	_ =	sdelay $0x3  }
0x463: {  	v4, _, _ =	vpop (xrf0)  }
0x464: {  	(v2sf) =	vpush v4, $0xF  }
0x465: {  	v4, _, _ =	vpop (xrf0)  }
0x466: {  	s28 =	simm.s32 $0x9DE0;
	(v2sf) =	vpush v4, $0xF  }
0x467: {  	v4 =	vld [tilespmem:s28+$0x0]  }
0x468: {  	s29 =	simm.s32 $0x9DD0  }
0x469: {  	v5 =	vld [tilespmem:s29+$0x0];
	_ =	sdelay $0x2  }
0x46a: {  	(xrf0) =	vadd.scan.msk.s32 $0xffff, v4;
	_ =	sdelay $0x1  }
0x46b: {  	(xrf0) =	vadd.scan.msk.s32 $0xffff, v5;
	_ =	sdelay $0x2  }
0x46c: {  	s30 =	simm.s32 $0x9DC0  }
0x46d: {  	v6 =	vld [tilespmem:s30+$0x0];
	v5, _, _ =	vpop (xrf0)  }
0x46e: {  	s31 =	spop (v2sf);
	(v2sf) =	vpush v5, $0xF  }
0x46f: {  	v5, _, _ =	vpop (xrf0)  }
0x470: {  	s23 =	spop (v2sf);
	(v2sf) =	vpush v5, $0xF;
	_ =	sdelay $0x1  }
0x471: {  	s17 =	simm.s32 $0x9DB0;
	(xrf0) =	vadd.scan.msk.s32 $0xffff, v6  }
0x472: {  	v4 =	vld [tilespmem:s17+$0x0]  }
0x473: {  	s22 =	simm.s32 $0xF;
	s21 =	simm.s32 $0xE  }
0x474: {  	s20 =	simm.s32 $0xD;
	s19 =	simm.s32 $0xC;
	s24 =	simm.s32 $0xA  }
0x475: {  	s25 =	simm.s32 $0x9DA0;
	s16 =	simm.s32 $0x0;
	p0 =	slt.s32 s31, s18  }
0x476: {  	s18 =	simm.s32 @p0 $0x0;
	p0 =	por $0x0, $0x0;
	s23 =	sadd.s32 $0x0, s23  }
0x477: {  	s17 =	simm.s32 $0xB;
	(xrf0) =	vadd.scan.msk.s32 $0xffff, v4;
	v4, _, _ =	vpop (xrf0);
	s22 =	smov.u32 @p0 s16;
	p1 =	sge.s32 s23, s18  }
.LBB2_74:
0x478: {  	p0 =	por p0, p1  }
0x479: {  	v5 =	vld [tilespmem:s25+$0x0];
	(v2sf) =	vpush v4, $0xF;
	s26 =	smov.u32 s24;
	p2 =	sne.s32 s24, $0x0;
	s24 =	sadd.s32 $0xFFFFFFFF, s24  }
.Ltmp36:
0x47a: {  	s16 =	smov.u32 @p1 s22;
	s22 =	smov.u32 s21;
	(pc) =	sbr.rel @p2 .LBB2_74-.Ltmp36, $4  }
0x47b: {  	s21 =	smov.u32 s20;
	s20 =	smov.u32 s19;
	s22 =	smov.u32 @p0 s16  }
0x47c: {  	s19 =	smov.u32 s17;
	s17 =	smov.u32 s26;
	s28 =	spop (v2sf)  }
0x47d: {  	s23 =	sadd.s32 s23, s28  }
0x47e: {  	s25 =	sadd.s32 $0xFFFFFFF0, s25;
	(xrf0) =	vadd.scan.msk.s32 $0xffff, v5;
	v4, _, _ =	vpop (xrf0);
	p1 =	sge.s32 s23, s18  }
0x47f: {  	_ =	sdelay $0x3  }
0x480: {  	(v2sf) =	vpush v4, $0xF  }
0x481: {  	v4, _, _ =	vpop (xrf0)  }
0x482: {  	(v2sf) =	vpush v4, $0xF;
	_ =	sdelay $0x8  }
0x483: {  	s24 =	spop (v2sf);
	s16 =	smov.u32 @p1 s22  }
0x484: {  	p0 =	por p0, p1;
	s30 =	simm.s32 $0x40;
	s24 =	sadd.s32 s23, s24  }
0x485: {  	s21 =	smov.u32 @p0 s16;
	p1 =	sge.s32 s24, s18;
	s25 =	spop (v2sf)  }
0x486: {  	p0 =	por p0, p1;
	s16 =	smov.u32 @p1 s21;
	s26 =	sadd.s32 s24, s25  }
0x487: {  	s20 =	smov.u32 @p0 s16;
	p1 =	sge.s32 s26, s18;
	s28 =	spop (v2sf)  }
0x488: {  	p0 =	por p0, p1;
	s16 =	smov.u32 @p1 s20;
	s20 =	sadd.s32 s26, s28  }
0x489: {  	s19 =	smov.u32 @p0 s16;
	p1 =	sge.s32 s20, s18;
	s29 =	spop (v2sf)  }
0x48a: {  	v7 =	vld [tilespmem:s30+$0xFFFFFFC0];
	p0 =	por p0, p1;
	s16 =	smov.u32 @p1 s19;
	s31 =	sadd.s32 s20, s29  }
0x48b: {  	s17 =	smov.u32 @p0 s16;
	p0 =	sge.s32 s31, s18  }
0x48c: {  	s15 =	sshll.u32 s15, $0x4;
	v8 =	vld [tilespmem:s30+$0xFFFFFFD0];
	s16 =	smov.u32 @p0 s17  }
0x48d: {  	v5 =	vld [tilespmem:s30+$0x30];
	s15 =	sor.u32 s15, s16  }
0x48e: {  	v9 =	vld [tilespmem:s30+$0xFFFFFFE0];
	v4 =	vmov s15  }
0x48f: {  	v11 =	vld [tilespmem:s30+$0xFFFFFFF0];
	vm4 =	vlt.s32 v4, v7  }
0x490: {  	v10 =	vimm.f32 $0.0e+00;
	v6 =	vld [tilespmem:s30+$0x20];
	v7 =	vnsel vm4, $0x0, v7  }
0x491: {  	v12 =	vld [tilespmem:s30+$0x0];
	vm5 =	vlt.s32 v4, v8;
	v10 =	vadd.f32 v7, v10  }
0x492: {  	v8 =	vnsel vm5, $0x0, v8;
	v7 =	vld [tilespmem:s30+$0x10]  }
0x493: {  	vm6 =	vlt.s32 v4, v9;
	v8 =	vadd.f32 v8, v10  }
0x494: {  	vm3 =	vlt.s32 v4, v11;
	v9 =	vnsel vm6, $0x0, v9  }
0x495: {  	vm0 =	vlt.s32 v4, v5;
	vm1 =	vlt.s32 v4, v6;
	v8 =	vadd.f32 v9, v8  }
0x496: {  	v10 =	vimm.s32 $0x0;
	v9 =	vnsel vm3, $0x0, v11;
	v11 =	vsel vm4, $0x1, v0  }
0x497: {  	vm4 =	vlt.s32 v4, v12;
	vm2 =	vlt.s32 v4, v7;
	v8 =	vadd.f32 v9, v8  }
0x498: {  	v9 =	vadd.s32 v11, v10;
	v10 =	vsel vm5, $0x1, v0;
	v11 =	vnsel vm4, $0x0, v12  }
0x499: {  	s16 =	simm.s32 $0xC0;
	s15 =	simm.s32 $0x0;
	v9 =	vadd.s32 v10, v9;
	v10 =	vsel vm6, $0x1, v0;
	v8 =	vadd.f32 v11, v8  }
.LBB2_76:
0x49a: {  	v11 =	vld [tilespmem:s16+$0xFFFFFFC0];
	s15 =	sadd.s32 $0x8, s15;
	v9 =	vadd.s32 v10, v9;
	v10 =	vsel vm3, $0x1, v0;
	v7 =	vnsel vm2, $0x0, v7  }
0x49b: {  	p0 =	slt.u32 s15, $0x4D8;
	v9 =	vadd.s32 v10, v9;
	v10 =	vsel vm4, $0x1, v0;
	v7 =	vadd.f32 v7, v8  }
0x49c: {  	v6 =	vnsel vm1, $0x0, v6;
	v8 =	vld [tilespmem:s16+$0xFFFFFFD0];
	v9 =	vadd.s32 v10, v9;
	v10 =	vsel vm2, $0x1, v0  }
0x49d: {  	v12 =	vld [tilespmem:s16+$0x30];
	v9 =	vadd.s32 v10, v9;
	v7 =	vadd.f32 v6, v7;
	v6 =	vsel vm1, $0x1, v0  }
0x49e: {  	v5 =	vnsel vm0, $0x0, v5;
	v13 =	vsel vm0, $0x1, v0;
	v10 =	vld [tilespmem:s16+$0xFFFFFFE0];
	v9 =	vadd.s32 v6, v9  }
0x49f: {  	vm4 =	vlt.s32 v4, v11;
	v6 =	vld [tilespmem:s16+$0x20];
	v15 =	vadd.f32 v5, v7;
	v9 =	vadd.s32 v13, v9  }
0x4a0: {  	v7 =	vnsel vm4, $0x0, v11;
	v11 =	vld [tilespmem:s16+$0xFFFFFFF0]  }
0x4a1: {  	v13 =	vadd.f32 v7, v15;
	vm5 =	vlt.s32 v4, v8;
	v7 =	vld [tilespmem:s16+$0x10]  }
0x4a2: {  	v8 =	vnsel vm5, $0x0, v8;
	v14 =	vld [tilespmem:s16+$0x0];
	v5 =	vmov v12  }
0x4a3: {  	v8 =	vadd.f32 v8, v13;
	vm6 =	vlt.s32 v4, v10  }
0x4a4: {  	v10 =	vnsel vm6, $0x0, v10  }
.Ltmp37:
0x4a5: {  	vm0 =	vlt.s32 v4, v5;
	v8 =	vadd.f32 v10, v8;
	vm3 =	vlt.s32 v4, v11;
	(pc) =	sbr.rel @p0 .LBB2_76-.Ltmp37, $4  }
0x4a6: {  	vm1 =	vlt.s32 v4, v6;
	v10 =	vnsel vm3, $0x0, v11;
	vm2 =	vlt.s32 v4, v7  }
0x4a7: {  	v11 =	vsel vm4, $0x1, v0;
	v8 =	vadd.f32 v10, v8;
	vm4 =	vlt.s32 v4, v14  }
0x4a8: {  	v9 =	vadd.s32 v11, v9;
	v10 =	vsel vm5, $0x1, v0;
	v11 =	vnsel vm4, $0x0, v14  }
0x4a9: {  	s16 =	sadd.s32 $0x80, s16;
	v9 =	vadd.s32 v10, v9;
	v10 =	vsel vm6, $0x1, v0;
	v8 =	vadd.f32 v11, v8  }
0x4aa: {  	v9 =	vadd.s32 v10, v9;
	v61 =	vsel vm3, $0x1, v0;
	v7 =	vnsel vm2, $0x0, v7  }
0x4ab: {  	v62 =	vsel vm4, $0x1, v0;
	v9 =	vadd.s32 v61, v9;
	v7 =	vadd.f32 v7, v8  }
0x4ac: {  	v63 =	vsel vm2, $0x1, v0;
	v6 =	vnsel vm1, $0x0, v6;
	v8 =	vadd.s32 v62, v9  }
0x4ad: {  	v8 =	vadd.s32 v63, v8;
	v6 =	vadd.f32 v6, v7;
	v7 =	vsel vm1, $0x1, v0  }
0x4ae: {  	v5 =	vnsel vm0, $0x0, v5;
	v7 =	vadd.s32 v7, v8;
	v8 =	vsel vm0, $0x1, v0  }
0x4af: {  	s15 =	simm.s32 $0x0;
	v6 =	vadd.f32 v5, v6;
	v5 =	vadd.s32 v8, v7  }
.LBB2_78:
0x4b0: {  	s16 =	sshra.s32 s15, $0x2  }
0x4b1: {  	v7 =	vld [tilespmem:s16+$0x4E00];
	_ =	sdelay $0x1  }
0x4b2: {  	p0 =	sne.s32 s15, $0x40  }
.Ltmp38:
0x4b3: {  	_ = 	snop;
	(pc) =	sbr.rel @p0 .LBB2_78-.Ltmp38, $4  }
0x4b4: {  	_ = 	snop  }
0x4b5: {  	vm0 =	vlt.s32 v4, v7  }
0x4b6: {  	v7 =	vnsel vm0, $0x0, v7;
	v8 =	vsel vm0, $0x1, v0  }
0x4b7: {  	s15 =	sadd.s32 $0x40, s15;
	v6 =	vadd.f32 v7, v6;
	v5 =	vadd.s32 v8, v5  }
0x4b8: {  	(xrf2) =	vadd.scan.msk.f32 $0xffff, v3  }
0x4b9: {  	(xrf2) =	vadd.scan.msk.f32 $0xffff, v6;
	_ =	sdelay $0x4  }
0x4ba: {  	(xrf0) =	vadd.scan.msk.s32 $0xffff, v5;
	_ =	sdelay $0x3  }
0x4bb: {  	v3, _, _ =	vpop (xrf2)  }
0x4bc: {  	(v2sf) =	vpush v3, $0xF;
	v3, _, _ =	vpop (xrf2)  }
0x4bd: {  	(v2sf) =	vpush v3, $0xF;
	v3, _, _ =	vpop (xrf0)  }
0x4be: {  	(v2sf) =	vpush v3, $0xF;
	_ =	sdelay $0xc  }
0x4bf: {  	s15 =	spop (v2sf)  }
0x4c0: {  	s16 =	spop (v2sf)  }
0x4c1: {  	s17 =	spop (v2sf)  }
0x4c2: {  	s17 =	ssub.s32 s14, s17  }
0x4c3: {  	v3 =	vmov s17  }
0x4c4: {  	v3 =	vcvt.s32.f32 v3;
	_ =	sdelay $0x1  }
0x4c5: {  	v3 =	vbroadcast v3, $0x0;
	_ =	sdelay $0x1  }
0x4c6: {  	v3 =	vmul.f32 v4, v3  }
0x4c7: {  	p0 =	sgt.s32 s14, $0x0;
	s31 =	sadd.f32 s16, s15  }
0x4c8: {  	v3 =	vpsel !p0, $0x0, v3  }
0x4c9: {  	v3 =	vadd.f32 s31, v3  }
0x4ca: {  	s13 =	sadd.s32 $0x1, s13  }
0x4cb: {  	p0 =	sne.s32 s13, s6;
	[tilespmem:$0xBD00] =	vst v3  }
0x4cc: {  	[hbm4b:s5+s2] =	stream.linear.scatter [tilespmem:s12], [sflag:$0x1], $0x80, $0x38;
	[tilespmem:$0xBD80] =	vst v63  }
.Ltmp39:
0x4cd: {  	_ = 	snop;
	(pc) =	sbr.rel @p0 .LBB2_1-.Ltmp39, $4  }
.Ltmp40:
0x4ce: {  	_ = 	snop;
	(pc) =	sbr.rel @!p0 .LBB2_80-.Ltmp40, $4  }
0x4cf: {  	_ =	swait.ge [sflag:s9], $0x80  }
0x4d0: {  	[sflag:s9] =	ssyncset.done $0x0  }
0x4d1: {  	[sflag:s9] =	ssyncadd.s32 $0xFFFFFF80  }
0x4d2: {  	_ = 	snop  }
.LBB2_10:
0x4d3: {  	p0 =	por $0x0, $0x0  }
0x4d4: {  	s17 =	simm.s32 @!p0 $0x0  }
0x4d5: {  	s17 =	simm.s32 @p0 $0x1;
	p0 =	por $0x0, $0x0  }
.Ltmp41:
0x4d6: {  	[smem:$0x7FB] =	sst s17;
	s17 =	simm.s32 @!p0 $0x0;
	(pc) =	sbr.rel .LBB2_23-.Ltmp41, $4  }
0x4d7: {  	p1 =	por $0x0, $0x0;
	s20 =	smov.u32 s18;
	s17 =	simm.s32 @p0 $0x1  }
0x4d8: {  	s21 =	simm.s32 $0x0;
	[smem:$0x7FC] =	sst s17;
	s17 =	simm.s32 @!p1 $0x0  }
0x4d9: {  	p5 =	por $0x0, $0x0;
	s23 =	simm.s32 $0x0;
	s17 =	simm.s32 @p1 $0x1  }
0x4da: {  	p0 =	por $0x0, $0x0;
	[smem:$0x7FD] =	sst s17;
	s17 =	simm.s32 $0x0  }
.LBB2_32:
0x4db: {  	p0 =	por $0x0, $0x0  }
0x4dc: {  	s17 =	simm.s32 @!p0 $0x0  }
0x4dd: {  	s17 =	simm.s32 @p0 $0x1;
	p0 =	por $0x0, $0x0  }
.Ltmp42:
0x4de: {  	[smem:$0x7F8] =	sst s17;
	s17 =	simm.s32 @!p0 $0x0;
	(pc) =	sbr.rel .LBB2_45-.Ltmp42, $4  }
0x4df: {  	p1 =	por $0x0, $0x0;
	s21 =	smov.u32 s19;
	s17 =	simm.s32 @p0 $0x1  }
0x4e0: {  	s22 =	simm.s32 $0x0;
	[smem:$0x7F9] =	sst s17;
	s17 =	simm.s32 @!p1 $0x0  }
0x4e1: {  	p5 =	por $0x0, $0x0;
	s24 =	simm.s32 $0x0;
	s17 =	simm.s32 @p1 $0x1  }
0x4e2: {  	p0 =	por $0x0, $0x0;
	[smem:$0x7FA] =	sst s17;
	s17 =	simm.s32 $0x0  }
.LBB2_54:
0x4e3: {  	p0 =	por $0x0, $0x0  }
0x4e4: {  	s18 =	simm.s32 @!p0 $0x0  }
0x4e5: {  	s18 =	simm.s32 @p0 $0x1;
	p0 =	por $0x0, $0x0  }
.Ltmp43:
0x4e6: {  	[smem:$0x7F5] =	sst s18;
	s18 =	simm.s32 @!p0 $0x0;
	(pc) =	sbr.rel .LBB2_67-.Ltmp43, $4  }
0x4e7: {  	p1 =	por $0x0, $0x0;
	s21 =	smov.u32 s19;
	s18 =	simm.s32 @p0 $0x1  }
0x4e8: {  	s22 =	simm.s32 $0x0;
	[smem:$0x7F6] =	sst s18;
	s18 =	simm.s32 @!p1 $0x0  }
0x4e9: {  	p5 =	por $0x0, $0x0;
	s24 =	simm.s32 $0x0;
	s18 =	simm.s32 @p1 $0x1  }
0x4ea: {  	p0 =	por $0x0, $0x0;
	[smem:$0x7F7] =	sst s18;
	s18 =	simm.s32 $0x0  }
.LBB2_12:
0x4eb: {  	p0 =	por $0x1, $0x1  }
0x4ec: {  	s17 =	simm.s32 @!p0 $0x0  }
0x4ed: {  	s17 =	simm.s32 @p0 $0x1;
	p0 =	por $0x0, $0x0  }
.Ltmp44:
0x4ee: {  	[smem:$0x7FB] =	sst s17;
	s17 =	simm.s32 @!p0 $0x0;
	(pc) =	sbr.rel .LBB2_23-.Ltmp44, $4  }
0x4ef: {  	p1 =	por $0x0, $0x0;
	s20 =	smov.u32 s18;
	s17 =	simm.s32 @p0 $0x1  }
0x4f0: {  	s21 =	simm.s32 $0x0;
	[smem:$0x7FC] =	sst s17;
	s17 =	simm.s32 @!p1 $0x0  }
0x4f1: {  	p5 =	por $0x0, $0x0;
	s23 =	simm.s32 $0x0;
	s17 =	simm.s32 @p1 $0x1  }
0x4f2: {  	p0 =	por $0x0, $0x0;
	v4 =	vmov v6;
	[smem:$0x7FD] =	sst s17;
	s17 =	simm.s32 $0x0  }
.LBB2_34:
0x4f3: {  	p0 =	por $0x1, $0x1  }
0x4f4: {  	s17 =	simm.s32 @!p0 $0x0  }
0x4f5: {  	s17 =	simm.s32 @p0 $0x1;
	p0 =	por $0x0, $0x0  }
.Ltmp45:
0x4f6: {  	[smem:$0x7F8] =	sst s17;
	s17 =	simm.s32 @!p0 $0x0;
	(pc) =	sbr.rel .LBB2_45-.Ltmp45, $4  }
0x4f7: {  	p1 =	por $0x0, $0x0;
	s21 =	smov.u32 s19;
	s17 =	simm.s32 @p0 $0x1  }
0x4f8: {  	s22 =	simm.s32 $0x0;
	[smem:$0x7F9] =	sst s17;
	s17 =	simm.s32 @!p1 $0x0  }
0x4f9: {  	p5 =	por $0x0, $0x0;
	s24 =	simm.s32 $0x0;
	s17 =	simm.s32 @p1 $0x1  }
0x4fa: {  	p0 =	por $0x0, $0x0;
	v4 =	vmov v6;
	[smem:$0x7FA] =	sst s17;
	s17 =	simm.s32 $0x0  }
.LBB2_56:
0x4fb: {  	p0 =	por $0x1, $0x1  }
0x4fc: {  	s18 =	simm.s32 @!p0 $0x0  }
0x4fd: {  	s18 =	simm.s32 @p0 $0x1;
	p0 =	por $0x0, $0x0  }
.Ltmp46:
0x4fe: {  	[smem:$0x7F5] =	sst s18;
	s18 =	simm.s32 @!p0 $0x0;
	(pc) =	sbr.rel .LBB2_67-.Ltmp46, $4  }
0x4ff: {  	p1 =	por $0x0, $0x0;
	s21 =	smov.u32 s19;
	s18 =	simm.s32 @p0 $0x1  }
0x500: {  	s22 =	simm.s32 $0x0;
	[smem:$0x7F6] =	sst s18;
	s18 =	simm.s32 @!p1 $0x0  }
0x501: {  	p5 =	por $0x0, $0x0;
	s24 =	simm.s32 $0x0;
	s18 =	simm.s32 @p1 $0x1  }
0x502: {  	p0 =	por $0x0, $0x0;
	v4 =	vmov v6;
	[smem:$0x7F7] =	sst s18;
	s18 =	simm.s32 $0x0  }
.LBB2_14:
0x503: {  	s17 =	simm.s32 @!p0 $0x0  }
0x504: {  	s17 =	simm.s32 @p0 $0x1;
	p0 =	por $0x1, $0x1  }
.Ltmp47:
0x505: {  	[smem:$0x7FB] =	sst s17;
	s17 =	simm.s32 @!p0 $0x0;
	(pc) =	sbr.rel .LBB2_23-.Ltmp47, $4  }
0x506: {  	p1 =	por $0x0, $0x0;
	s20 =	smov.u32 s18;
	s17 =	simm.s32 @p0 $0x1  }
0x507: {  	s21 =	simm.s32 $0x0;
	[smem:$0x7FC] =	sst s17;
	s17 =	simm.s32 @!p1 $0x0  }
0x508: {  	p5 =	por $0x0, $0x0;
	s23 =	simm.s32 $0x0;
	s17 =	simm.s32 @p1 $0x1  }
0x509: {  	p0 =	por $0x0, $0x0;
	[smem:$0x7FD] =	sst s17;
	s17 =	simm.s32 $0x0  }
.LBB2_36:
0x50a: {  	s17 =	simm.s32 @!p0 $0x0  }
0x50b: {  	s17 =	simm.s32 @p0 $0x1;
	p0 =	por $0x1, $0x1  }
.Ltmp48:
0x50c: {  	[smem:$0x7F8] =	sst s17;
	s17 =	simm.s32 @!p0 $0x0;
	(pc) =	sbr.rel .LBB2_45-.Ltmp48, $4  }
0x50d: {  	p1 =	por $0x0, $0x0;
	s21 =	smov.u32 s19;
	s17 =	simm.s32 @p0 $0x1  }
0x50e: {  	s22 =	simm.s32 $0x0;
	[smem:$0x7F9] =	sst s17;
	s17 =	simm.s32 @!p1 $0x0  }
0x50f: {  	p5 =	por $0x0, $0x0;
	s24 =	simm.s32 $0x0;
	s17 =	simm.s32 @p1 $0x1  }
0x510: {  	p0 =	por $0x0, $0x0;
	[smem:$0x7FA] =	sst s17;
	s17 =	simm.s32 $0x0  }
.LBB2_58:
0x511: {  	s18 =	simm.s32 @!p0 $0x0  }
0x512: {  	s18 =	simm.s32 @p0 $0x1;
	p0 =	por $0x1, $0x1  }
.Ltmp49:
0x513: {  	[smem:$0x7F5] =	sst s18;
	s18 =	simm.s32 @!p0 $0x0;
	(pc) =	sbr.rel .LBB2_67-.Ltmp49, $4  }
0x514: {  	p1 =	por $0x0, $0x0;
	s21 =	smov.u32 s19;
	s18 =	simm.s32 @p0 $0x1  }
0x515: {  	s22 =	simm.s32 $0x0;
	[smem:$0x7F6] =	sst s18;
	s18 =	simm.s32 @!p1 $0x0  }
0x516: {  	p5 =	por $0x0, $0x0;
	s24 =	simm.s32 $0x0;
	s18 =	simm.s32 @p1 $0x1  }
0x517: {  	p0 =	por $0x0, $0x0;
	[smem:$0x7F7] =	sst s18;
	s18 =	simm.s32 $0x0  }
.LBB2_16:
.Ltmp50:
0x518: {  	_ = 	snop;
	(pc) =	sbr.rel .LBB2_23-.Ltmp50, $4  }
0x519: {  	p1 =	por $0x0, $0x0  }
0x51a: {  	s20 =	smov.u32 s18;
	s17 =	simm.s32 @!p1 $0x0  }
0x51b: {  	s21 =	simm.s32 $0x0;
	p5 =	por $0x0, $0x0;
	s17 =	simm.s32 @p1 $0x1  }
0x51c: {  	s23 =	simm.s32 $0x0;
	[smem:$0x7FD] =	sst s17;
	s17 =	simm.s32 $0x0;
	v4 =	vmov v6  }
0x51d: {  	_ = 	snop  }
.LBB2_38:
.Ltmp51:
0x51e: {  	_ = 	snop;
	(pc) =	sbr.rel .LBB2_45-.Ltmp51, $4  }
0x51f: {  	p1 =	por $0x0, $0x0  }
0x520: {  	s21 =	smov.u32 s19;
	s17 =	simm.s32 @!p1 $0x0  }
0x521: {  	s22 =	simm.s32 $0x0;
	p5 =	por $0x0, $0x0;
	s17 =	simm.s32 @p1 $0x1  }
0x522: {  	s24 =	simm.s32 $0x0;
	[smem:$0x7FA] =	sst s17;
	s17 =	simm.s32 $0x0;
	v4 =	vmov v6  }
0x523: {  	_ = 	snop  }
.LBB2_60:
.Ltmp52:
0x524: {  	_ = 	snop;
	(pc) =	sbr.rel .LBB2_67-.Ltmp52, $4  }
0x525: {  	p1 =	por $0x0, $0x0  }
0x526: {  	s21 =	smov.u32 s19;
	s18 =	simm.s32 @!p1 $0x0  }
0x527: {  	s22 =	simm.s32 $0x0;
	p5 =	por $0x0, $0x0;
	s18 =	simm.s32 @p1 $0x1  }
0x528: {  	s24 =	simm.s32 $0x0;
	[smem:$0x7F7] =	sst s18;
	s18 =	simm.s32 $0x0;
	v4 =	vmov v6  }
0x529: {  	_ = 	snop  }
.LBB2_18:
.Ltmp53:
0x52a: {  	(pc) =	sbr.rel .LBB2_23-.Ltmp53, $4  }
0x52b: {  	_ = 	snop  }
0x52c: {  	s17 =	simm.s32 $0x0  }
0x52d: {  	s21 =	simm.s32 $0x0;
	s22 =	smov.u32 s19;
	s20 =	smov.u32 s18  }
0x52e: {  	p5 =	por $0x0, $0x0;
	s24 =	simm.s32 $0x0;
	s23 =	simm.s32 $0x0  }
.LBB2_40:
.Ltmp54:
0x52f: {  	(pc) =	sbr.rel .LBB2_45-.Ltmp54, $4  }
0x530: {  	_ = 	snop  }
0x531: {  	s17 =	simm.s32 $0x0  }
0x532: {  	s22 =	simm.s32 $0x0;
	s23 =	smov.u32 s20;
	s21 =	smov.u32 s19  }
0x533: {  	p5 =	por $0x0, $0x0;
	s25 =	simm.s32 $0x0;
	s24 =	simm.s32 $0x0  }
.LBB2_62:
.Ltmp55:
0x534: {  	(pc) =	sbr.rel .LBB2_67-.Ltmp55, $4  }
0x535: {  	_ = 	snop  }
0x536: {  	s18 =	simm.s32 $0x0  }
0x537: {  	s22 =	simm.s32 $0x0;
	s23 =	smov.u32 s20;
	s21 =	smov.u32 s19  }
0x538: {  	p5 =	por $0x0, $0x0;
	s25 =	simm.s32 $0x0;
	s24 =	simm.s32 $0x0  }
.LBB2_20:
.Ltmp56:
0x539: {  	(pc) =	sbr.rel .LBB2_23-.Ltmp56, $3  }
0x53a: {  	_ =	sdelay $0x1  }
0x53b: {  	s20 =	smov.u32 s18  }
0x53c: {  	s21 =	simm.s32 $0x0;
	p5 =	por $0x0, $0x0;
	s24 =	smov.u32 s17  }
.LBB2_42:
.Ltmp57:
0x53d: {  	(pc) =	sbr.rel .LBB2_45-.Ltmp57, $3  }
0x53e: {  	_ =	sdelay $0x1  }
0x53f: {  	s21 =	smov.u32 s19  }
0x540: {  	s22 =	simm.s32 $0x0;
	p5 =	por $0x0, $0x0;
	s25 =	smov.u32 s17  }
.LBB2_64:
.Ltmp58:
0x541: {  	(pc) =	sbr.rel .LBB2_67-.Ltmp58, $3  }
0x542: {  	_ =	sdelay $0x1  }
0x543: {  	s21 =	smov.u32 s19  }
0x544: {  	s22 =	simm.s32 $0x0;
	p5 =	por $0x0, $0x0;
	s25 =	smov.u32 s18  }
.LBB2_80:
0x545: {  	_ =	sfence.sel $0x180000  }
0x546: {  	[bflag:$0x0] =	sbarrier.arrive $0xFFFF  }
0x547: {  	p0 =	sne.s32 s1, $0x0;
	_ =	strace $0x90000047  }
0x548: {  	s0 =	sadd.s32 @!p0 $0x100000, s0;
	[bflag:$0x2] =	sbarrier.arrive $0xFFFF  }
0x549: {  	[sflag:s0] =	ssyncadd.tile.s32 @!p0 $0x1;
	_ =	shalt  }
.Lfunc_end2:
_tile_overlayer_lowered:
.L_overlay_start_2:
0x54a: {  	(tag) =	ssettag $0x2  }
0x54b: {  	s0 =	rddreg [dreg:$0x0];
	s2 =	stileid.u32  }
0x54c: {  	s1 =	rddreg [dreg:$0x1];
	p0 =	sne.s32 s2, $0x0  }
0x54d: {  	s3 =	rddreg [dreg:$0x2];
	[bflag:$0x3] =	sbarrier.arrive $0xFFFF;
	s2 =	simm.s32 @!p0 $0x1C01  }
0x54e: {  	[timem:s3], [sflag:s2] =	dma.local @!p0 [hbm:s0], s1  }
0x54f: {  	s0 =	simm.s32 @!p0 $0x1  }
0x550: {  	_ =	swait.ge @!p0 [sflag:s0], s1  }
0x551: {  	s1 =	ssub.s32 @!p0 $0x0, s1;
	[sflag:s0] =	ssyncset.done @!p0 $0x0  }
0x552: {  	[sflag:s0] =	ssyncadd.s32 @!p0 s1  }
0x553: {  	[bflag:$0x3] =	sbarrier.arrive $0xFFFF  }
0x554: {  	_ =	shalt  }

</sc_bundles>
